<compile_context>
chip_gen: v7x
topology: tpu7x:2x2x1
jax: 0.10.2.dev20260603
libtpu: 0.0.44.dev20260713+nightly
codegen_flags: <defaults>
</compile_context>

<pallas_src>
import functools

import jax
import jax.numpy as jnp
from jax import lax
from jax.experimental import pallas as pl
from jax.experimental.pallas import tpu as pltpu
from jax.experimental.pallas import tpu_sc as plsc

_PT = (0.6, 0.7, 0.8, 0.9)
_B = 16384
_H = 5
_D = 1024
_DW = 1152
_DO = 512
_T = 256
_NTOT = _B + _H * _T
_NT = _NTOT // _T
_NHPAD = 80
_NC = 2
_NS = 16
_NW = _NC * _NS
_R = _B // _NW
_NG = _R // 16
_NBUF = 4

_mesh = plsc.VectorSubcoreMesh(core_axis_name="c", subcore_axis_name="s")
_sc_params = pltpu.CompilerParams(needs_layout_passes=False)


@functools.partial(
    pl.kernel, mesh=_mesh, compiler_params=_sc_params,
    out_type=[jax.ShapeDtypeStruct((_B,), jnp.int32),
              jax.ShapeDtypeStruct((_NW * 16,), jnp.int32)],
    scratch_types=[pltpu.VMEM((_R,), jnp.float32),
                   pltpu.VMEM((_R,), jnp.int32),
                   pltpu.VMEM((16,), jnp.int32)],
)
def _sc_bin_hist(t_hbm, bins_hbm, hist_hbm, t_v, bins_v, hist_v):
    wid = lax.axis_index("s") * _NC + lax.axis_index("c")
    base = wid * _R
    lane = lax.iota(jnp.int32, 16)
    pltpu.sync_copy(t_hbm.at[pl.ds(base, _R)], t_v)

    def body(g, hist):
        tv = t_v[pl.ds(g * 16, 16)]
        bv = sum((tv >= p).astype(jnp.int32) for p in _PT)
        bins_v[pl.ds(g * 16, 16)] = bv
        for h in range(_H):
            cnt = jnp.sum((bv == h).astype(jnp.int32))
            hist = hist + jnp.where(lane == h, cnt, 0)
        return hist

    hist = lax.fori_loop(0, _NG, body, jnp.zeros((16,), jnp.int32))
    hist_v[...] = hist
    pltpu.sync_copy(bins_v, bins_hbm.at[pl.ds(base, _R)])
    pltpu.sync_copy(hist_v, hist_hbm.at[pl.ds(wid * 16, 16)])


@functools.partial(
    pl.kernel, mesh=_mesh, compiler_params=_sc_params,
    out_type=[jax.ShapeDtypeStruct((_NTOT, _DW), jnp.float32),
              jax.ShapeDtypeStruct((_B,), jnp.int32),
              jax.ShapeDtypeStruct((_NHPAD,), jnp.int32)],
    scratch_types=[pltpu.VMEM((_NW * 16,), jnp.int32),
                   pltpu.VMEM((_R,), jnp.int32),
                   pltpu.VMEM((_R,), jnp.int32),
                   pltpu.VMEM((_R,), jnp.float32),
                   pltpu.VMEM((_NBUF, 16, _DW), jnp.float32),
                   pltpu.VMEM((_NHPAD,), jnp.int32),
                   pltpu.SemaphoreType.DMA,
                   pltpu.SemaphoreType.DMA,
                   pltpu.SemaphoreType.DMA,
                   pltpu.SemaphoreType.DMA,
                   pltpu.SemaphoreType.DMA,
                   pltpu.SemaphoreType.DMA,
                   pltpu.SemaphoreType.DMA,
                   pltpu.SemaphoreType.DMA],
)
def _sc_route(bins_hbm, hist_hbm, x_hbm, xl_hbm,
              xs_hbm, dst_hbm, head_hbm,
              hist_v, bins_v, dst_v, xl_v, xrow_v, head_v,
              sg0, sg1, sg2, sg3, ss0, ss1, ss2, ss3):
    wid = lax.axis_index("s") * _NC + lax.axis_index("c")
    base = wid * _R
    lane = lax.iota(jnp.int32, 16)
    zeros16 = jnp.zeros((16,), jnp.int32)
    zerosf16 = jnp.zeros((16,), jnp.float32)
    sem_g = (sg0, sg1, sg2, sg3)
    sem_s = (ss0, ss1, ss2, ss3)

    def zinit(r, carry):
        for b in range(_NBUF):
            for q in range((_DW - _D) // 16):
                xrow_v[b, r, pl.ds(_D + q * 16, 16)] = zerosf16
        return carry

    lax.fori_loop(0, 16, zinit, jnp.int32(0))

    def start_gather(b, g):
        pltpu.async_copy(
            x_hbm.at[pl.ds(base + g * 16, 16), pl.ds(0, _D)],
            xrow_v.at[b, :, pl.ds(0, _D)], sem_g[b])

    for b in range(_NBUF):
        start_gather(b, b)

    pltpu.sync_copy(hist_hbm, hist_v)
    pltpu.sync_copy(bins_hbm.at[pl.ds(base, _R)], bins_v)
    pltpu.sync_copy(xl_hbm.at[pl.ds(base, _R)], xl_v)

    def acc(wp, carry):
        tot, mycum = carry
        row = hist_v[pl.ds(wp * 16, 16)]
        return tot + row, mycum + jnp.where(wp < wid, row, 0)

    tot, mycum = lax.fori_loop(0, _NW, acc, (zeros16, zeros16))

    rt = ((tot + (_T - 1)) // _T) * _T
    pexc = jnp.cumsum(rt) - rt
    off = pexc + mycum

    offs = [jnp.sum(jnp.where(lane == h, off, 0)) for h in range(_H)]
    pstarts = [jnp.sum(jnp.where(lane == h, pexc, 0)) // _T
               for h in range(1, _H)]

    @pl.when(wid == 0)
    def _():
        for v in range(_NHPAD // 16):
            tiles = lane + v * 16
            hv = zeros16
            for ps in pstarts:
                hv = hv + (tiles >= ps).astype(jnp.int32)
            head_v[pl.ds(v * 16, 16)] = hv
        pltpu.sync_copy(head_v, head_hbm)

    def rank_body(g, carrys):
        bv = bins_v[pl.ds(g * 16, 16)]
        dst = zeros16
        new = []
        for h in range(_H):
            m = (bv == h).astype(jnp.int32)
            cs = jnp.cumsum(m)
            dst = dst + m * (offs[h] + carrys[h] + cs - 1)
            new.append(carrys[h] + jnp.sum(m))
        dst_v[pl.ds(g * 16, 16)] = dst
        return tuple(new)

    lax.fori_loop(0, _NG, rank_body, (jnp.int32(0),) * _H)

    def wait_scatter(b):
        pltpu.make_async_copy(xrow_v.at[b], xs_hbm.at[pl.ds(0, 16)],
                              sem_s[b]).wait()

    @pl.loop(0, _NG, step=_NBUF)
    def move(go):
        for b in range(_NBUF):
            g = go + b
            pltpu.make_async_copy(
                x_hbm.at[pl.ds(0, 16), pl.ds(0, _D)],
                xrow_v.at[b, :, pl.ds(0, _D)], sem_g[b]).wait()
            xlg = xl_v[pl.ds(g * 16, 16)]
            plsc.store_scatter(
                xrow_v,
                [jnp.full((16,), b, jnp.int32), lane,
                 jnp.full((16,), _D, jnp.int32)], xlg)
            dg = dst_v[pl.ds(g * 16, 16)]
            pltpu.async_copy(xrow_v.at[b], xs_hbm.at[dg], sem_s[b])
            gpre = g + _NBUF - 2
            bpre = (b + _NBUF - 2) % _NBUF

            @pl.when(jnp.logical_and(gpre >= _NBUF, gpre < _NG))
            def _():
                wait_scatter(bpre)
                start_gather(bpre, gpre)

    pltpu.sync_copy(dst_v, dst_hbm.at[pl.ds(base, _R)])
    for b in range(_NBUF):
        wait_scatter(b)


@functools.partial(
    pl.kernel, mesh=_mesh, compiler_params=_sc_params,
    out_type=jax.ShapeDtypeStruct((_B, _DO), jnp.float32),
    scratch_types=[pltpu.VMEM((_R,), jnp.int32),
                   pltpu.VMEM((_NBUF, 16, _DO), jnp.float32),
                   pltpu.SemaphoreType.DMA,
                   pltpu.SemaphoreType.DMA,
                   pltpu.SemaphoreType.DMA,
                   pltpu.SemaphoreType.DMA,
                   pltpu.SemaphoreType.DMA,
                   pltpu.SemaphoreType.DMA,
                   pltpu.SemaphoreType.DMA,
                   pltpu.SemaphoreType.DMA],
)
def _sc_unsort(dst_hbm, ys_hbm, out_hbm, dst_v, row_v,
               sg0, sg1, sg2, sg3, so0, so1, so2, so3):
    wid = lax.axis_index("s") * _NC + lax.axis_index("c")
    base = wid * _R
    sem_g = (sg0, sg1, sg2, sg3)
    sem_o = (so0, so1, so2, so3)
    pltpu.sync_copy(dst_hbm.at[pl.ds(base, _R)], dst_v)

    def start_gather(b, g):
        dg = dst_v[pl.ds(g * 16, 16)]
        pltpu.async_copy(ys_hbm.at[dg], row_v.at[b], sem_g[b])

    def wait_out(b):
        pltpu.make_async_copy(row_v.at[b], out_hbm.at[pl.ds(0, 16)],
                              sem_o[b]).wait()

    for b in range(_NBUF):
        start_gather(b, b)

    @pl.loop(0, _NG, step=_NBUF)
    def move(go):
        for b in range(_NBUF):
            g = go + b
            pltpu.make_async_copy(
                ys_hbm.at[pl.ds(0, 16)], row_v.at[b], sem_g[b]).wait()
            pltpu.async_copy(row_v.at[b],
                             out_hbm.at[pl.ds(base + g * 16, 16)], sem_o[b])
            gpre = g + _NBUF - 2
            bpre = (b + _NBUF - 2) % _NBUF

            @pl.when(jnp.logical_and(gpre >= _NBUF, gpre < _NG))
            def _():
                wait_out(bpre)
                start_gather(bpre, gpre)

    for b in range(_NBUF):
        wait_out(b)


def _tc_body(head_ref, xs_ref, w0_ref, b0_ref,
             w1_ref, b1_ref, t1_ref, w2_ref, b2_ref, t2_ref, out_ref):
    x = xs_ref[:]
    t = xs_ref[:, 0:1]
    h = jnp.maximum(
        jnp.dot(x, w0_ref[0], preferred_element_type=jnp.float32)
        + b0_ref[0, 0], 0.0)
    h = jnp.maximum(
        jnp.dot(h, w1_ref[0], preferred_element_type=jnp.float32)
        + t * t1_ref[0, 0] + b1_ref[0, 0], 0.0)
    out_ref[:] = jnp.maximum(
        jnp.dot(h, w2_ref[0], preferred_element_type=jnp.float32)
        + t * t2_ref[0, 0] + b2_ref[0, 0], 0.0)


def _tc_mlp(head, xs, W0f, b0, W1, b1, tw1, W2, b2, tw2):
    grid_spec = pltpu.PrefetchScalarGridSpec(
        num_scalar_prefetch=1,
        grid=(_NT,),
        in_specs=[
            pl.BlockSpec((_T, _DW), lambda i, hd: (i, 0)),
            pl.BlockSpec((1, _DW, _D), lambda i, hd: (hd[i], 0, 0)),
            pl.BlockSpec((1, 1, _D), lambda i, hd: (hd[i], 0, 0)),
            pl.BlockSpec((1, _D, _D), lambda i, hd: (hd[i], 0, 0)),
            pl.BlockSpec((1, 1, _D), lambda i, hd: (hd[i], 0, 0)),
            pl.BlockSpec((1, 1, _D), lambda i, hd: (hd[i], 0, 0)),
            pl.BlockSpec((1, _D, _DO), lambda i, hd: (hd[i], 0, 0)),
            pl.BlockSpec((1, 1, _DO), lambda i, hd: (hd[i], 0, 0)),
            pl.BlockSpec((1, 1, _DO), lambda i, hd: (hd[i], 0, 0)),
        ],
        out_specs=pl.BlockSpec((_T, _DO), lambda i, hd: (i, 0)),
    )
    return pl.pallas_call(
        _tc_body,
        grid_spec=grid_spec,
        out_shape=jax.ShapeDtypeStruct((_NTOT, _DO), jnp.float32),
        compiler_params=pltpu.CompilerParams(
            dimension_semantics=("arbitrary",),
        ),
    )(head, xs, W0f, b0, W1, b1, tw1, W2, b2, tw2)


def kernel(x, W0, b0, tw0, W1, b1, tw1, W2, b2, tw2):
    t_all = x[:, 0]
    xlast = x[:, _D]
    W0f = jnp.concatenate(
        [tw0, W0, jnp.zeros((_H, _DW - _D - 1, _D), W0.dtype)], axis=1)
    b0r = b0.reshape(_H, 1, _D)
    b1r = b1.reshape(_H, 1, _D)
    b2r = b2.reshape(_H, 1, _DO)

    bins, hist = _sc_bin_hist(t_all)
    xs, dst, head = _sc_route(bins, hist, x, xlast)
    ys = _tc_mlp(head, xs, W0f, b0r, W1, b1r, tw1, W2, b2r, tw2)
    return _sc_unsort(dst, ys)

# --- scband reference (transcript-rebuilt; emitter-appended) ---
"""Pipeline reference for scband-multi-head-2216203124964 (READ-ONLY COPY).

The authoritative reference and input builder live on the scoring server;
editing this copy changes nothing except your own understanding.
"""

import jax, jax.numpy as jnp
import numpy as np

H = 5
CFG = [(1024, 1024), (1024, 1024), (1024, 512)]
PT = jnp.array([0.6, 0.7, 0.8, 0.9], dtype=jnp.float32)


def setup_inputs(seed: int = 0) -> dict:
    key = jax.random.key(seed)
    ks = jax.random.split(key, 10)
    x = jax.random.uniform(ks[0], (16384, 1025), dtype=jnp.float32)
    inp = {"x": x}
    i = 1
    for l, (ind, outd) in enumerate(CFG):
        inp[f"W{l}"] = jax.random.uniform(ks[i], (H, ind, outd), dtype=jnp.float32); i += 1
        inp[f"b{l}"] = jax.random.uniform(ks[i], (H, outd), dtype=jnp.float32); i += 1
        inp[f"tw{l}"] = jax.random.uniform(ks[i], (H, 1, outd), dtype=jnp.float32); i += 1
    return inp


def _single_head(x, W0, b0, tw0, W1, b1, tw1, W2, b2, tw2):
    # Treat_Linear stack: each layer splits treatment col, applies linear + treat-weight + bias + relu,
    # re-concatenates treatment except at last layer (islastlayer=1).
    h = x
    layers = [(W0, b0, tw0, False), (W1, b1, tw1, False), (W2, b2, tw2, True)]
    for W, b, tw, is_last in layers:
        x_feat = h[:, 1:]
        x_treat = h[:, 0:1]
        out = jnp.matmul(x_feat, W) + jnp.matmul(x_treat, tw) + b
        out = jax.nn.relu(out)
        if is_last:
            h = out
        else:
            h = jnp.concatenate([x_treat, out], axis=1)
    return h


def reference(x, W0, b0, tw0, W1, b1, tw1, W2, b2, tw2):
    t = x[:, 0]
    # bin assignment per pt = [0.0, 0.6, 0.7, 0.8, 0.9, 1.0] -> head index 0..4
    bins = jnp.digitize(t, PT)
    # run all 5 heads (each with its own params) over the batch
    outs = jax.vmap(
        lambda w0, B0, t0, w1, B1, t1, w2, B2, t2: _single_head(x, w0, B0, t0, w1, B1, t1, w2, B2, t2)
    )(W0, b0, tw0, W1, b1, tw1, W2, b2, tw2)  # [H, B, outdim]
    onehot = jax.nn.one_hot(bins, H, dtype=x.dtype)  # [B, H]
    # equivalent to scatter-adding each head's rows into a zeros buffer (each row in exactly one bin)
    out = jnp.einsum('hbd,bh->bd', outs, onehot)
    return out

if __name__ == "__main__":
    import jax
    _d = setup_inputs()
    print(jax.jit(kernel)(*tuple(_d.values())))

</pallas_src>

<mosaic_0001>
#map = affine_map<(d0, d1) -> (0)>
#map1 = affine_map<(d0, d1) -> (0, 0)>
module attributes {stable_mosaic.version = 14 : i64} {
  func.func @_sc_unsort(%arg0: i32, %arg1: i32, %arg2: memref<16384xi32, #tpu.memory_space<hbm>>, %arg3: memref<17664x512xf32, #tpu.memory_space<hbm>>, %arg4: memref<16384x512xf32, #tpu.memory_space<hbm>>, %arg5: memref<512xi32, #tpu.memory_space<vmem>>, %arg6: memref<4x16x512xf32, #tpu.memory_space<vmem>>, %arg7: memref<!tpu.dma_semaphore, #tpu.memory_space<semaphore_mem>>, %arg8: memref<!tpu.dma_semaphore, #tpu.memory_space<semaphore_mem>>, %arg9: memref<!tpu.dma_semaphore, #tpu.memory_space<semaphore_mem>>, %arg10: memref<!tpu.dma_semaphore, #tpu.memory_space<semaphore_mem>>, %arg11: memref<!tpu.dma_semaphore, #tpu.memory_space<semaphore_mem>>, %arg12: memref<!tpu.dma_semaphore, #tpu.memory_space<semaphore_mem>>, %arg13: memref<!tpu.dma_semaphore, #tpu.memory_space<semaphore_mem>>, %arg14: memref<!tpu.dma_semaphore, #tpu.memory_space<semaphore_mem>>) attributes {dimension_semantics = [#tpu.dimension_semantics<core_parallel>, #tpu.dimension_semantics<subcore_parallel>], iteration_bounds = array<i64: 2, 16>, scalar_prefetch = 0 : i64, scratch_operands = 10 : i64, tpu.core_type = #tpu.core_type<sc_vector_subcore>, window_params = [{transform_indices = #map}, {transform_indices = #map1}, {transform_indices = #map1}]} {
    %mul3A = arith.constant 2 : i32
    %mul3A_0 = arith.muli %arg1, %mul3A : i32
    %add3A = arith.addi %mul3A_0, %arg0 : i32
    %mul3A_1 = arith.constant 512 : i32
    %mul3A_2 = arith.muli %add3A, %mul3A_1 : i32
    "tpu.region"() ({
      %run_scoped3A = tpu.sem_alloc : memref<!tpu.dma_semaphore, #tpu.memory_space<semaphore_mem>>
      %dma_start3A_104 = tpu.memref_slice %arg2[%mul3A_2] : memref<16384xi32, #tpu.memory_space<hbm>> -> memref<512xi32, #tpu.memory_space<hbm>>
      %dma_start3A_105 = tpu.memref_slice %arg2[%mul3A_2] : memref<16384xi32, #tpu.memory_space<hbm>> -> memref<512xi32, #tpu.memory_space<hbm>>
      tpu.enqueue_dma source(%dma_start3A_105 : memref<512xi32, #tpu.memory_space<hbm>>) target(%arg5 : memref<512xi32, #tpu.memory_space<vmem>>) target_semaphore(%run_scoped3A : memref<!tpu.dma_semaphore, #tpu.memory_space<semaphore_mem>>)
      %dma_wait3A_106 = tpu.memref_slice %arg2[%mul3A_2] : memref<16384xi32, #tpu.memory_space<hbm>> -> memref<512xi32, #tpu.memory_space<hbm>>
      %dma_wait3A_107 = tpu.memref_slice %arg2[%mul3A_2] : memref<16384xi32, #tpu.memory_space<hbm>> -> memref<512xi32, #tpu.memory_space<hbm>>
      tpu.wait_dma2 semaphore(%run_scoped3A : memref<!tpu.dma_semaphore, #tpu.memory_space<semaphore_mem>>) src(%dma_wait3A_107 : memref<512xi32, #tpu.memory_space<hbm>>) dst(%arg5 : memref<512xi32, #tpu.memory_space<vmem>>)
      tpu.yield
    }) : () -> ()
    %get3A = arith.constant 0 : index
    %get3A_3 = tpu.vector_load %arg5[%get3A] {strides = array<i32>} : memref<512xi32, #tpu.memory_space<vmem>>, vector<16xi32>,
    %dma_start3A = arith.constant 0 : i32
    %dma_start3A_4 = arith.constant 0 : i32
    %dma_start3A_5 = arith.constant 0 : i32
    %dma_start3A_6 = tpu.memref_slice %arg6[%dma_start3A, %dma_start3A_4, %dma_start3A_5] : memref<4x16x512xf32, #tpu.memory_space<vmem>> -> memref<1x16x512xf32, #tpu.memory_space<vmem>>
    %dma_start3A_7 = tpu.memref_squeeze %dma_start3A_6 : memref<1x16x512xf32, #tpu.memory_space<vmem>> -> memref<16x512xf32, #tpu.memory_space<vmem>>
    %dma_start3A_8 = arith.constant 0 : i32
    %dma_start3A_9 = arith.constant 0 : i32
    %dma_start3A_10 = tpu.memref_slice %arg3[%dma_start3A_8, %dma_start3A_9] : memref<17664x512xf32, #tpu.memory_space<hbm>> -> memref<17664x512xf32, #tpu.memory_space<hbm>>
    tpu.enqueue_indirect_dma source(%dma_start3A_10 : memref<17664x512xf32, #tpu.memory_space<hbm>>) target(%dma_start3A_7 : memref<16x512xf32, #tpu.memory_space<vmem>>) offsets(%get3A_3 : vector<16xi32>) semaphore(%arg7 : memref<!tpu.dma_semaphore, #tpu.memory_space<semaphore_mem>>)
    %get3A_11 = arith.constant 16 : index
    %get3A_12 = tpu.vector_load %arg5[%get3A_11] {strides = array<i32>} : memref<512xi32, #tpu.memory_space<vmem>>, vector<16xi32>,
    %dma_start3A_13 = arith.constant 1 : i32
    %dma_start3A_14 = arith.constant 0 : i32
    %dma_start3A_15 = arith.constant 0 : i32
    %dma_start3A_16 = tpu.memref_slice %arg6[%dma_start3A_13, %dma_start3A_14, %dma_start3A_15] : memref<4x16x512xf32, #tpu.memory_space<vmem>> -> memref<1x16x512xf32, #tpu.memory_space<vmem>>
    %dma_start3A_17 = tpu.memref_squeeze %dma_start3A_16 : memref<1x16x512xf32, #tpu.memory_space<vmem>> -> memref<16x512xf32, #tpu.memory_space<vmem>>
    %dma_start3A_18 = arith.constant 0 : i32
    %dma_start3A_19 = arith.constant 0 : i32
    %dma_start3A_20 = tpu.memref_slice %arg3[%dma_start3A_18, %dma_start3A_19] : memref<17664x512xf32, #tpu.memory_space<hbm>> -> memref<17664x512xf32, #tpu.memory_space<hbm>>
    tpu.enqueue_indirect_dma source(%dma_start3A_20 : memref<17664x512xf32, #tpu.memory_space<hbm>>) target(%dma_start3A_17 : memref<16x512xf32, #tpu.memory_space<vmem>>) offsets(%get3A_12 : vector<16xi32>) semaphore(%arg8 : memref<!tpu.dma_semaphore, #tpu.memory_space<semaphore_mem>>)
    %get3A_21 = arith.constant 32 : index
    %get3A_22 = tpu.vector_load %arg5[%get3A_21] {strides = array<i32>} : memref<512xi32, #tpu.memory_space<vmem>>, vector<16xi32>,
    %dma_start3A_23 = arith.constant 2 : i32
    %dma_start3A_24 = arith.constant 0 : i32
    %dma_start3A_25 = arith.constant 0 : i32
    %dma_start3A_26 = tpu.memref_slice %arg6[%dma_start3A_23, %dma_start3A_24, %dma_start3A_25] : memref<4x16x512xf32, #tpu.memory_space<vmem>> -> memref<1x16x512xf32, #tpu.memory_space<vmem>>
    %dma_start3A_27 = tpu.memref_squeeze %dma_start3A_26 : memref<1x16x512xf32, #tpu.memory_space<vmem>> -> memref<16x512xf32, #tpu.memory_space<vmem>>
    %dma_start3A_28 = arith.constant 0 : i32
    %dma_start3A_29 = arith.constant 0 : i32
    %dma_start3A_30 = tpu.memref_slice %arg3[%dma_start3A_28, %dma_start3A_29] : memref<17664x512xf32, #tpu.memory_space<hbm>> -> memref<17664x512xf32, #tpu.memory_space<hbm>>
    tpu.enqueue_indirect_dma source(%dma_start3A_30 : memref<17664x512xf32, #tpu.memory_space<hbm>>) target(%dma_start3A_27 : memref<16x512xf32, #tpu.memory_space<vmem>>) offsets(%get3A_22 : vector<16xi32>) semaphore(%arg9 : memref<!tpu.dma_semaphore, #tpu.memory_space<semaphore_mem>>)
    %get3A_31 = arith.constant 48 : index
    %get3A_32 = tpu.vector_load %arg5[%get3A_31] {strides = array<i32>} : memref<512xi32, #tpu.memory_space<vmem>>, vector<16xi32>,
    %dma_start3A_33 = arith.constant 3 : i32
    %dma_start3A_34 = arith.constant 0 : i32
    %dma_start3A_35 = arith.constant 0 : i32
    %dma_start3A_36 = tpu.memref_slice %arg6[%dma_start3A_33, %dma_start3A_34, %dma_start3A_35] : memref<4x16x512xf32, #tpu.memory_space<vmem>> -> memref<1x16x512xf32, #tpu.memory_space<vmem>>
    %dma_start3A_37 = tpu.memref_squeeze %dma_start3A_36 : memref<1x16x512xf32, #tpu.memory_space<vmem>> -> memref<16x512xf32, #tpu.memory_space<vmem>>
    %dma_start3A_38 = arith.constant 0 : i32
    %dma_start3A_39 = arith.constant 0 : i32
    %dma_start3A_40 = tpu.memref_slice %arg3[%dma_start3A_38, %dma_start3A_39] : memref<17664x512xf32, #tpu.memory_space<hbm>> -> memref<17664x512xf32, #tpu.memory_space<hbm>>
    tpu.enqueue_indirect_dma source(%dma_start3A_40 : memref<17664x512xf32, #tpu.memory_space<hbm>>) target(%dma_start3A_37 : memref<16x512xf32, #tpu.memory_space<vmem>>) offsets(%get3A_32 : vector<16xi32>) semaphore(%arg10 : memref<!tpu.dma_semaphore, #tpu.memory_space<semaphore_mem>>)
    %scan3A = arith.constant 0 : i32
    %scan3A_41 = arith.constant 8 : i32
    %scan3A_42 = arith.addi %scan3A, %scan3A_41 : i32
    %scan3A_43 = arith.constant 1 : i32
    scf.for %scan3A_104 = %scan3A to %scan3A_42 step %scan3A_43  : i32 {
      %mul3A_105 = arith.constant 4 : i32
      %mul3A_106 = arith.muli %scan3A_104, %mul3A_105 : i32
      %add3A_107 = arith.constant 0 : i32
      %add3A_108 = arith.addi %add3A_107, %mul3A_106 : i32
      %add3A_109 = arith.constant 0 : i32
      %add3A_110 = arith.addi %add3A_108, %add3A_109 : i32
      %dma_wait3A_111 = arith.constant 0 : i32
      %dma_wait3A_112 = arith.constant 0 : i32
      %dma_wait3A_113 = arith.constant 0 : i32
      %dma_wait3A_114 = tpu.memref_slice %arg6[%dma_wait3A_111, %dma_wait3A_112, %dma_wait3A_113] : memref<4x16x512xf32, #tpu.memory_space<vmem>> -> memref<1x16x512xf32, #tpu.memory_space<vmem>>
      %dma_wait3A_115 = tpu.memref_squeeze %dma_wait3A_114 : memref<1x16x512xf32, #tpu.memory_space<vmem>> -> memref<16x512xf32, #tpu.memory_space<vmem>>
      %dma_wait3A_116 = arith.constant 0 : i32
      %dma_wait3A_117 = arith.constant 0 : i32
      %dma_wait3A_118 = tpu.memref_slice %arg3[%dma_wait3A_116, %dma_wait3A_117] : memref<17664x512xf32, #tpu.memory_space<hbm>> -> memref<16x512xf32, #tpu.memory_space<hbm>>
      %dma_wait3A_119 = arith.constant 0 : i32
      %dma_wait3A_120 = arith.constant 0 : i32
      %dma_wait3A_121 = tpu.memref_slice %arg6[%dma_wait3A_111, %dma_wait3A_119, %dma_wait3A_120] : memref<4x16x512xf32, #tpu.memory_space<vmem>> -> memref<1x16x512xf32, #tpu.memory_space<vmem>>
      %dma_wait3A_122 = tpu.memref_squeeze %dma_wait3A_121 : memref<1x16x512xf32, #tpu.memory_space<vmem>> -> memref<16x512xf32, #tpu.memory_space<vmem>>
      %dma_wait3A_123 = arith.constant 0 : i32
      %dma_wait3A_124 = arith.constant 0 : i32
      %dma_wait3A_125 = tpu.memref_slice %arg3[%dma_wait3A_123, %dma_wait3A_124] : memref<17664x512xf32, #tpu.memory_space<hbm>> -> memref<16x512xf32, #tpu.memory_space<hbm>>
      tpu.wait_dma2 semaphore(%arg7 : memref<!tpu.dma_semaphore, #tpu.memory_space<semaphore_mem>>) src(%dma_wait3A_125 : memref<16x512xf32, #tpu.memory_space<hbm>>) dst(%dma_wait3A_122 : memref<16x512xf32, #tpu.memory_space<vmem>>)
      %mul3A_126 = arith.constant 16 : i32
      %mul3A_127 = arith.muli %add3A_110, %mul3A_126 : i32
      %add3A_128 = arith.addi %mul3A_2, %mul3A_127 : i32
      %dma_start3A_129 = arith.constant 0 : i32
      %dma_start3A_130 = arith.constant 0 : i32
      %dma_start3A_131 = arith.constant 0 : i32
      %dma_start3A_132 = tpu.memref_slice %arg6[%dma_start3A_129, %dma_start3A_130, %dma_start3A_131] : memref<4x16x512xf32, #tpu.memory_space<vmem>> -> memref<1x16x512xf32, #tpu.memory_space<vmem>>
      %dma_start3A_133 = tpu.memref_squeeze %dma_start3A_132 : memref<1x16x512xf32, #tpu.memory_space<vmem>> -> memref<16x512xf32, #tpu.memory_space<vmem>>
      %dma_start3A_134 = arith.constant 0 : i32
      %dma_start3A_135 = tpu.memref_slice %arg4[%add3A_128, %dma_start3A_134] : memref<16384x512xf32, #tpu.memory_space<hbm>> -> memref<16x512xf32, #tpu.memory_space<hbm>>
      %dma_start3A_136 = arith.constant 0 : i32
      %dma_start3A_137 = tpu.memref_slice %arg4[%add3A_128, %dma_start3A_136] : memref<16384x512xf32, #tpu.memory_space<hbm>> -> memref<16x512xf32, #tpu.memory_space<hbm>>
      %dma_start3A_138 = arith.constant 0 : i32
      %dma_start3A_139 = arith.constant 0 : i32
      %dma_start3A_140 = tpu.memref_slice %arg6[%dma_start3A_129, %dma_start3A_138, %dma_start3A_139] : memref<4x16x512xf32, #tpu.memory_space<vmem>> -> memref<1x16x512xf32, #tpu.memory_space<vmem>>
      %dma_start3A_141 = tpu.memref_squeeze %dma_start3A_140 : memref<1x16x512xf32, #tpu.memory_space<vmem>> -> memref<16x512xf32, #tpu.memory_space<vmem>>
      tpu.enqueue_dma source(%dma_start3A_141 : memref<16x512xf32, #tpu.memory_space<vmem>>) target(%dma_start3A_137 : memref<16x512xf32, #tpu.memory_space<hbm>>) target_semaphore(%arg11 : memref<!tpu.dma_semaphore, #tpu.memory_space<semaphore_mem>>)
      %add3A_142 = arith.constant 4 : i32
      %add3A_143 = arith.addi %add3A_110, %add3A_142 : i32
      %sub3A = arith.constant 2 : i32
      %sub3A_144 = arith.subi %add3A_143, %sub3A : i32
      %ge3A = arith.constant 4 : i32
      %ge3A_145 = arith.cmpi sge, %sub3A_144, %ge3A : i32
      %lt3A = arith.constant 32 : i32
      %lt3A_146 = arith.cmpi slt, %sub3A_144, %lt3A : i32
      %and3A = arith.andi %ge3A_145, %lt3A_146 : i1
      %convert_element_type3A = arith.extui %and3A : i1 to i32
      %cond3A = arith.constant 0 : i32
      %cond3A_147 = arith.cmpi ne, %convert_element_type3A, %cond3A : i32
      scf.if %cond3A_147 {
        %dma_wait3A_283 = arith.constant 2 : i32
        %dma_wait3A_284 = arith.constant 0 : i32
        %dma_wait3A_285 = arith.constant 0 : i32
        %dma_wait3A_286 = tpu.memref_slice %arg6[%dma_wait3A_283, %dma_wait3A_284, %dma_wait3A_285] : memref<4x16x512xf32, #tpu.memory_space<vmem>> -> memref<1x16x512xf32, #tpu.memory_space<vmem>>
        %dma_wait3A_287 = tpu.memref_squeeze %dma_wait3A_286 : memref<1x16x512xf32, #tpu.memory_space<vmem>> -> memref<16x512xf32, #tpu.memory_space<vmem>>
        %dma_wait3A_288 = arith.constant 0 : i32
        %dma_wait3A_289 = arith.constant 0 : i32
        %dma_wait3A_290 = tpu.memref_slice %arg4[%dma_wait3A_288, %dma_wait3A_289] : memref<16384x512xf32, #tpu.memory_space<hbm>> -> memref<16x512xf32, #tpu.memory_space<hbm>>
        %dma_wait3A_291 = arith.constant 0 : i32
        %dma_wait3A_292 = arith.constant 0 : i32
        %dma_wait3A_293 = tpu.memref_slice %arg4[%dma_wait3A_291, %dma_wait3A_292] : memref<16384x512xf32, #tpu.memory_space<hbm>> -> memref<16x512xf32, #tpu.memory_space<hbm>>
        %dma_wait3A_294 = arith.constant 0 : i32
        %dma_wait3A_295 = arith.constant 0 : i32
        %dma_wait3A_296 = tpu.memref_slice %arg6[%dma_wait3A_283, %dma_wait3A_294, %dma_wait3A_295] : memref<4x16x512xf32, #tpu.memory_space<vmem>> -> memref<1x16x512xf32, #tpu.memory_space<vmem>>
        %dma_wait3A_297 = tpu.memref_squeeze %dma_wait3A_296 : memref<1x16x512xf32, #tpu.memory_space<vmem>> -> memref<16x512xf32, #tpu.memory_space<vmem>>
        tpu.wait_dma2 semaphore(%arg13 : memref<!tpu.dma_semaphore, #tpu.memory_space<semaphore_mem>>) src(%dma_wait3A_297 : memref<16x512xf32, #tpu.memory_space<vmem>>) dst(%dma_wait3A_293 : memref<16x512xf32, #tpu.memory_space<hbm>>)
        %mul3A_298 = arith.constant 16 : i32
        %mul3A_299 = arith.muli %sub3A_144, %mul3A_298 : i32
        %get3A_300 = arith.index_cast %mul3A_299 : i32 to index
        %get3A_301 = tpu.vector_load %arg5[%get3A_300] {strides = array<i32>} : memref<512xi32, #tpu.memory_space<vmem>>, vector<16xi32>,
        %dma_start3A_302 = arith.constant 2 : i32
        %dma_start3A_303 = arith.constant 0 : i32
        %dma_start3A_304 = arith.constant 0 : i32
        %dma_start3A_305 = tpu.memref_slice %arg6[%dma_start3A_302, %dma_start3A_303, %dma_start3A_304] : memref<4x16x512xf32, #tpu.memory_space<vmem>> -> memref<1x16x512xf32, #tpu.memory_space<vmem>>
        %dma_start3A_306 = tpu.memref_squeeze %dma_start3A_305 : memref<1x16x512xf32, #tpu.memory_space<vmem>> -> memref<16x512xf32, #tpu.memory_space<vmem>>
        %dma_start3A_307 = arith.constant 0 : i32
        %dma_start3A_308 = arith.constant 0 : i32
        %dma_start3A_309 = tpu.memref_slice %arg3[%dma_start3A_307, %dma_start3A_308] : memref<17664x512xf32, #tpu.memory_space<hbm>> -> memref<17664x512xf32, #tpu.memory_space<hbm>>
        tpu.enqueue_indirect_dma source(%dma_start3A_309 : memref<17664x512xf32, #tpu.memory_space<hbm>>) target(%dma_start3A_306 : memref<16x512xf32, #tpu.memory_space<vmem>>) offsets(%get3A_301 : vector<16xi32>) semaphore(%arg9 : memref<!tpu.dma_semaphore, #tpu.memory_space<semaphore_mem>>)
      } else {
      }
      %add3A_148 = arith.constant 1 : i32
      %add3A_149 = arith.addi %add3A_108, %add3A_148 : i32
      %dma_wait3A_150 = arith.constant 1 : i32
      %dma_wait3A_151 = arith.constant 0 : i32
      %dma_wait3A_152 = arith.constant 0 : i32
      %dma_wait3A_153 = tpu.memref_slice %arg6[%dma_wait3A_150, %dma_wait3A_151, %dma_wait3A_152] : memref<4x16x512xf32, #tpu.memory_space<vmem>> -> memref<1x16x512xf32, #tpu.memory_space<vmem>>
      %dma_wait3A_154 = tpu.memref_squeeze %dma_wait3A_153 : memref<1x16x512xf32, #tpu.memory_space<vmem>> -> memref<16x512xf32, #tpu.memory_space<vmem>>
      %dma_wait3A_155 = arith.constant 0 : i32
      %dma_wait3A_156 = arith.constant 0 : i32
      %dma_wait3A_157 = tpu.memref_slice %arg3[%dma_wait3A_155, %dma_wait3A_156] : memref<17664x512xf32, #tpu.memory_space<hbm>> -> memref<16x512xf32, #tpu.memory_space<hbm>>
      %dma_wait3A_158 = arith.constant 0 : i32
      %dma_wait3A_159 = arith.constant 0 : i32
      %dma_wait3A_160 = tpu.memref_slice %arg6[%dma_wait3A_150, %dma_wait3A_158, %dma_wait3A_159] : memref<4x16x512xf32, #tpu.memory_space<vmem>> -> memref<1x16x512xf32, #tpu.memory_space<vmem>>
      %dma_wait3A_161 = tpu.memref_squeeze %dma_wait3A_160 : memref<1x16x512xf32, #tpu.memory_space<vmem>> -> memref<16x512xf32, #tpu.memory_space<vmem>>
      %dma_wait3A_162 = arith.constant 0 : i32
      %dma_wait3A_163 = arith.constant 0 : i32
      %dma_wait3A_164 = tpu.memref_slice %arg3[%dma_wait3A_162, %dma_wait3A_163] : memref<17664x512xf32, #tpu.memory_space<hbm>> -> memref<16x512xf32, #tpu.memory_space<hbm>>
      tpu.wait_dma2 semaphore(%arg8 : memref<!tpu.dma_semaphore, #tpu.memory_space<semaphore_mem>>) src(%dma_wait3A_164 : memref<16x512xf32, #tpu.memory_space<hbm>>) dst(%dma_wait3A_161 : memref<16x512xf32, #tpu.memory_space<vmem>>)
      %mul3A_165 = arith.constant 16 : i32
      %mul3A_166 = arith.muli %add3A_149, %mul3A_165 : i32
      %add3A_167 = arith.addi %mul3A_2, %mul3A_166 : i32
      %dma_start3A_168 = arith.constant 1 : i32
      %dma_start3A_169 = arith.constant 0 : i32
      %dma_start3A_170 = arith.constant 0 : i32
      %dma_start3A_171 = tpu.memref_slice %arg6[%dma_start3A_168, %dma_start3A_169, %dma_start3A_170] : memref<4x16x512xf32, #tpu.memory_space<vmem>> -> memref<1x16x512xf32, #tpu.memory_space<vmem>>
      %dma_start3A_172 = tpu.memref_squeeze %dma_start3A_171 : memref<1x16x512xf32, #tpu.memory_space<vmem>> -> memref<16x512xf32, #tpu.memory_space<vmem>>
      %dma_start3A_173 = arith.constant 0 : i32
      %dma_start3A_174 = tpu.memref_slice %arg4[%add3A_167, %dma_start3A_173] : memref<16384x512xf32, #tpu.memory_space<hbm>> -> memref<16x512xf32, #tpu.memory_space<hbm>>
      %dma_start3A_175 = arith.constant 0 : i32
      %dma_start3A_176 = tpu.memref_slice %arg4[%add3A_167, %dma_start3A_175] : memref<16384x512xf32, #tpu.memory_space<hbm>> -> memref<16x512xf32, #tpu.memory_space<hbm>>
      %dma_start3A_177 = arith.constant 0 : i32
      %dma_start3A_178 = arith.constant 0 : i32
      %dma_start3A_179 = tpu.memref_slice %arg6[%dma_start3A_168, %dma_start3A_177, %dma_start3A_178] : memref<4x16x512xf32, #tpu.memory_space<vmem>> -> memref<1x16x512xf32, #tpu.memory_space<vmem>>
      %dma_start3A_180 = tpu.memref_squeeze %dma_start3A_179 : memref<1x16x512xf32, #tpu.memory_space<vmem>> -> memref<16x512xf32, #tpu.memory_space<vmem>>
      tpu.enqueue_dma source(%dma_start3A_180 : memref<16x512xf32, #tpu.memory_space<vmem>>) target(%dma_start3A_176 : memref<16x512xf32, #tpu.memory_space<hbm>>) target_semaphore(%arg12 : memref<!tpu.dma_semaphore, #tpu.memory_space<semaphore_mem>>)
      %add3A_181 = arith.constant 4 : i32
      %add3A_182 = arith.addi %add3A_149, %add3A_181 : i32
      %sub3A_183 = arith.constant 2 : i32
      %sub3A_184 = arith.subi %add3A_182, %sub3A_183 : i32
      %ge3A_185 = arith.constant 4 : i32
      %ge3A_186 = arith.cmpi sge, %sub3A_184, %ge3A_185 : i32
      %lt3A_187 = arith.constant 32 : i32
      %lt3A_188 = arith.cmpi slt, %sub3A_184, %lt3A_187 : i32
      %and3A_189 = arith.andi %ge3A_186, %lt3A_188 : i1
      %convert_element_type3A_190 = arith.extui %and3A_189 : i1 to i32
      %cond3A_191 = arith.constant 0 : i32
      %cond3A_192 = arith.cmpi ne, %convert_element_type3A_190, %cond3A_191 : i32
      scf.if %cond3A_192 {
        %dma_wait3A_283 = arith.constant 3 : i32
        %dma_wait3A_284 = arith.constant 0 : i32
        %dma_wait3A_285 = arith.constant 0 : i32
        %dma_wait3A_286 = tpu.memref_slice %arg6[%dma_wait3A_283, %dma_wait3A_284, %dma_wait3A_285] : memref<4x16x512xf32, #tpu.memory_space<vmem>> -> memref<1x16x512xf32, #tpu.memory_space<vmem>>
        %dma_wait3A_287 = tpu.memref_squeeze %dma_wait3A_286 : memref<1x16x512xf32, #tpu.memory_space<vmem>> -> memref<16x512xf32, #tpu.memory_space<vmem>>
        %dma_wait3A_288 = arith.constant 0 : i32
        %dma_wait3A_289 = arith.constant 0 : i32
        %dma_wait3A_290 = tpu.memref_slice %arg4[%dma_wait3A_288, %dma_wait3A_289] : memref<16384x512xf32, #tpu.memory_space<hbm>> -> memref<16x512xf32, #tpu.memory_space<hbm>>
        %dma_wait3A_291 = arith.constant 0 : i32
        %dma_wait3A_292 = arith.constant 0 : i32
        %dma_wait3A_293 = tpu.memref_slice %arg4[%dma_wait3A_291, %dma_wait3A_292] : memref<16384x512xf32, #tpu.memory_space<hbm>> -> memref<16x512xf32, #tpu.memory_space<hbm>>
        %dma_wait3A_294 = arith.constant 0 : i32
        %dma_wait3A_295 = arith.constant 0 : i32
        %dma_wait3A_296 = tpu.memref_slice %arg6[%dma_wait3A_283, %dma_wait3A_294, %dma_wait3A_295] : memref<4x16x512xf32, #tpu.memory_space<vmem>> -> memref<1x16x512xf32, #tpu.memory_space<vmem>>
        %dma_wait3A_297 = tpu.memref_squeeze %dma_wait3A_296 : memref<1x16x512xf32, #tpu.memory_space<vmem>> -> memref<16x512xf32, #tpu.memory_space<vmem>>
        tpu.wait_dma2 semaphore(%arg14 : memref<!tpu.dma_semaphore, #tpu.memory_space<semaphore_mem>>) src(%dma_wait3A_297 : memref<16x512xf32, #tpu.memory_space<vmem>>) dst(%dma_wait3A_293 : memref<16x512xf32, #tpu.memory_space<hbm>>)
        %mul3A_298 = arith.constant 16 : i32
        %mul3A_299 = arith.muli %sub3A_184, %mul3A_298 : i32
        %get3A_300 = arith.index_cast %mul3A_299 : i32 to index
        %get3A_301 = tpu.vector_load %arg5[%get3A_300] {strides = array<i32>} : memref<512xi32, #tpu.memory_space<vmem>>, vector<16xi32>,
        %dma_start3A_302 = arith.constant 3 : i32
        %dma_start3A_303 = arith.constant 0 : i32
        %dma_start3A_304 = arith.constant 0 : i32
        %dma_start3A_305 = tpu.memref_slice %arg6[%dma_start3A_302, %dma_start3A_303, %dma_start3A_304] : memref<4x16x512xf32, #tpu.memory_space<vmem>> -> memref<1x16x512xf32, #tpu.memory_space<vmem>>
        %dma_start3A_306 = tpu.memref_squeeze %dma_start3A_305 : memref<1x16x512xf32, #tpu.memory_space<vmem>> -> memref<16x512xf32, #tpu.memory_space<vmem>>
        %dma_start3A_307 = arith.constant 0 : i32
        %dma_start3A_308 = arith.constant 0 : i32
        %dma_start3A_309 = tpu.memref_slice %arg3[%dma_start3A_307, %dma_start3A_308] : memref<17664x512xf32, #tpu.memory_space<hbm>> -> memref<17664x512xf32, #tpu.memory_space<hbm>>
        tpu.enqueue_indirect_dma source(%dma_start3A_309 : memref<17664x512xf32, #tpu.memory_space<hbm>>) target(%dma_start3A_306 : memref<16x512xf32, #tpu.memory_space<vmem>>) offsets(%get3A_301 : vector<16xi32>) semaphore(%arg10 : memref<!tpu.dma_semaphore, #tpu.memory_space<semaphore_mem>>)
      } else {
      }
      %add3A_193 = arith.constant 2 : i32
      %add3A_194 = arith.addi %add3A_108, %add3A_193 : i32
      %dma_wait3A_195 = arith.constant 2 : i32
      %dma_wait3A_196 = arith.constant 0 : i32
      %dma_wait3A_197 = arith.constant 0 : i32
      %dma_wait3A_198 = tpu.memref_slice %arg6[%dma_wait3A_195, %dma_wait3A_196, %dma_wait3A_197] : memref<4x16x512xf32, #tpu.memory_space<vmem>> -> memref<1x16x512xf32, #tpu.memory_space<vmem>>
      %dma_wait3A_199 = tpu.memref_squeeze %dma_wait3A_198 : memref<1x16x512xf32, #tpu.memory_space<vmem>> -> memref<16x512xf32, #tpu.memory_space<vmem>>
      %dma_wait3A_200 = arith.constant 0 : i32
      %dma_wait3A_201 = arith.constant 0 : i32
      %dma_wait3A_202 = tpu.memref_slice %arg3[%dma_wait3A_200, %dma_wait3A_201] : memref<17664x512xf32, #tpu.memory_space<hbm>> -> memref<16x512xf32, #tpu.memory_space<hbm>>
      %dma_wait3A_203 = arith.constant 0 : i32
      %dma_wait3A_204 = arith.constant 0 : i32
      %dma_wait3A_205 = tpu.memref_slice %arg6[%dma_wait3A_195, %dma_wait3A_203, %dma_wait3A_204] : memref<4x16x512xf32, #tpu.memory_space<vmem>> -> memref<1x16x512xf32, #tpu.memory_space<vmem>>
      %dma_wait3A_206 = tpu.memref_squeeze %dma_wait3A_205 : memref<1x16x512xf32, #tpu.memory_space<vmem>> -> memref<16x512xf32, #tpu.memory_space<vmem>>
      %dma_wait3A_207 = arith.constant 0 : i32
      %dma_wait3A_208 = arith.constant 0 : i32
      %dma_wait3A_209 = tpu.memref_slice %arg3[%dma_wait3A_207, %dma_wait3A_208] : memref<17664x512xf32, #tpu.memory_space<hbm>> -> memref<16x512xf32, #tpu.memory_space<hbm>>
      tpu.wait_dma2 semaphore(%arg9 : memref<!tpu.dma_semaphore, #tpu.memory_space<semaphore_mem>>) src(%dma_wait3A_209 : memref<16x512xf32, #tpu.memory_space<hbm>>) dst(%dma_wait3A_206 : memref<16x512xf32, #tpu.memory_space<vmem>>)
      %mul3A_210 = arith.constant 16 : i32
      %mul3A_211 = arith.muli %add3A_194, %mul3A_210 : i32
      %add3A_212 = arith.addi %mul3A_2, %mul3A_211 : i32
      %dma_start3A_213 = arith.constant 2 : i32
      %dma_start3A_214 = arith.constant 0 : i32
      %dma_start3A_215 = arith.constant 0 : i32
      %dma_start3A_216 = tpu.memref_slice %arg6[%dma_start3A_213, %dma_start3A_214, %dma_start3A_215] : memref<4x16x512xf32, #tpu.memory_space<vmem>> -> memref<1x16x512xf32, #tpu.memory_space<vmem>>
      %dma_start3A_217 = tpu.memref_squeeze %dma_start3A_216 : memref<1x16x512xf32, #tpu.memory_space<vmem>> -> memref<16x512xf32, #tpu.memory_space<vmem>>
      %dma_start3A_218 = arith.constant 0 : i32
      %dma_start3A_219 = tpu.memref_slice %arg4[%add3A_212, %dma_start3A_218] : memref<16384x512xf32, #tpu.memory_space<hbm>> -> memref<16x512xf32, #tpu.memory_space<hbm>>
      %dma_start3A_220 = arith.constant 0 : i32
      %dma_start3A_221 = tpu.memref_slice %arg4[%add3A_212, %dma_start3A_220] : memref<16384x512xf32, #tpu.memory_space<hbm>> -> memref<16x512xf32, #tpu.memory_space<hbm>>
      %dma_start3A_222 = arith.constant 0 : i32
      %dma_start3A_223 = arith.constant 0 : i32
      %dma_start3A_224 = tpu.memref_slice %arg6[%dma_start3A_213, %dma_start3A_222, %dma_start3A_223] : memref<4x16x512xf32, #tpu.memory_space<vmem>> -> memref<1x16x512xf32, #tpu.memory_space<vmem>>
      %dma_start3A_225 = tpu.memref_squeeze %dma_start3A_224 : memref<1x16x512xf32, #tpu.memory_space<vmem>> -> memref<16x512xf32, #tpu.memory_space<vmem>>
      tpu.enqueue_dma source(%dma_start3A_225 : memref<16x512xf32, #tpu.memory_space<vmem>>) target(%dma_start3A_221 : memref<16x512xf32, #tpu.memory_space<hbm>>) target_semaphore(%arg13 : memref<!tpu.dma_semaphore, #tpu.memory_space<semaphore_mem>>)
      %add3A_226 = arith.constant 4 : i32
      %add3A_227 = arith.addi %add3A_194, %add3A_226 : i32
      %sub3A_228 = arith.constant 2 : i32
      %sub3A_229 = arith.subi %add3A_227, %sub3A_228 : i32
      %ge3A_230 = arith.constant 4 : i32
      %ge3A_231 = arith.cmpi sge, %sub3A_229, %ge3A_230 : i32
      %lt3A_232 = arith.constant 32 : i32
      %lt3A_233 = arith.cmpi slt, %sub3A_229, %lt3A_232 : i32
      %and3A_234 = arith.andi %ge3A_231, %lt3A_233 : i1
      %convert_element_type3A_235 = arith.extui %and3A_234 : i1 to i32
      %cond3A_236 = arith.constant 0 : i32
      %cond3A_237 = arith.cmpi ne, %convert_element_type3A_235, %cond3A_236 : i32
      scf.if %cond3A_237 {
        %dma_wait3A_283 = arith.constant 0 : i32
        %dma_wait3A_284 = arith.constant 0 : i32
        %dma_wait3A_285 = arith.constant 0 : i32
        %dma_wait3A_286 = tpu.memref_slice %arg6[%dma_wait3A_283, %dma_wait3A_284, %dma_wait3A_285] : memref<4x16x512xf32, #tpu.memory_space<vmem>> -> memref<1x16x512xf32, #tpu.memory_space<vmem>>
        %dma_wait3A_287 = tpu.memref_squeeze %dma_wait3A_286 : memref<1x16x512xf32, #tpu.memory_space<vmem>> -> memref<16x512xf32, #tpu.memory_space<vmem>>
        %dma_wait3A_288 = arith.constant 0 : i32
        %dma_wait3A_289 = arith.constant 0 : i32
        %dma_wait3A_290 = tpu.memref_slice %arg4[%dma_wait3A_288, %dma_wait3A_289] : memref<16384x512xf32, #tpu.memory_space<hbm>> -> memref<16x512xf32, #tpu.memory_space<hbm>>
        %dma_wait3A_291 = arith.constant 0 : i32
        %dma_wait3A_292 = arith.constant 0 : i32
        %dma_wait3A_293 = tpu.memref_slice %arg4[%dma_wait3A_291, %dma_wait3A_292] : memref<16384x512xf32, #tpu.memory_space<hbm>> -> memref<16x512xf32, #tpu.memory_space<hbm>>
        %dma_wait3A_294 = arith.constant 0 : i32
        %dma_wait3A_295 = arith.constant 0 : i32
        %dma_wait3A_296 = tpu.memref_slice %arg6[%dma_wait3A_283, %dma_wait3A_294, %dma_wait3A_295] : memref<4x16x512xf32, #tpu.memory_space<vmem>> -> memref<1x16x512xf32, #tpu.memory_space<vmem>>
        %dma_wait3A_297 = tpu.memref_squeeze %dma_wait3A_296 : memref<1x16x512xf32, #tpu.memory_space<vmem>> -> memref<16x512xf32, #tpu.memory_space<vmem>>
        tpu.wait_dma2 semaphore(%arg11 : memref<!tpu.dma_semaphore, #tpu.memory_space<semaphore_mem>>) src(%dma_wait3A_297 : memref<16x512xf32, #tpu.memory_space<vmem>>) dst(%dma_wait3A_293 : memref<16x512xf32, #tpu.memory_space<hbm>>)
        %mul3A_298 = arith.constant 16 : i32
        %mul3A_299 = arith.muli %sub3A_229, %mul3A_298 : i32
        %get3A_300 = arith.index_cast %mul3A_299 : i32 to index
        %get3A_301 = tpu.vector_load %arg5[%get3A_300] {strides = array<i32>} : memref<512xi32, #tpu.memory_space<vmem>>, vector<16xi32>,
        %dma_start3A_302 = arith.constant 0 : i32
        %dma_start3A_303 = arith.constant 0 : i32
        %dma_start3A_304 = arith.constant 0 : i32
        %dma_start3A_305 = tpu.memref_slice %arg6[%dma_start3A_302, %dma_start3A_303, %dma_start3A_304] : memref<4x16x512xf32, #tpu.memory_space<vmem>> -> memref<1x16x512xf32, #tpu.memory_space<vmem>>
        %dma_start3A_306 = tpu.memref_squeeze %dma_start3A_305 : memref<1x16x512xf32, #tpu.memory_space<vmem>> -> memref<16x512xf32, #tpu.memory_space<vmem>>
        %dma_start3A_307 = arith.constant 0 : i32
        %dma_start3A_308 = arith.constant 0 : i32
        %dma_start3A_309 = tpu.memref_slice %arg3[%dma_start3A_307, %dma_start3A_308] : memref<17664x512xf32, #tpu.memory_space<hbm>> -> memref<17664x512xf32, #tpu.memory_space<hbm>>
        tpu.enqueue_indirect_dma source(%dma_start3A_309 : memref<17664x512xf32, #tpu.memory_space<hbm>>) target(%dma_start3A_306 : memref<16x512xf32, #tpu.memory_space<vmem>>) offsets(%get3A_301 : vector<16xi32>) semaphore(%arg7 : memref<!tpu.dma_semaphore, #tpu.memory_space<semaphore_mem>>)
      } else {
      }
      %add3A_238 = arith.constant 3 : i32
      %add3A_239 = arith.addi %add3A_108, %add3A_238 : i32
      %dma_wait3A_240 = arith.constant 3 : i32
      %dma_wait3A_241 = arith.constant 0 : i32
      %dma_wait3A_242 = arith.constant 0 : i32
      %dma_wait3A_243 = tpu.memref_slice %arg6[%dma_wait3A_240, %dma_wait3A_241, %dma_wait3A_242] : memref<4x16x512xf32, #tpu.memory_space<vmem>> -> memref<1x16x512xf32, #tpu.memory_space<vmem>>
      %dma_wait3A_244 = tpu.memref_squeeze %dma_wait3A_243 : memref<1x16x512xf32, #tpu.memory_space<vmem>> -> memref<16x512xf32, #tpu.memory_space<vmem>>
      %dma_wait3A_245 = arith.constant 0 : i32
      %dma_wait3A_246 = arith.constant 0 : i32
      %dma_wait3A_247 = tpu.memref_slice %arg3[%dma_wait3A_245, %dma_wait3A_246] : memref<17664x512xf32, #tpu.memory_space<hbm>> -> memref<16x512xf32, #tpu.memory_space<hbm>>
      %dma_wait3A_248 = arith.constant 0 : i32
      %dma_wait3A_249 = arith.constant 0 : i32
      %dma_wait3A_250 = tpu.memref_slice %arg6[%dma_wait3A_240, %dma_wait3A_248, %dma_wait3A_249] : memref<4x16x512xf32, #tpu.memory_space<vmem>> -> memref<1x16x512xf32, #tpu.memory_space<vmem>>
      %dma_wait3A_251 = tpu.memref_squeeze %dma_wait3A_250 : memref<1x16x512xf32, #tpu.memory_space<vmem>> -> memref<16x512xf32, #tpu.memory_space<vmem>>
      %dma_wait3A_252 = arith.constant 0 : i32
      %dma_wait3A_253 = arith.constant 0 : i32
      %dma_wait3A_254 = tpu.memref_slice %arg3[%dma_wait3A_252, %dma_wait3A_253] : memref<17664x512xf32, #tpu.memory_space<hbm>> -> memref<16x512xf32, #tpu.memory_space<hbm>>
      tpu.wait_dma2 semaphore(%arg10 : memref<!tpu.dma_semaphore, #tpu.memory_space<semaphore_mem>>) src(%dma_wait3A_254 : memref<16x512xf32, #tpu.memory_space<hbm>>) dst(%dma_wait3A_251 : memref<16x512xf32, #tpu.memory_space<vmem>>)
      %mul3A_255 = arith.constant 16 : i32
      %mul3A_256 = arith.muli %add3A_239, %mul3A_255 : i32
      %add3A_257 = arith.addi %mul3A_2, %mul3A_256 : i32
      %dma_start3A_258 = arith.constant 3 : i32
      %dma_start3A_259 = arith.constant 0 : i32
      %dma_start3A_260 = arith.constant 0 : i32
      %dma_start3A_261 = tpu.memref_slice %arg6[%dma_start3A_258, %dma_start3A_259, %dma_start3A_260] : memref<4x16x512xf32, #tpu.memory_space<vmem>> -> memref<1x16x512xf32, #tpu.memory_space<vmem>>
      %dma_start3A_262 = tpu.memref_squeeze %dma_start3A_261 : memref<1x16x512xf32, #tpu.memory_space<vmem>> -> memref<16x512xf32, #tpu.memory_space<vmem>>
      %dma_start3A_263 = arith.constant 0 : i32
      %dma_start3A_264 = tpu.memref_slice %arg4[%add3A_257, %dma_start3A_263] : memref<16384x512xf32, #tpu.memory_space<hbm>> -> memref<16x512xf32, #tpu.memory_space<hbm>>
      %dma_start3A_265 = arith.constant 0 : i32
      %dma_start3A_266 = tpu.memref_slice %arg4[%add3A_257, %dma_start3A_265] : memref<16384x512xf32, #tpu.memory_space<hbm>> -> memref<16x512xf32, #tpu.memory_space<hbm>>
      %dma_start3A_267 = arith.constant 0 : i32
      %dma_start3A_268 = arith.constant 0 : i32
      %dma_start3A_269 = tpu.memref_slice %arg6[%dma_start3A_258, %dma_start3A_267, %dma_start3A_268] : memref<4x16x512xf32, #tpu.memory_space<vmem>> -> memref<1x16x512xf32, #tpu.memory_space<vmem>>
      %dma_start3A_270 = tpu.memref_squeeze %dma_start3A_269 : memref<1x16x512xf32, #tpu.memory_space<vmem>> -> memref<16x512xf32, #tpu.memory_space<vmem>>
      tpu.enqueue_dma source(%dma_start3A_270 : memref<16x512xf32, #tpu.memory_space<vmem>>) target(%dma_start3A_266 : memref<16x512xf32, #tpu.memory_space<hbm>>) target_semaphore(%arg14 : memref<!tpu.dma_semaphore, #tpu.memory_space<semaphore_mem>>)
      %add3A_271 = arith.constant 4 : i32
      %add3A_272 = arith.addi %add3A_239, %add3A_271 : i32
      %sub3A_273 = arith.constant 2 : i32
      %sub3A_274 = arith.subi %add3A_272, %sub3A_273 : i32
      %ge3A_275 = arith.constant 4 : i32
      %ge3A_276 = arith.cmpi sge, %sub3A_274, %ge3A_275 : i32
      %lt3A_277 = arith.constant 32 : i32
      %lt3A_278 = arith.cmpi slt, %sub3A_274, %lt3A_277 : i32
      %and3A_279 = arith.andi %ge3A_276, %lt3A_278 : i1
      %convert_element_type3A_280 = arith.extui %and3A_279 : i1 to i32
      %cond3A_281 = arith.constant 0 : i32
      %cond3A_282 = arith.cmpi ne, %convert_element_type3A_280, %cond3A_281 : i32
      scf.if %cond3A_282 {
        %dma_wait3A_283 = arith.constant 1 : i32
        %dma_wait3A_284 = arith.constant 0 : i32
        %dma_wait3A_285 = arith.constant 0 : i32
        %dma_wait3A_286 = tpu.memref_slice %arg6[%dma_wait3A_283, %dma_wait3A_284, %dma_wait3A_285] : memref<4x16x512xf32, #tpu.memory_space<vmem>> -> memref<1x16x512xf32, #tpu.memory_space<vmem>>
        %dma_wait3A_287 = tpu.memref_squeeze %dma_wait3A_286 : memref<1x16x512xf32, #tpu.memory_space<vmem>> -> memref<16x512xf32, #tpu.memory_space<vmem>>
        %dma_wait3A_288 = arith.constant 0 : i32
        %dma_wait3A_289 = arith.constant 0 : i32
        %dma_wait3A_290 = tpu.memref_slice %arg4[%dma_wait3A_288, %dma_wait3A_289] : memref<16384x512xf32, #tpu.memory_space<hbm>> -> memref<16x512xf32, #tpu.memory_space<hbm>>
        %dma_wait3A_291 = arith.constant 0 : i32
        %dma_wait3A_292 = arith.constant 0 : i32
        %dma_wait3A_293 = tpu.memref_slice %arg4[%dma_wait3A_291, %dma_wait3A_292] : memref<16384x512xf32, #tpu.memory_space<hbm>> -> memref<16x512xf32, #tpu.memory_space<hbm>>
        %dma_wait3A_294 = arith.constant 0 : i32
        %dma_wait3A_295 = arith.constant 0 : i32
        %dma_wait3A_296 = tpu.memref_slice %arg6[%dma_wait3A_283, %dma_wait3A_294, %dma_wait3A_295] : memref<4x16x512xf32, #tpu.memory_space<vmem>> -> memref<1x16x512xf32, #tpu.memory_space<vmem>>
        %dma_wait3A_297 = tpu.memref_squeeze %dma_wait3A_296 : memref<1x16x512xf32, #tpu.memory_space<vmem>> -> memref<16x512xf32, #tpu.memory_space<vmem>>
        tpu.wait_dma2 semaphore(%arg12 : memref<!tpu.dma_semaphore, #tpu.memory_space<semaphore_mem>>) src(%dma_wait3A_297 : memref<16x512xf32, #tpu.memory_space<vmem>>) dst(%dma_wait3A_293 : memref<16x512xf32, #tpu.memory_space<hbm>>)
        %mul3A_298 = arith.constant 16 : i32
        %mul3A_299 = arith.muli %sub3A_274, %mul3A_298 : i32
        %get3A_300 = arith.index_cast %mul3A_299 : i32 to index
        %get3A_301 = tpu.vector_load %arg5[%get3A_300] {strides = array<i32>} : memref<512xi32, #tpu.memory_space<vmem>>, vector<16xi32>,
        %dma_start3A_302 = arith.constant 1 : i32
        %dma_start3A_303 = arith.constant 0 : i32
        %dma_start3A_304 = arith.constant 0 : i32
        %dma_start3A_305 = tpu.memref_slice %arg6[%dma_start3A_302, %dma_start3A_303, %dma_start3A_304] : memref<4x16x512xf32, #tpu.memory_space<vmem>> -> memref<1x16x512xf32, #tpu.memory_space<vmem>>
        %dma_start3A_306 = tpu.memref_squeeze %dma_start3A_305 : memref<1x16x512xf32, #tpu.memory_space<vmem>> -> memref<16x512xf32, #tpu.memory_space<vmem>>
        %dma_start3A_307 = arith.constant 0 : i32
        %dma_start3A_308 = arith.constant 0 : i32
        %dma_start3A_309 = tpu.memref_slice %arg3[%dma_start3A_307, %dma_start3A_308] : memref<17664x512xf32, #tpu.memory_space<hbm>> -> memref<17664x512xf32, #tpu.memory_space<hbm>>
        tpu.enqueue_indirect_dma source(%dma_start3A_309 : memref<17664x512xf32, #tpu.memory_space<hbm>>) target(%dma_start3A_306 : memref<16x512xf32, #tpu.memory_space<vmem>>) offsets(%get3A_301 : vector<16xi32>) semaphore(%arg8 : memref<!tpu.dma_semaphore, #tpu.memory_space<semaphore_mem>>)
      } else {
      }
    }
    %scan3A_44 = arith.constant 8 : i32
    %dma_wait3A = arith.constant 0 : i32
    %dma_wait3A_45 = arith.constant 0 : i32
    %dma_wait3A_46 = arith.constant 0 : i32
    %dma_wait3A_47 = tpu.memref_slice %arg6[%dma_wait3A, %dma_wait3A_45, %dma_wait3A_46] : memref<4x16x512xf32, #tpu.memory_space<vmem>> -> memref<1x16x512xf32, #tpu.memory_space<vmem>>
    %dma_wait3A_48 = tpu.memref_squeeze %dma_wait3A_47 : memref<1x16x512xf32, #tpu.memory_space<vmem>> -> memref<16x512xf32, #tpu.memory_space<vmem>>
    %dma_wait3A_49 = arith.constant 0 : i32
    %dma_wait3A_50 = arith.constant 0 : i32
    %dma_wait3A_51 = tpu.memref_slice %arg4[%dma_wait3A_49, %dma_wait3A_50] : memref<16384x512xf32, #tpu.memory_space<hbm>> -> memref<16x512xf32, #tpu.memory_space<hbm>>
    %dma_wait3A_52 = arith.constant 0 : i32
    %dma_wait3A_53 = arith.constant 0 : i32
    %dma_wait3A_54 = tpu.memref_slice %arg4[%dma_wait3A_52, %dma_wait3A_53] : memref<16384x512xf32, #tpu.memory_space<hbm>> -> memref<16x512xf32, #tpu.memory_space<hbm>>
    %dma_wait3A_55 = arith.constant 0 : i32
    %dma_wait3A_56 = arith.constant 0 : i32
    %dma_wait3A_57 = tpu.memref_slice %arg6[%dma_wait3A, %dma_wait3A_55, %dma_wait3A_56] : memref<4x16x512xf32, #tpu.memory_space<vmem>> -> memref<1x16x512xf32, #tpu.memory_space<vmem>>
    %dma_wait3A_58 = tpu.memref_squeeze %dma_wait3A_57 : memref<1x16x512xf32, #tpu.memory_space<vmem>> -> memref<16x512xf32, #tpu.memory_space<vmem>>
    tpu.wait_dma2 semaphore(%arg11 : memref<!tpu.dma_semaphore, #tpu.memory_space<semaphore_mem>>) src(%dma_wait3A_58 : memref<16x512xf32, #tpu.memory_space<vmem>>) dst(%dma_wait3A_54 : memref<16x512xf32, #tpu.memory_space<hbm>>)
    %dma_wait3A_59 = arith.constant 1 : i32
    %dma_wait3A_60 = arith.constant 0 : i32
    %dma_wait3A_61 = arith.constant 0 : i32
    %dma_wait3A_62 = tpu.memref_slice %arg6[%dma_wait3A_59, %dma_wait3A_60, %dma_wait3A_61] : memref<4x16x512xf32, #tpu.memory_space<vmem>> -> memref<1x16x512xf32, #tpu.memory_space<vmem>>
    %dma_wait3A_63 = tpu.memref_squeeze %dma_wait3A_62 : memref<1x16x512xf32, #tpu.memory_space<vmem>> -> memref<16x512xf32, #tpu.memory_space<vmem>>
    %dma_wait3A_64 = arith.constant 0 : i32
    %dma_wait3A_65 = arith.constant 0 : i32
    %dma_wait3A_66 = tpu.memref_slice %arg4[%dma_wait3A_64, %dma_wait3A_65] : memref<16384x512xf32, #tpu.memory_space<hbm>> -> memref<16x512xf32, #tpu.memory_space<hbm>>
    %dma_wait3A_67 = arith.constant 0 : i32
    %dma_wait3A_68 = arith.constant 0 : i32
    %dma_wait3A_69 = tpu.memref_slice %arg4[%dma_wait3A_67, %dma_wait3A_68] : memref<16384x512xf32, #tpu.memory_space<hbm>> -> memref<16x512xf32, #tpu.memory_space<hbm>>
    %dma_wait3A_70 = arith.constant 0 : i32
    %dma_wait3A_71 = arith.constant 0 : i32
    %dma_wait3A_72 = tpu.memref_slice %arg6[%dma_wait3A_59, %dma_wait3A_70, %dma_wait3A_71] : memref<4x16x512xf32, #tpu.memory_space<vmem>> -> memref<1x16x512xf32, #tpu.memory_space<vmem>>
    %dma_wait3A_73 = tpu.memref_squeeze %dma_wait3A_72 : memref<1x16x512xf32, #tpu.memory_space<vmem>> -> memref<16x512xf32, #tpu.memory_space<vmem>>
    tpu.wait_dma2 semaphore(%arg12 : memref<!tpu.dma_semaphore, #tpu.memory_space<semaphore_mem>>) src(%dma_wait3A_73 : memref<16x512xf32, #tpu.memory_space<vmem>>) dst(%dma_wait3A_69 : memref<16x512xf32, #tpu.memory_space<hbm>>)
    %dma_wait3A_74 = arith.constant 2 : i32
    %dma_wait3A_75 = arith.constant 0 : i32
    %dma_wait3A_76 = arith.constant 0 : i32
    %dma_wait3A_77 = tpu.memref_slice %arg6[%dma_wait3A_74, %dma_wait3A_75, %dma_wait3A_76] : memref<4x16x512xf32, #tpu.memory_space<vmem>> -> memref<1x16x512xf32, #tpu.memory_space<vmem>>
    %dma_wait3A_78 = tpu.memref_squeeze %dma_wait3A_77 : memref<1x16x512xf32, #tpu.memory_space<vmem>> -> memref<16x512xf32, #tpu.memory_space<vmem>>
    %dma_wait3A_79 = arith.constant 0 : i32
    %dma_wait3A_80 = arith.constant 0 : i32
    %dma_wait3A_81 = tpu.memref_slice %arg4[%dma_wait3A_79, %dma_wait3A_80] : memref<16384x512xf32, #tpu.memory_space<hbm>> -> memref<16x512xf32, #tpu.memory_space<hbm>>
    %dma_wait3A_82 = arith.constant 0 : i32
    %dma_wait3A_83 = arith.constant 0 : i32
    %dma_wait3A_84 = tpu.memref_slice %arg4[%dma_wait3A_82, %dma_wait3A_83] : memref<16384x512xf32, #tpu.memory_space<hbm>> -> memref<16x512xf32, #tpu.memory_space<hbm>>
    %dma_wait3A_85 = arith.constant 0 : i32
    %dma_wait3A_86 = arith.constant 0 : i32
    %dma_wait3A_87 = tpu.memref_slice %arg6[%dma_wait3A_74, %dma_wait3A_85, %dma_wait3A_86] : memref<4x16x512xf32, #tpu.memory_space<vmem>> -> memref<1x16x512xf32, #tpu.memory_space<vmem>>
    %dma_wait3A_88 = tpu.memref_squeeze %dma_wait3A_87 : memref<1x16x512xf32, #tpu.memory_space<vmem>> -> memref<16x512xf32, #tpu.memory_space<vmem>>
    tpu.wait_dma2 semaphore(%arg13 : memref<!tpu.dma_semaphore, #tpu.memory_space<semaphore_mem>>) src(%dma_wait3A_88 : memref<16x512xf32, #tpu.memory_space<vmem>>) dst(%dma_wait3A_84 : memref<16x512xf32, #tpu.memory_space<hbm>>)
    %dma_wait3A_89 = arith.constant 3 : i32
    %dma_wait3A_90 = arith.constant 0 : i32
    %dma_wait3A_91 = arith.constant 0 : i32
    %dma_wait3A_92 = tpu.memref_slice %arg6[%dma_wait3A_89, %dma_wait3A_90, %dma_wait3A_91] : memref<4x16x512xf32, #tpu.memory_space<vmem>> -> memref<1x16x512xf32, #tpu.memory_space<vmem>>
    %dma_wait3A_93 = tpu.memref_squeeze %dma_wait3A_92 : memref<1x16x512xf32, #tpu.memory_space<vmem>> -> memref<16x512xf32, #tpu.memory_space<vmem>>
    %dma_wait3A_94 = arith.constant 0 : i32
    %dma_wait3A_95 = arith.constant 0 : i32
    %dma_wait3A_96 = tpu.memref_slice %arg4[%dma_wait3A_94, %dma_wait3A_95] : memref<16384x512xf32, #tpu.memory_space<hbm>> -> memref<16x512xf32, #tpu.memory_space<hbm>>
    %dma_wait3A_97 = arith.constant 0 : i32
    %dma_wait3A_98 = arith.constant 0 : i32
    %dma_wait3A_99 = tpu.memref_slice %arg4[%dma_wait3A_97, %dma_wait3A_98] : memref<16384x512xf32, #tpu.memory_space<hbm>> -> memref<16x512xf32, #tpu.memory_space<hbm>>
    %dma_wait3A_100 = arith.constant 0 : i32
    %dma_wait3A_101 = arith.constant 0 : i32
    %dma_wait3A_102 = tpu.memref_slice %arg6[%dma_wait3A_89, %dma_wait3A_100, %dma_wait3A_101] : memref<4x16x512xf32, #tpu.memory_space<vmem>> -> memref<1x16x512xf32, #tpu.memory_space<vmem>>
    %dma_wait3A_103 = tpu.memref_squeeze %dma_wait3A_102 : memref<1x16x512xf32, #tpu.memory_space<vmem>> -> memref<16x512xf32, #tpu.memory_space<vmem>>
    tpu.wait_dma2 semaphore(%arg14 : memref<!tpu.dma_semaphore, #tpu.memory_space<semaphore_mem>>) src(%dma_wait3A_103 : memref<16x512xf32, #tpu.memory_space<vmem>>) dst(%dma_wait3A_99 : memref<16x512xf32, #tpu.memory_space<hbm>>)
    return
  }
}

#map = affine_map<(d0, d1) -> (0)>
#map1 = affine_map<(d0, d1) -> (0, 0)>
module attributes {stable_mosaic.version = 14 : i64} {
  func.func @_sc_route(%arg0: i32, %arg1: i32, %arg2: memref<16384xi32, #tpu.memory_space<hbm>>, %arg3: memref<512xi32, #tpu.memory_space<hbm>>, %arg4: memref<16384x1025xf32, #tpu.memory_space<hbm>>, %arg5: memref<16384xf32, #tpu.memory_space<hbm>>, %arg6: memref<17664x1152xf32, #tpu.memory_space<hbm>>, %arg7: memref<16384xi32, #tpu.memory_space<hbm>>, %arg8: memref<80xi32, #tpu.memory_space<hbm>>, %arg9: memref<512xi32, #tpu.memory_space<vmem>>, %arg10: memref<512xi32, #tpu.memory_space<vmem>>, %arg11: memref<512xi32, #tpu.memory_space<vmem>>, %arg12: memref<512xf32, #tpu.memory_space<vmem>>, %arg13: memref<4x16x1152xf32, #tpu.memory_space<vmem>>, %arg14: memref<80xi32, #tpu.memory_space<vmem>>, %arg15: memref<!tpu.dma_semaphore, #tpu.memory_space<semaphore_mem>>, %arg16: memref<!tpu.dma_semaphore, #tpu.memory_space<semaphore_mem>>, %arg17: memref<!tpu.dma_semaphore, #tpu.memory_space<semaphore_mem>>, %arg18: memref<!tpu.dma_semaphore, #tpu.memory_space<semaphore_mem>>, %arg19: memref<!tpu.dma_semaphore, #tpu.memory_space<semaphore_mem>>, %arg20: memref<!tpu.dma_semaphore, #tpu.memory_space<semaphore_mem>>, %arg21: memref<!tpu.dma_semaphore, #tpu.memory_space<semaphore_mem>>, %arg22: memref<!tpu.dma_semaphore, #tpu.memory_space<semaphore_mem>>) attributes {dimension_semantics = [#tpu.dimension_semantics<core_parallel>, #tpu.dimension_semantics<subcore_parallel>], iteration_bounds = array<i64: 2, 16>, scalar_prefetch = 0 : i64, scratch_operands = 14 : i64, tpu.core_type = #tpu.core_type<sc_vector_subcore>, window_params = [{transform_indices = #map}, {transform_indices = #map}, {transform_indices = #map1}, {transform_indices = #map}, {transform_indices = #map1}, {transform_indices = #map}, {transform_indices = #map}]} {
    %mul3A = arith.constant 2 : i32
    %mul3A_0 = arith.muli %arg1, %mul3A : i32
    %add3A = arith.addi %mul3A_0, %arg0 : i32
    %mul3A_1 = arith.constant 512 : i32
    %mul3A_2 = arith.muli %add3A, %mul3A_1 : i32
    %iota3A = tpu.iota {dimensions = array<i32: 0>} : vector<16xi32>
    %broadcast_in_dim3A = arith.constant 0 : i32
    %broadcast_in_dim3A_3 = vector.broadcast %broadcast_in_dim3A : i32 to vector<16xi32>
    %broadcast_in_dim3A_4 = arith.constant 0.000000e+00 : f32
    %broadcast_in_dim3A_5 = vector.broadcast %broadcast_in_dim3A_4 : f32 to vector<16xf32>
    %scan3A = arith.constant 0 : i32
    %scan3A_6 = arith.constant 0 : i32
    %scan3A_7 = arith.constant 16 : i32
    %scan3A_8 = arith.addi %scan3A_6, %scan3A_7 : i32
    %scan3A_9 = arith.constant 1 : i32
    scf.for %scan3A_371 = %scan3A_6 to %scan3A_8 step %scan3A_9  : i32 {
      %swap3A = arith.constant 0 : i32
      %swap3A_372 = arith.index_cast %swap3A : i32 to index
      %swap3A_373 = arith.index_cast %scan3A_371 : i32 to index
      %swap3A_374 = arith.constant 1024 : index
      %swap3A_375 = tpu.vector_load %arg13[%swap3A_372, %swap3A_373, %swap3A_374] {strides = array<i32>} : memref<4x16x1152xf32, #tpu.memory_space<vmem>>, vector<16xf32>,
      tpu.vector_store %arg13[%swap3A_372, %swap3A_373, %swap3A_374], %broadcast_in_dim3A_5 {strides = array<i32>} : memref<4x16x1152xf32, #tpu.memory_space<vmem>>, vector<16xf32>,
      %swap3A_376 = arith.constant 0 : i32
      %swap3A_377 = arith.index_cast %swap3A_376 : i32 to index
      %swap3A_378 = arith.index_cast %scan3A_371 : i32 to index
      %swap3A_379 = arith.constant 1040 : index
      %swap3A_380 = tpu.vector_load %arg13[%swap3A_377, %swap3A_378, %swap3A_379] {strides = array<i32>} : memref<4x16x1152xf32, #tpu.memory_space<vmem>>, vector<16xf32>,
      tpu.vector_store %arg13[%swap3A_377, %swap3A_378, %swap3A_379], %broadcast_in_dim3A_5 {strides = array<i32>} : memref<4x16x1152xf32, #tpu.memory_space<vmem>>, vector<16xf32>,
      %swap3A_381 = arith.constant 0 : i32
      %swap3A_382 = arith.index_cast %swap3A_381 : i32 to index
      %swap3A_383 = arith.index_cast %scan3A_371 : i32 to index
      %swap3A_384 = arith.constant 1056 : index
      %swap3A_385 = tpu.vector_load %arg13[%swap3A_382, %swap3A_383, %swap3A_384] {strides = array<i32>} : memref<4x16x1152xf32, #tpu.memory_space<vmem>>, vector<16xf32>,
      tpu.vector_store %arg13[%swap3A_382, %swap3A_383, %swap3A_384], %broadcast_in_dim3A_5 {strides = array<i32>} : memref<4x16x1152xf32, #tpu.memory_space<vmem>>, vector<16xf32>,
      %swap3A_386 = arith.constant 0 : i32
      %swap3A_387 = arith.index_cast %swap3A_386 : i32 to index
      %swap3A_388 = arith.index_cast %scan3A_371 : i32 to index
      %swap3A_389 = arith.constant 1072 : index
      %swap3A_390 = tpu.vector_load %arg13[%swap3A_387, %swap3A_388, %swap3A_389] {strides = array<i32>} : memref<4x16x1152xf32, #tpu.memory_space<vmem>>, vector<16xf32>,
      tpu.vector_store %arg13[%swap3A_387, %swap3A_388, %swap3A_389], %broadcast_in_dim3A_5 {strides = array<i32>} : memref<4x16x1152xf32, #tpu.memory_space<vmem>>, vector<16xf32>,
      %swap3A_391 = arith.constant 0 : i32
      %swap3A_392 = arith.index_cast %swap3A_391 : i32 to index
      %swap3A_393 = arith.index_cast %scan3A_371 : i32 to index
      %swap3A_394 = arith.constant 1088 : index
      %swap3A_395 = tpu.vector_load %arg13[%swap3A_392, %swap3A_393, %swap3A_394] {strides = array<i32>} : memref<4x16x1152xf32, #tpu.memory_space<vmem>>, vector<16xf32>,
      tpu.vector_store %arg13[%swap3A_392, %swap3A_393, %swap3A_394], %broadcast_in_dim3A_5 {strides = array<i32>} : memref<4x16x1152xf32, #tpu.memory_space<vmem>>, vector<16xf32>,
      %swap3A_396 = arith.constant 0 : i32
      %swap3A_397 = arith.index_cast %swap3A_396 : i32 to index
      %swap3A_398 = arith.index_cast %scan3A_371 : i32 to index
      %swap3A_399 = arith.constant 1104 : index
      %swap3A_400 = tpu.vector_load %arg13[%swap3A_397, %swap3A_398, %swap3A_399] {strides = array<i32>} : memref<4x16x1152xf32, #tpu.memory_space<vmem>>, vector<16xf32>,
      tpu.vector_store %arg13[%swap3A_397, %swap3A_398, %swap3A_399], %broadcast_in_dim3A_5 {strides = array<i32>} : memref<4x16x1152xf32, #tpu.memory_space<vmem>>, vector<16xf32>,
      %swap3A_401 = arith.constant 0 : i32
      %swap3A_402 = arith.index_cast %swap3A_401 : i32 to index
      %swap3A_403 = arith.index_cast %scan3A_371 : i32 to index
      %swap3A_404 = arith.constant 1120 : index
      %swap3A_405 = tpu.vector_load %arg13[%swap3A_402, %swap3A_403, %swap3A_404] {strides = array<i32>} : memref<4x16x1152xf32, #tpu.memory_space<vmem>>, vector<16xf32>,
      tpu.vector_store %arg13[%swap3A_402, %swap3A_403, %swap3A_404], %broadcast_in_dim3A_5 {strides = array<i32>} : memref<4x16x1152xf32, #tpu.memory_space<vmem>>, vector<16xf32>,
      %swap3A_406 = arith.constant 0 : i32
      %swap3A_407 = arith.index_cast %swap3A_406 : i32 to index
      %swap3A_408 = arith.index_cast %scan3A_371 : i32 to index
      %swap3A_409 = arith.constant 1136 : index
      %swap3A_410 = tpu.vector_load %arg13[%swap3A_407, %swap3A_408, %swap3A_409] {strides = array<i32>} : memref<4x16x1152xf32, #tpu.memory_space<vmem>>, vector<16xf32>,
      tpu.vector_store %arg13[%swap3A_407, %swap3A_408, %swap3A_409], %broadcast_in_dim3A_5 {strides = array<i32>} : memref<4x16x1152xf32, #tpu.memory_space<vmem>>, vector<16xf32>,
      %swap3A_411 = arith.constant 1 : i32
      %swap3A_412 = arith.index_cast %swap3A_411 : i32 to index
      %swap3A_413 = arith.index_cast %scan3A_371 : i32 to index
      %swap3A_414 = arith.constant 1024 : index
      %swap3A_415 = tpu.vector_load %arg13[%swap3A_412, %swap3A_413, %swap3A_414] {strides = array<i32>} : memref<4x16x1152xf32, #tpu.memory_space<vmem>>, vector<16xf32>,
      tpu.vector_store %arg13[%swap3A_412, %swap3A_413, %swap3A_414], %broadcast_in_dim3A_5 {strides = array<i32>} : memref<4x16x1152xf32, #tpu.memory_space<vmem>>, vector<16xf32>,
      %swap3A_416 = arith.constant 1 : i32
      %swap3A_417 = arith.index_cast %swap3A_416 : i32 to index
      %swap3A_418 = arith.index_cast %scan3A_371 : i32 to index
      %swap3A_419 = arith.constant 1040 : index
      %swap3A_420 = tpu.vector_load %arg13[%swap3A_417, %swap3A_418, %swap3A_419] {strides = array<i32>} : memref<4x16x1152xf32, #tpu.memory_space<vmem>>, vector<16xf32>,
      tpu.vector_store %arg13[%swap3A_417, %swap3A_418, %swap3A_419], %broadcast_in_dim3A_5 {strides = array<i32>} : memref<4x16x1152xf32, #tpu.memory_space<vmem>>, vector<16xf32>,
      %swap3A_421 = arith.constant 1 : i32
      %swap3A_422 = arith.index_cast %swap3A_421 : i32 to index
      %swap3A_423 = arith.index_cast %scan3A_371 : i32 to index
      %swap3A_424 = arith.constant 1056 : index
      %swap3A_425 = tpu.vector_load %arg13[%swap3A_422, %swap3A_423, %swap3A_424] {strides = array<i32>} : memref<4x16x1152xf32, #tpu.memory_space<vmem>>, vector<16xf32>,
      tpu.vector_store %arg13[%swap3A_422, %swap3A_423, %swap3A_424], %broadcast_in_dim3A_5 {strides = array<i32>} : memref<4x16x1152xf32, #tpu.memory_space<vmem>>, vector<16xf32>,
      %swap3A_426 = arith.constant 1 : i32
      %swap3A_427 = arith.index_cast %swap3A_426 : i32 to index
      %swap3A_428 = arith.index_cast %scan3A_371 : i32 to index
      %swap3A_429 = arith.constant 1072 : index
      %swap3A_430 = tpu.vector_load %arg13[%swap3A_427, %swap3A_428, %swap3A_429] {strides = array<i32>} : memref<4x16x1152xf32, #tpu.memory_space<vmem>>, vector<16xf32>,
      tpu.vector_store %arg13[%swap3A_427, %swap3A_428, %swap3A_429], %broadcast_in_dim3A_5 {strides = array<i32>} : memref<4x16x1152xf32, #tpu.memory_space<vmem>>, vector<16xf32>,
      %swap3A_431 = arith.constant 1 : i32
      %swap3A_432 = arith.index_cast %swap3A_431 : i32 to index
      %swap3A_433 = arith.index_cast %scan3A_371 : i32 to index
      %swap3A_434 = arith.constant 1088 : index
      %swap3A_435 = tpu.vector_load %arg13[%swap3A_432, %swap3A_433, %swap3A_434] {strides = array<i32>} : memref<4x16x1152xf32, #tpu.memory_space<vmem>>, vector<16xf32>,
      tpu.vector_store %arg13[%swap3A_432, %swap3A_433, %swap3A_434], %broadcast_in_dim3A_5 {strides = array<i32>} : memref<4x16x1152xf32, #tpu.memory_space<vmem>>, vector<16xf32>,
      %swap3A_436 = arith.constant 1 : i32
      %swap3A_437 = arith.index_cast %swap3A_436 : i32 to index
      %swap3A_438 = arith.index_cast %scan3A_371 : i32 to index
      %swap3A_439 = arith.constant 1104 : index
      %swap3A_440 = tpu.vector_load %arg13[%swap3A_437, %swap3A_438, %swap3A_439] {strides = array<i32>} : memref<4x16x1152xf32, #tpu.memory_space<vmem>>, vector<16xf32>,
      tpu.vector_store %arg13[%swap3A_437, %swap3A_438, %swap3A_439], %broadcast_in_dim3A_5 {strides = array<i32>} : memref<4x16x1152xf32, #tpu.memory_space<vmem>>, vector<16xf32>,
      %swap3A_441 = arith.constant 1 : i32
      %swap3A_442 = arith.index_cast %swap3A_441 : i32 to index
      %swap3A_443 = arith.index_cast %scan3A_371 : i32 to index
      %swap3A_444 = arith.constant 1120 : index
      %swap3A_445 = tpu.vector_load %arg13[%swap3A_442, %swap3A_443, %swap3A_444] {strides = array<i32>} : memref<4x16x1152xf32, #tpu.memory_space<vmem>>, vector<16xf32>,
      tpu.vector_store %arg13[%swap3A_442, %swap3A_443, %swap3A_444], %broadcast_in_dim3A_5 {strides = array<i32>} : memref<4x16x1152xf32, #tpu.memory_space<vmem>>, vector<16xf32>,
      %swap3A_446 = arith.constant 1 : i32
      %swap3A_447 = arith.index_cast %swap3A_446 : i32 to index
      %swap3A_448 = arith.index_cast %scan3A_371 : i32 to index
      %swap3A_449 = arith.constant 1136 : index
      %swap3A_450 = tpu.vector_load %arg13[%swap3A_447, %swap3A_448, %swap3A_449] {strides = array<i32>} : memref<4x16x1152xf32, #tpu.memory_space<vmem>>, vector<16xf32>,
      tpu.vector_store %arg13[%swap3A_447, %swap3A_448, %swap3A_449], %broadcast_in_dim3A_5 {strides = array<i32>} : memref<4x16x1152xf32, #tpu.memory_space<vmem>>, vector<16xf32>,
      %swap3A_451 = arith.constant 2 : i32
      %swap3A_452 = arith.index_cast %swap3A_451 : i32 to index
      %swap3A_453 = arith.index_cast %scan3A_371 : i32 to index
      %swap3A_454 = arith.constant 1024 : index
      %swap3A_455 = tpu.vector_load %arg13[%swap3A_452, %swap3A_453, %swap3A_454] {strides = array<i32>} : memref<4x16x1152xf32, #tpu.memory_space<vmem>>, vector<16xf32>,
      tpu.vector_store %arg13[%swap3A_452, %swap3A_453, %swap3A_454], %broadcast_in_dim3A_5 {strides = array<i32>} : memref<4x16x1152xf32, #tpu.memory_space<vmem>>, vector<16xf32>,
      %swap3A_456 = arith.constant 2 : i32
      %swap3A_457 = arith.index_cast %swap3A_456 : i32 to index
      %swap3A_458 = arith.index_cast %scan3A_371 : i32 to index
      %swap3A_459 = arith.constant 1040 : index
      %swap3A_460 = tpu.vector_load %arg13[%swap3A_457, %swap3A_458, %swap3A_459] {strides = array<i32>} : memref<4x16x1152xf32, #tpu.memory_space<vmem>>, vector<16xf32>,
      tpu.vector_store %arg13[%swap3A_457, %swap3A_458, %swap3A_459], %broadcast_in_dim3A_5 {strides = array<i32>} : memref<4x16x1152xf32, #tpu.memory_space<vmem>>, vector<16xf32>,
      %swap3A_461 = arith.constant 2 : i32
      %swap3A_462 = arith.index_cast %swap3A_461 : i32 to index
      %swap3A_463 = arith.index_cast %scan3A_371 : i32 to index
      %swap3A_464 = arith.constant 1056 : index
      %swap3A_465 = tpu.vector_load %arg13[%swap3A_462, %swap3A_463, %swap3A_464] {strides = array<i32>} : memref<4x16x1152xf32, #tpu.memory_space<vmem>>, vector<16xf32>,
      tpu.vector_store %arg13[%swap3A_462, %swap3A_463, %swap3A_464], %broadcast_in_dim3A_5 {strides = array<i32>} : memref<4x16x1152xf32, #tpu.memory_space<vmem>>, vector<16xf32>,
      %swap3A_466 = arith.constant 2 : i32
      %swap3A_467 = arith.index_cast %swap3A_466 : i32 to index
      %swap3A_468 = arith.index_cast %scan3A_371 : i32 to index
      %swap3A_469 = arith.constant 1072 : index
      %swap3A_470 = tpu.vector_load %arg13[%swap3A_467, %swap3A_468, %swap3A_469] {strides = array<i32>} : memref<4x16x1152xf32, #tpu.memory_space<vmem>>, vector<16xf32>,
      tpu.vector_store %arg13[%swap3A_467, %swap3A_468, %swap3A_469], %broadcast_in_dim3A_5 {strides = array<i32>} : memref<4x16x1152xf32, #tpu.memory_space<vmem>>, vector<16xf32>,
      %swap3A_471 = arith.constant 2 : i32
      %swap3A_472 = arith.index_cast %swap3A_471 : i32 to index
      %swap3A_473 = arith.index_cast %scan3A_371 : i32 to index
      %swap3A_474 = arith.constant 1088 : index
      %swap3A_475 = tpu.vector_load %arg13[%swap3A_472, %swap3A_473, %swap3A_474] {strides = array<i32>} : memref<4x16x1152xf32, #tpu.memory_space<vmem>>, vector<16xf32>,
      tpu.vector_store %arg13[%swap3A_472, %swap3A_473, %swap3A_474], %broadcast_in_dim3A_5 {strides = array<i32>} : memref<4x16x1152xf32, #tpu.memory_space<vmem>>, vector<16xf32>,
      %swap3A_476 = arith.constant 2 : i32
      %swap3A_477 = arith.index_cast %swap3A_476 : i32 to index
      %swap3A_478 = arith.index_cast %scan3A_371 : i32 to index
      %swap3A_479 = arith.constant 1104 : index
      %swap3A_480 = tpu.vector_load %arg13[%swap3A_477, %swap3A_478, %swap3A_479] {strides = array<i32>} : memref<4x16x1152xf32, #tpu.memory_space<vmem>>, vector<16xf32>,
      tpu.vector_store %arg13[%swap3A_477, %swap3A_478, %swap3A_479], %broadcast_in_dim3A_5 {strides = array<i32>} : memref<4x16x1152xf32, #tpu.memory_space<vmem>>, vector<16xf32>,
      %swap3A_481 = arith.constant 2 : i32
      %swap3A_482 = arith.index_cast %swap3A_481 : i32 to index
      %swap3A_483 = arith.index_cast %scan3A_371 : i32 to index
      %swap3A_484 = arith.constant 1120 : index
      %swap3A_485 = tpu.vector_load %arg13[%swap3A_482, %swap3A_483, %swap3A_484] {strides = array<i32>} : memref<4x16x1152xf32, #tpu.memory_space<vmem>>, vector<16xf32>,
      tpu.vector_store %arg13[%swap3A_482, %swap3A_483, %swap3A_484], %broadcast_in_dim3A_5 {strides = array<i32>} : memref<4x16x1152xf32, #tpu.memory_space<vmem>>, vector<16xf32>,
      %swap3A_486 = arith.constant 2 : i32
      %swap3A_487 = arith.index_cast %swap3A_486 : i32 to index
      %swap3A_488 = arith.index_cast %scan3A_371 : i32 to index
      %swap3A_489 = arith.constant 1136 : index
      %swap3A_490 = tpu.vector_load %arg13[%swap3A_487, %swap3A_488, %swap3A_489] {strides = array<i32>} : memref<4x16x1152xf32, #tpu.memory_space<vmem>>, vector<16xf32>,
      tpu.vector_store %arg13[%swap3A_487, %swap3A_488, %swap3A_489], %broadcast_in_dim3A_5 {strides = array<i32>} : memref<4x16x1152xf32, #tpu.memory_space<vmem>>, vector<16xf32>,
      %swap3A_491 = arith.constant 3 : i32
      %swap3A_492 = arith.index_cast %swap3A_491 : i32 to index
      %swap3A_493 = arith.index_cast %scan3A_371 : i32 to index
      %swap3A_494 = arith.constant 1024 : index
      %swap3A_495 = tpu.vector_load %arg13[%swap3A_492, %swap3A_493, %swap3A_494] {strides = array<i32>} : memref<4x16x1152xf32, #tpu.memory_space<vmem>>, vector<16xf32>,
      tpu.vector_store %arg13[%swap3A_492, %swap3A_493, %swap3A_494], %broadcast_in_dim3A_5 {strides = array<i32>} : memref<4x16x1152xf32, #tpu.memory_space<vmem>>, vector<16xf32>,
      %swap3A_496 = arith.constant 3 : i32
      %swap3A_497 = arith.index_cast %swap3A_496 : i32 to index
      %swap3A_498 = arith.index_cast %scan3A_371 : i32 to index
      %swap3A_499 = arith.constant 1040 : index
      %swap3A_500 = tpu.vector_load %arg13[%swap3A_497, %swap3A_498, %swap3A_499] {strides = array<i32>} : memref<4x16x1152xf32, #tpu.memory_space<vmem>>, vector<16xf32>,
      tpu.vector_store %arg13[%swap3A_497, %swap3A_498, %swap3A_499], %broadcast_in_dim3A_5 {strides = array<i32>} : memref<4x16x1152xf32, #tpu.memory_space<vmem>>, vector<16xf32>,
      %swap3A_501 = arith.constant 3 : i32
      %swap3A_502 = arith.index_cast %swap3A_501 : i32 to index
      %swap3A_503 = arith.index_cast %scan3A_371 : i32 to index
      %swap3A_504 = arith.constant 1056 : index
      %swap3A_505 = tpu.vector_load %arg13[%swap3A_502, %swap3A_503, %swap3A_504] {strides = array<i32>} : memref<4x16x1152xf32, #tpu.memory_space<vmem>>, vector<16xf32>,
      tpu.vector_store %arg13[%swap3A_502, %swap3A_503, %swap3A_504], %broadcast_in_dim3A_5 {strides = array<i32>} : memref<4x16x1152xf32, #tpu.memory_space<vmem>>, vector<16xf32>,
      %swap3A_506 = arith.constant 3 : i32
      %swap3A_507 = arith.index_cast %swap3A_506 : i32 to index
      %swap3A_508 = arith.index_cast %scan3A_371 : i32 to index
      %swap3A_509 = arith.constant 1072 : index
      %swap3A_510 = tpu.vector_load %arg13[%swap3A_507, %swap3A_508, %swap3A_509] {strides = array<i32>} : memref<4x16x1152xf32, #tpu.memory_space<vmem>>, vector<16xf32>,
      tpu.vector_store %arg13[%swap3A_507, %swap3A_508, %swap3A_509], %broadcast_in_dim3A_5 {strides = array<i32>} : memref<4x16x1152xf32, #tpu.memory_space<vmem>>, vector<16xf32>,
      %swap3A_511 = arith.constant 3 : i32
      %swap3A_512 = arith.index_cast %swap3A_511 : i32 to index
      %swap3A_513 = arith.index_cast %scan3A_371 : i32 to index
      %swap3A_514 = arith.constant 1088 : index
      %swap3A_515 = tpu.vector_load %arg13[%swap3A_512, %swap3A_513, %swap3A_514] {strides = array<i32>} : memref<4x16x1152xf32, #tpu.memory_space<vmem>>, vector<16xf32>,
      tpu.vector_store %arg13[%swap3A_512, %swap3A_513, %swap3A_514], %broadcast_in_dim3A_5 {strides = array<i32>} : memref<4x16x1152xf32, #tpu.memory_space<vmem>>, vector<16xf32>,
      %swap3A_516 = arith.constant 3 : i32
      %swap3A_517 = arith.index_cast %swap3A_516 : i32 to index
      %swap3A_518 = arith.index_cast %scan3A_371 : i32 to index
      %swap3A_519 = arith.constant 1104 : index
      %swap3A_520 = tpu.vector_load %arg13[%swap3A_517, %swap3A_518, %swap3A_519] {strides = array<i32>} : memref<4x16x1152xf32, #tpu.memory_space<vmem>>, vector<16xf32>,
      tpu.vector_store %arg13[%swap3A_517, %swap3A_518, %swap3A_519], %broadcast_in_dim3A_5 {strides = array<i32>} : memref<4x16x1152xf32, #tpu.memory_space<vmem>>, vector<16xf32>,
      %swap3A_521 = arith.constant 3 : i32
      %swap3A_522 = arith.index_cast %swap3A_521 : i32 to index
      %swap3A_523 = arith.index_cast %scan3A_371 : i32 to index
      %swap3A_524 = arith.constant 1120 : index
      %swap3A_525 = tpu.vector_load %arg13[%swap3A_522, %swap3A_523, %swap3A_524] {strides = array<i32>} : memref<4x16x1152xf32, #tpu.memory_space<vmem>>, vector<16xf32>,
      tpu.vector_store %arg13[%swap3A_522, %swap3A_523, %swap3A_524], %broadcast_in_dim3A_5 {strides = array<i32>} : memref<4x16x1152xf32, #tpu.memory_space<vmem>>, vector<16xf32>,
      %swap3A_526 = arith.constant 3 : i32
      %swap3A_527 = arith.index_cast %swap3A_526 : i32 to index
      %swap3A_528 = arith.index_cast %scan3A_371 : i32 to index
      %swap3A_529 = arith.constant 1136 : index
      %swap3A_530 = tpu.vector_load %arg13[%swap3A_527, %swap3A_528, %swap3A_529] {strides = array<i32>} : memref<4x16x1152xf32, #tpu.memory_space<vmem>>, vector<16xf32>,
      tpu.vector_store %arg13[%swap3A_527, %swap3A_528, %swap3A_529], %broadcast_in_dim3A_5 {strides = array<i32>} : memref<4x16x1152xf32, #tpu.memory_space<vmem>>, vector<16xf32>,
    }
    %scan3A_10 = arith.constant 16 : i32
    %add3A_11 = arith.constant 0 : i32
    %add3A_12 = arith.addi %mul3A_2, %add3A_11 : i32
    %dma_start3A = arith.constant 0 : i32
    %dma_start3A_13 = arith.constant 0 : i32
    %dma_start3A_14 = arith.constant 0 : i32
    %dma_start3A_15 = tpu.memref_slice %arg13[%dma_start3A, %dma_start3A_13, %dma_start3A_14] : memref<4x16x1152xf32, #tpu.memory_space<vmem>> -> memref<1x16x1024xf32, #tpu.memory_space<vmem>>
    %dma_start3A_16 = tpu.memref_squeeze %dma_start3A_15 : memref<1x16x1024xf32, #tpu.memory_space<vmem>> -> memref<16x1024xf32, #tpu.memory_space<vmem>>
    %dma_start3A_17 = arith.constant 0 : i32
    %dma_start3A_18 = tpu.memref_slice %arg4[%add3A_12, %dma_start3A_17] : memref<16384x1025xf32, #tpu.memory_space<hbm>> -> memref<16x1024xf32, #tpu.memory_space<hbm>>
    %dma_start3A_19 = arith.constant 0 : i32
    %dma_start3A_20 = arith.constant 0 : i32
    %dma_start3A_21 = tpu.memref_slice %arg13[%dma_start3A, %dma_start3A_19, %dma_start3A_20] : memref<4x16x1152xf32, #tpu.memory_space<vmem>> -> memref<1x16x1024xf32, #tpu.memory_space<vmem>>
    %dma_start3A_22 = tpu.memref_squeeze %dma_start3A_21 : memref<1x16x1024xf32, #tpu.memory_space<vmem>> -> memref<16x1024xf32, #tpu.memory_space<vmem>>
    %dma_start3A_23 = arith.constant 0 : i32
    %dma_start3A_24 = tpu.memref_slice %arg4[%add3A_12, %dma_start3A_23] : memref<16384x1025xf32, #tpu.memory_space<hbm>> -> memref<16x1024xf32, #tpu.memory_space<hbm>>
    tpu.enqueue_dma source(%dma_start3A_24 : memref<16x1024xf32, #tpu.memory_space<hbm>>) target(%dma_start3A_22 : memref<16x1024xf32, #tpu.memory_space<vmem>>) target_semaphore(%arg15 : memref<!tpu.dma_semaphore, #tpu.memory_space<semaphore_mem>>)
    %add3A_25 = arith.constant 16 : i32
    %add3A_26 = arith.addi %mul3A_2, %add3A_25 : i32
    %dma_start3A_27 = arith.constant 1 : i32
    %dma_start3A_28 = arith.constant 0 : i32
    %dma_start3A_29 = arith.constant 0 : i32
    %dma_start3A_30 = tpu.memref_slice %arg13[%dma_start3A_27, %dma_start3A_28, %dma_start3A_29] : memref<4x16x1152xf32, #tpu.memory_space<vmem>> -> memref<1x16x1024xf32, #tpu.memory_space<vmem>>
    %dma_start3A_31 = tpu.memref_squeeze %dma_start3A_30 : memref<1x16x1024xf32, #tpu.memory_space<vmem>> -> memref<16x1024xf32, #tpu.memory_space<vmem>>
    %dma_start3A_32 = arith.constant 0 : i32
    %dma_start3A_33 = tpu.memref_slice %arg4[%add3A_26, %dma_start3A_32] : memref<16384x1025xf32, #tpu.memory_space<hbm>> -> memref<16x1024xf32, #tpu.memory_space<hbm>>
    %dma_start3A_34 = arith.constant 0 : i32
    %dma_start3A_35 = arith.constant 0 : i32
    %dma_start3A_36 = tpu.memref_slice %arg13[%dma_start3A_27, %dma_start3A_34, %dma_start3A_35] : memref<4x16x1152xf32, #tpu.memory_space<vmem>> -> memref<1x16x1024xf32, #tpu.memory_space<vmem>>
    %dma_start3A_37 = tpu.memref_squeeze %dma_start3A_36 : memref<1x16x1024xf32, #tpu.memory_space<vmem>> -> memref<16x1024xf32, #tpu.memory_space<vmem>>
    %dma_start3A_38 = arith.constant 0 : i32
    %dma_start3A_39 = tpu.memref_slice %arg4[%add3A_26, %dma_start3A_38] : memref<16384x1025xf32, #tpu.memory_space<hbm>> -> memref<16x1024xf32, #tpu.memory_space<hbm>>
    tpu.enqueue_dma source(%dma_start3A_39 : memref<16x1024xf32, #tpu.memory_space<hbm>>) target(%dma_start3A_37 : memref<16x1024xf32, #tpu.memory_space<vmem>>) target_semaphore(%arg16 : memref<!tpu.dma_semaphore, #tpu.memory_space<semaphore_mem>>)
    %add3A_40 = arith.constant 32 : i32
    %add3A_41 = arith.addi %mul3A_2, %add3A_40 : i32
    %dma_start3A_42 = arith.constant 2 : i32
    %dma_start3A_43 = arith.constant 0 : i32
    %dma_start3A_44 = arith.constant 0 : i32
    %dma_start3A_45 = tpu.memref_slice %arg13[%dma_start3A_42, %dma_start3A_43, %dma_start3A_44] : memref<4x16x1152xf32, #tpu.memory_space<vmem>> -> memref<1x16x1024xf32, #tpu.memory_space<vmem>>
    %dma_start3A_46 = tpu.memref_squeeze %dma_start3A_45 : memref<1x16x1024xf32, #tpu.memory_space<vmem>> -> memref<16x1024xf32, #tpu.memory_space<vmem>>
    %dma_start3A_47 = arith.constant 0 : i32
    %dma_start3A_48 = tpu.memref_slice %arg4[%add3A_41, %dma_start3A_47] : memref<16384x1025xf32, #tpu.memory_space<hbm>> -> memref<16x1024xf32, #tpu.memory_space<hbm>>
    %dma_start3A_49 = arith.constant 0 : i32
    %dma_start3A_50 = arith.constant 0 : i32
    %dma_start3A_51 = tpu.memref_slice %arg13[%dma_start3A_42, %dma_start3A_49, %dma_start3A_50] : memref<4x16x1152xf32, #tpu.memory_space<vmem>> -> memref<1x16x1024xf32, #tpu.memory_space<vmem>>
    %dma_start3A_52 = tpu.memref_squeeze %dma_start3A_51 : memref<1x16x1024xf32, #tpu.memory_space<vmem>> -> memref<16x1024xf32, #tpu.memory_space<vmem>>
    %dma_start3A_53 = arith.constant 0 : i32
    %dma_start3A_54 = tpu.memref_slice %arg4[%add3A_41, %dma_start3A_53] : memref<16384x1025xf32, #tpu.memory_space<hbm>> -> memref<16x1024xf32, #tpu.memory_space<hbm>>
    tpu.enqueue_dma source(%dma_start3A_54 : memref<16x1024xf32, #tpu.memory_space<hbm>>) target(%dma_start3A_52 : memref<16x1024xf32, #tpu.memory_space<vmem>>) target_semaphore(%arg17 : memref<!tpu.dma_semaphore, #tpu.memory_space<semaphore_mem>>)
    %add3A_55 = arith.constant 48 : i32
    %add3A_56 = arith.addi %mul3A_2, %add3A_55 : i32
    %dma_start3A_57 = arith.constant 3 : i32
    %dma_start3A_58 = arith.constant 0 : i32
    %dma_start3A_59 = arith.constant 0 : i32
    %dma_start3A_60 = tpu.memref_slice %arg13[%dma_start3A_57, %dma_start3A_58, %dma_start3A_59] : memref<4x16x1152xf32, #tpu.memory_space<vmem>> -> memref<1x16x1024xf32, #tpu.memory_space<vmem>>
    %dma_start3A_61 = tpu.memref_squeeze %dma_start3A_60 : memref<1x16x1024xf32, #tpu.memory_space<vmem>> -> memref<16x1024xf32, #tpu.memory_space<vmem>>
    %dma_start3A_62 = arith.constant 0 : i32
    %dma_start3A_63 = tpu.memref_slice %arg4[%add3A_56, %dma_start3A_62] : memref<16384x1025xf32, #tpu.memory_space<hbm>> -> memref<16x1024xf32, #tpu.memory_space<hbm>>
    %dma_start3A_64 = arith.constant 0 : i32
    %dma_start3A_65 = arith.constant 0 : i32
    %dma_start3A_66 = tpu.memref_slice %arg13[%dma_start3A_57, %dma_start3A_64, %dma_start3A_65] : memref<4x16x1152xf32, #tpu.memory_space<vmem>> -> memref<1x16x1024xf32, #tpu.memory_space<vmem>>
    %dma_start3A_67 = tpu.memref_squeeze %dma_start3A_66 : memref<1x16x1024xf32, #tpu.memory_space<vmem>> -> memref<16x1024xf32, #tpu.memory_space<vmem>>
    %dma_start3A_68 = arith.constant 0 : i32
    %dma_start3A_69 = tpu.memref_slice %arg4[%add3A_56, %dma_start3A_68] : memref<16384x1025xf32, #tpu.memory_space<hbm>> -> memref<16x1024xf32, #tpu.memory_space<hbm>>
    tpu.enqueue_dma source(%dma_start3A_69 : memref<16x1024xf32, #tpu.memory_space<hbm>>) target(%dma_start3A_67 : memref<16x1024xf32, #tpu.memory_space<vmem>>) target_semaphore(%arg18 : memref<!tpu.dma_semaphore, #tpu.memory_space<semaphore_mem>>)
    "tpu.region"() ({
      %run_scoped3A = tpu.sem_alloc : memref<!tpu.dma_semaphore, #tpu.memory_space<semaphore_mem>>
      tpu.enqueue_dma source(%arg3 : memref<512xi32, #tpu.memory_space<hbm>>) target(%arg9 : memref<512xi32, #tpu.memory_space<vmem>>) target_semaphore(%run_scoped3A : memref<!tpu.dma_semaphore, #tpu.memory_space<semaphore_mem>>)
      tpu.wait_dma2 semaphore(%run_scoped3A : memref<!tpu.dma_semaphore, #tpu.memory_space<semaphore_mem>>) src(%arg3 : memref<512xi32, #tpu.memory_space<hbm>>) dst(%arg9 : memref<512xi32, #tpu.memory_space<vmem>>)
      tpu.yield
    }) : () -> ()
    "tpu.region"() ({
      %run_scoped3A = tpu.sem_alloc : memref<!tpu.dma_semaphore, #tpu.memory_space<semaphore_mem>>
      %dma_start3A_371 = tpu.memref_slice %arg2[%mul3A_2] : memref<16384xi32, #tpu.memory_space<hbm>> -> memref<512xi32, #tpu.memory_space<hbm>>
      %dma_start3A_372 = tpu.memref_slice %arg2[%mul3A_2] : memref<16384xi32, #tpu.memory_space<hbm>> -> memref<512xi32, #tpu.memory_space<hbm>>
      tpu.enqueue_dma source(%dma_start3A_372 : memref<512xi32, #tpu.memory_space<hbm>>) target(%arg10 : memref<512xi32, #tpu.memory_space<vmem>>) target_semaphore(%run_scoped3A : memref<!tpu.dma_semaphore, #tpu.memory_space<semaphore_mem>>)
      %dma_wait3A_373 = tpu.memref_slice %arg2[%mul3A_2] : memref<16384xi32, #tpu.memory_space<hbm>> -> memref<512xi32, #tpu.memory_space<hbm>>
      %dma_wait3A_374 = tpu.memref_slice %arg2[%mul3A_2] : memref<16384xi32, #tpu.memory_space<hbm>> -> memref<512xi32, #tpu.memory_space<hbm>>
      tpu.wait_dma2 semaphore(%run_scoped3A : memref<!tpu.dma_semaphore, #tpu.memory_space<semaphore_mem>>) src(%dma_wait3A_374 : memref<512xi32, #tpu.memory_space<hbm>>) dst(%arg10 : memref<512xi32, #tpu.memory_space<vmem>>)
      tpu.yield
    }) : () -> ()
    "tpu.region"() ({
      %run_scoped3A = tpu.sem_alloc : memref<!tpu.dma_semaphore, #tpu.memory_space<semaphore_mem>>
      %dma_start3A_371 = tpu.memref_slice %arg5[%mul3A_2] : memref<16384xf32, #tpu.memory_space<hbm>> -> memref<512xf32, #tpu.memory_space<hbm>>
      %dma_start3A_372 = tpu.memref_slice %arg5[%mul3A_2] : memref<16384xf32, #tpu.memory_space<hbm>> -> memref<512xf32, #tpu.memory_space<hbm>>
      tpu.enqueue_dma source(%dma_start3A_372 : memref<512xf32, #tpu.memory_space<hbm>>) target(%arg12 : memref<512xf32, #tpu.memory_space<vmem>>) target_semaphore(%run_scoped3A : memref<!tpu.dma_semaphore, #tpu.memory_space<semaphore_mem>>)
      %dma_wait3A_373 = tpu.memref_slice %arg5[%mul3A_2] : memref<16384xf32, #tpu.memory_space<hbm>> -> memref<512xf32, #tpu.memory_space<hbm>>
      %dma_wait3A_374 = tpu.memref_slice %arg5[%mul3A_2] : memref<16384xf32, #tpu.memory_space<hbm>> -> memref<512xf32, #tpu.memory_space<hbm>>
      tpu.wait_dma2 semaphore(%run_scoped3A : memref<!tpu.dma_semaphore, #tpu.memory_space<semaphore_mem>>) src(%dma_wait3A_374 : memref<512xf32, #tpu.memory_space<hbm>>) dst(%arg12 : memref<512xf32, #tpu.memory_space<vmem>>)
      tpu.yield
    }) : () -> ()
    %scan3A_70 = arith.constant 0 : i32
    %scan3A_71 = arith.constant 32 : i32
    %scan3A_72 = arith.addi %scan3A_70, %scan3A_71 : i32
    %scan3A_73 = arith.constant 1 : i32
    %scan3A_74:2 = scf.for %scan3A_371 = %scan3A_70 to %scan3A_72 step %scan3A_73 iter_args(%scan3A_372 = %broadcast_in_dim3A_3, %scan3A_373 = %broadcast_in_dim3A_3) -> (vector<16xi32>, vector<16xi32>)  : i32 {
      %mul3A_374 = arith.constant 16 : i32
      %mul3A_375 = arith.muli %scan3A_371, %mul3A_374 : i32
      %get3A = arith.index_cast %mul3A_375 : i32 to index
      %get3A_376 = tpu.vector_load %arg9[%get3A] {strides = array<i32>} : memref<512xi32, #tpu.memory_space<vmem>>, vector<16xi32>,
      %add3A_377 = arith.addi %scan3A_372, %get3A_376 : vector<16xi32>
      %lt3A = arith.cmpi slt, %scan3A_371, %add3A : i32
      %jit3A_378 = arith.constant 0 : i32
      %broadcast_in_dim3A_379 = vector.broadcast %jit3A_378 : i32 to vector<16xi32>
      %select_n3A_380 = arith.select %lt3A, %get3A_376, %broadcast_in_dim3A_379 : vector<16xi32>
      %add3A_381 = arith.addi %scan3A_373, %select_n3A_380 : vector<16xi32>
      scf.yield %add3A_377, %add3A_381 : vector<16xi32>, vector<16xi32>
    }
    %scan3A_75 = arith.constant 32 : i32
    %add3A_76 = arith.constant 255 : i32
    %add3A_77 = vector.broadcast %add3A_76 : i32 to vector<16xi32>
    %add3A_78 = arith.addi %scan3A_74#0, %add3A_77 : vector<16xi32>
    %jit3A = arith.constant 256 : i32
    %div3A = vector.broadcast %jit3A : i32 to vector<16xi32>
    %div3A_79 = arith.divsi %add3A_78, %div3A : vector<16xi32>
    %sign3A = arith.constant 0 : i32
    %sign3A_80 = vector.broadcast %sign3A : i32 to vector<16xi32>
    %sign3A_81 = arith.cmpi sgt, %add3A_78, %sign3A_80 : vector<16xi32>
    %sign3A_82 = arith.extui %sign3A_81 : vector<16xi1> to vector<16xi32>
    %sign3A_83 = arith.constant 0 : i32
    %sign3A_84 = vector.broadcast %sign3A_83 : i32 to vector<16xi32>
    %sign3A_85 = arith.cmpi slt, %add3A_78, %sign3A_84 : vector<16xi32>
    %sign3A_86 = arith.extui %sign3A_85 : vector<16xi1> to vector<16xi32>
    %sign3A_87 = arith.subi %sign3A_82, %sign3A_86 : vector<16xi32>
    %sign3A_88 = arith.constant 0 : i32
    %sign3A_89 = arith.cmpi sgt, %jit3A, %sign3A_88 : i32
    %sign3A_90 = arith.extui %sign3A_89 : i1 to i32
    %sign3A_91 = arith.constant 0 : i32
    %sign3A_92 = arith.cmpi slt, %jit3A, %sign3A_91 : i32
    %sign3A_93 = arith.extui %sign3A_92 : i1 to i32
    %sign3A_94 = arith.subi %sign3A_90, %sign3A_93 : i32
    %ne3A = vector.broadcast %sign3A_94 : i32 to vector<16xi32>
    %ne3A_95 = arith.cmpi ne, %sign3A_87, %ne3A : vector<16xi32>
    %rem3A = vector.broadcast %jit3A : i32 to vector<16xi32>
    %rem3A_96 = arith.remsi %add3A_78, %rem3A : vector<16xi32>
    %ne3A_97 = arith.constant 0 : i32
    %ne3A_98 = vector.broadcast %ne3A_97 : i32 to vector<16xi32>
    %ne3A_99 = arith.cmpi ne, %rem3A_96, %ne3A_98 : vector<16xi32>
    %and3A = arith.andi %ne3A_95, %ne3A_99 : vector<16xi1>
    %sub3A = arith.constant 1 : i32
    %sub3A_100 = vector.broadcast %sub3A : i32 to vector<16xi32>
    %sub3A_101 = arith.subi %div3A_79, %sub3A_100 : vector<16xi32>
    %select_n3A = arith.select %and3A, %sub3A_101, %div3A_79 : vector<16xi1>, vector<16xi32>
    %mul3A_102 = arith.constant 256 : i32
    %mul3A_103 = vector.broadcast %mul3A_102 : i32 to vector<16xi32>
    %mul3A_104 = arith.muli %select_n3A, %mul3A_103 : vector<16xi32>
    %cumsum3A = arith.constant true
    %cumsum3A_105 = vector.broadcast %cumsum3A : i1 to vector<16xi1>
    %cumsum3A_106 = tpu.scan <sum>, %mul3A_104 masked %cumsum3A_105 : vector<16xi32>, vector<16xi1> -> vector<16xi32>
    %sub3A_107 = arith.subi %cumsum3A_106, %mul3A_104 : vector<16xi32>
    %add3A_108 = arith.addi %sub3A_107, %scan3A_74#1 : vector<16xi32>
    %eq3A = arith.constant 0 : i32
    %eq3A_109 = vector.broadcast %eq3A : i32 to vector<16xi32>
    %eq3A_110 = arith.cmpi eq, %iota3A, %eq3A_109 : vector<16xi32>
    %jit3A_111 = arith.constant 0 : i32
    %broadcast_in_dim3A_112 = vector.broadcast %jit3A_111 : i32 to vector<16xi32>
    %select_n3A_113 = arith.select %eq3A_110, %add3A_108, %broadcast_in_dim3A_112 : vector<16xi1>, vector<16xi32>
    %reduce_sum3A = arith.constant true
    %reduce_sum3A_114 = vector.broadcast %reduce_sum3A : i1 to vector<16xi1>
    %reduce_sum3A_115 = tpu.scan <sum>, %select_n3A_113 masked %reduce_sum3A_114 : vector<16xi32>, vector<16xi1> -> vector<16xi32>
    %reduce_sum3A_116 = vector.extract %reduce_sum3A_115[15] : i32 from vector<16xi32>
    %eq3A_117 = arith.constant 1 : i32
    %eq3A_118 = vector.broadcast %eq3A_117 : i32 to vector<16xi32>
    %eq3A_119 = arith.cmpi eq, %iota3A, %eq3A_118 : vector<16xi32>
    %jit3A_120 = arith.constant 0 : i32
    %broadcast_in_dim3A_121 = vector.broadcast %jit3A_120 : i32 to vector<16xi32>
    %select_n3A_122 = arith.select %eq3A_119, %add3A_108, %broadcast_in_dim3A_121 : vector<16xi1>, vector<16xi32>
    %reduce_sum3A_123 = arith.constant true
    %reduce_sum3A_124 = vector.broadcast %reduce_sum3A_123 : i1 to vector<16xi1>
    %reduce_sum3A_125 = tpu.scan <sum>, %select_n3A_122 masked %reduce_sum3A_124 : vector<16xi32>, vector<16xi1> -> vector<16xi32>
    %reduce_sum3A_126 = vector.extract %reduce_sum3A_125[15] : i32 from vector<16xi32>
    %eq3A_127 = arith.constant 2 : i32
    %eq3A_128 = vector.broadcast %eq3A_127 : i32 to vector<16xi32>
    %eq3A_129 = arith.cmpi eq, %iota3A, %eq3A_128 : vector<16xi32>
    %jit3A_130 = arith.constant 0 : i32
    %broadcast_in_dim3A_131 = vector.broadcast %jit3A_130 : i32 to vector<16xi32>
    %select_n3A_132 = arith.select %eq3A_129, %add3A_108, %broadcast_in_dim3A_131 : vector<16xi1>, vector<16xi32>
    %reduce_sum3A_133 = arith.constant true
    %reduce_sum3A_134 = vector.broadcast %reduce_sum3A_133 : i1 to vector<16xi1>
    %reduce_sum3A_135 = tpu.scan <sum>, %select_n3A_132 masked %reduce_sum3A_134 : vector<16xi32>, vector<16xi1> -> vector<16xi32>
    %reduce_sum3A_136 = vector.extract %reduce_sum3A_135[15] : i32 from vector<16xi32>
    %eq3A_137 = arith.constant 3 : i32
    %eq3A_138 = vector.broadcast %eq3A_137 : i32 to vector<16xi32>
    %eq3A_139 = arith.cmpi eq, %iota3A, %eq3A_138 : vector<16xi32>
    %jit3A_140 = arith.constant 0 : i32
    %broadcast_in_dim3A_141 = vector.broadcast %jit3A_140 : i32 to vector<16xi32>
    %select_n3A_142 = arith.select %eq3A_139, %add3A_108, %broadcast_in_dim3A_141 : vector<16xi1>, vector<16xi32>
    %reduce_sum3A_143 = arith.constant true
    %reduce_sum3A_144 = vector.broadcast %reduce_sum3A_143 : i1 to vector<16xi1>
    %reduce_sum3A_145 = tpu.scan <sum>, %select_n3A_142 masked %reduce_sum3A_144 : vector<16xi32>, vector<16xi1> -> vector<16xi32>
    %reduce_sum3A_146 = vector.extract %reduce_sum3A_145[15] : i32 from vector<16xi32>
    %eq3A_147 = arith.constant 4 : i32
    %eq3A_148 = vector.broadcast %eq3A_147 : i32 to vector<16xi32>
    %eq3A_149 = arith.cmpi eq, %iota3A, %eq3A_148 : vector<16xi32>
    %jit3A_150 = arith.constant 0 : i32
    %broadcast_in_dim3A_151 = vector.broadcast %jit3A_150 : i32 to vector<16xi32>
    %select_n3A_152 = arith.select %eq3A_149, %add3A_108, %broadcast_in_dim3A_151 : vector<16xi1>, vector<16xi32>
    %reduce_sum3A_153 = arith.constant true
    %reduce_sum3A_154 = vector.broadcast %reduce_sum3A_153 : i1 to vector<16xi1>
    %reduce_sum3A_155 = tpu.scan <sum>, %select_n3A_152 masked %reduce_sum3A_154 : vector<16xi32>, vector<16xi1> -> vector<16xi32>
    %reduce_sum3A_156 = vector.extract %reduce_sum3A_155[15] : i32 from vector<16xi32>
    %eq3A_157 = arith.constant 1 : i32
    %eq3A_158 = vector.broadcast %eq3A_157 : i32 to vector<16xi32>
    %eq3A_159 = arith.cmpi eq, %iota3A, %eq3A_158 : vector<16xi32>
    %jit3A_160 = arith.constant 0 : i32
    %broadcast_in_dim3A_161 = vector.broadcast %jit3A_160 : i32 to vector<16xi32>
    %select_n3A_162 = arith.select %eq3A_159, %sub3A_107, %broadcast_in_dim3A_161 : vector<16xi1>, vector<16xi32>
    %reduce_sum3A_163 = arith.constant true
    %reduce_sum3A_164 = vector.broadcast %reduce_sum3A_163 : i1 to vector<16xi1>
    %reduce_sum3A_165 = tpu.scan <sum>, %select_n3A_162 masked %reduce_sum3A_164 : vector<16xi32>, vector<16xi1> -> vector<16xi32>
    %reduce_sum3A_166 = vector.extract %reduce_sum3A_165[15] : i32 from vector<16xi32>
    %jit3A_167 = arith.constant 256 : i32
    %div3A_168 = arith.divsi %reduce_sum3A_166, %jit3A_167 : i32
    %sign3A_169 = arith.constant 0 : i32
    %sign3A_170 = arith.cmpi sgt, %reduce_sum3A_166, %sign3A_169 : i32
    %sign3A_171 = arith.extui %sign3A_170 : i1 to i32
    %sign3A_172 = arith.constant 0 : i32
    %sign3A_173 = arith.cmpi slt, %reduce_sum3A_166, %sign3A_172 : i32
    %sign3A_174 = arith.extui %sign3A_173 : i1 to i32
    %sign3A_175 = arith.subi %sign3A_171, %sign3A_174 : i32
    %sign3A_176 = arith.constant 0 : i32
    %sign3A_177 = arith.cmpi sgt, %jit3A_167, %sign3A_176 : i32
    %sign3A_178 = arith.extui %sign3A_177 : i1 to i32
    %sign3A_179 = arith.constant 0 : i32
    %sign3A_180 = arith.cmpi slt, %jit3A_167, %sign3A_179 : i32
    %sign3A_181 = arith.extui %sign3A_180 : i1 to i32
    %sign3A_182 = arith.subi %sign3A_178, %sign3A_181 : i32
    %ne3A_183 = arith.cmpi ne, %sign3A_175, %sign3A_182 : i32
    %rem3A_184 = arith.remsi %reduce_sum3A_166, %jit3A_167 : i32
    %ne3A_185 = arith.constant 0 : i32
    %ne3A_186 = arith.cmpi ne, %rem3A_184, %ne3A_185 : i32
    %and3A_187 = arith.andi %ne3A_183, %ne3A_186 : i1
    %sub3A_188 = arith.constant 1 : i32
    %sub3A_189 = arith.subi %div3A_168, %sub3A_188 : i32
    %select_n3A_190 = arith.select %and3A_187, %sub3A_189, %div3A_168 : i32
    %eq3A_191 = arith.constant 2 : i32
    %eq3A_192 = vector.broadcast %eq3A_191 : i32 to vector<16xi32>
    %eq3A_193 = arith.cmpi eq, %iota3A, %eq3A_192 : vector<16xi32>
    %jit3A_194 = arith.constant 0 : i32
    %broadcast_in_dim3A_195 = vector.broadcast %jit3A_194 : i32 to vector<16xi32>
    %select_n3A_196 = arith.select %eq3A_193, %sub3A_107, %broadcast_in_dim3A_195 : vector<16xi1>, vector<16xi32>
    %reduce_sum3A_197 = arith.constant true
    %reduce_sum3A_198 = vector.broadcast %reduce_sum3A_197 : i1 to vector<16xi1>
    %reduce_sum3A_199 = tpu.scan <sum>, %select_n3A_196 masked %reduce_sum3A_198 : vector<16xi32>, vector<16xi1> -> vector<16xi32>
    %reduce_sum3A_200 = vector.extract %reduce_sum3A_199[15] : i32 from vector<16xi32>
    %jit3A_201 = arith.constant 256 : i32
    %div3A_202 = arith.divsi %reduce_sum3A_200, %jit3A_201 : i32
    %sign3A_203 = arith.constant 0 : i32
    %sign3A_204 = arith.cmpi sgt, %reduce_sum3A_200, %sign3A_203 : i32
    %sign3A_205 = arith.extui %sign3A_204 : i1 to i32
    %sign3A_206 = arith.constant 0 : i32
    %sign3A_207 = arith.cmpi slt, %reduce_sum3A_200, %sign3A_206 : i32
    %sign3A_208 = arith.extui %sign3A_207 : i1 to i32
    %sign3A_209 = arith.subi %sign3A_205, %sign3A_208 : i32
    %sign3A_210 = arith.constant 0 : i32
    %sign3A_211 = arith.cmpi sgt, %jit3A_201, %sign3A_210 : i32
    %sign3A_212 = arith.extui %sign3A_211 : i1 to i32
    %sign3A_213 = arith.constant 0 : i32
    %sign3A_214 = arith.cmpi slt, %jit3A_201, %sign3A_213 : i32
    %sign3A_215 = arith.extui %sign3A_214 : i1 to i32
    %sign3A_216 = arith.subi %sign3A_212, %sign3A_215 : i32
    %ne3A_217 = arith.cmpi ne, %sign3A_209, %sign3A_216 : i32
    %rem3A_218 = arith.remsi %reduce_sum3A_200, %jit3A_201 : i32
    %ne3A_219 = arith.constant 0 : i32
    %ne3A_220 = arith.cmpi ne, %rem3A_218, %ne3A_219 : i32
    %and3A_221 = arith.andi %ne3A_217, %ne3A_220 : i1
    %sub3A_222 = arith.constant 1 : i32
    %sub3A_223 = arith.subi %div3A_202, %sub3A_222 : i32
    %select_n3A_224 = arith.select %and3A_221, %sub3A_223, %div3A_202 : i32
    %eq3A_225 = arith.constant 3 : i32
    %eq3A_226 = vector.broadcast %eq3A_225 : i32 to vector<16xi32>
    %eq3A_227 = arith.cmpi eq, %iota3A, %eq3A_226 : vector<16xi32>
    %jit3A_228 = arith.constant 0 : i32
    %broadcast_in_dim3A_229 = vector.broadcast %jit3A_228 : i32 to vector<16xi32>
    %select_n3A_230 = arith.select %eq3A_227, %sub3A_107, %broadcast_in_dim3A_229 : vector<16xi1>, vector<16xi32>
    %reduce_sum3A_231 = arith.constant true
    %reduce_sum3A_232 = vector.broadcast %reduce_sum3A_231 : i1 to vector<16xi1>
    %reduce_sum3A_233 = tpu.scan <sum>, %select_n3A_230 masked %reduce_sum3A_232 : vector<16xi32>, vector<16xi1> -> vector<16xi32>
    %reduce_sum3A_234 = vector.extract %reduce_sum3A_233[15] : i32 from vector<16xi32>
    %jit3A_235 = arith.constant 256 : i32
    %div3A_236 = arith.divsi %reduce_sum3A_234, %jit3A_235 : i32
    %sign3A_237 = arith.constant 0 : i32
    %sign3A_238 = arith.cmpi sgt, %reduce_sum3A_234, %sign3A_237 : i32
    %sign3A_239 = arith.extui %sign3A_238 : i1 to i32
    %sign3A_240 = arith.constant 0 : i32
    %sign3A_241 = arith.cmpi slt, %reduce_sum3A_234, %sign3A_240 : i32
    %sign3A_242 = arith.extui %sign3A_241 : i1 to i32
    %sign3A_243 = arith.subi %sign3A_239, %sign3A_242 : i32
    %sign3A_244 = arith.constant 0 : i32
    %sign3A_245 = arith.cmpi sgt, %jit3A_235, %sign3A_244 : i32
    %sign3A_246 = arith.extui %sign3A_245 : i1 to i32
    %sign3A_247 = arith.constant 0 : i32
    %sign3A_248 = arith.cmpi slt, %jit3A_235, %sign3A_247 : i32
    %sign3A_249 = arith.extui %sign3A_248 : i1 to i32
    %sign3A_250 = arith.subi %sign3A_246, %sign3A_249 : i32
    %ne3A_251 = arith.cmpi ne, %sign3A_243, %sign3A_250 : i32
    %rem3A_252 = arith.remsi %reduce_sum3A_234, %jit3A_235 : i32
    %ne3A_253 = arith.constant 0 : i32
    %ne3A_254 = arith.cmpi ne, %rem3A_252, %ne3A_253 : i32
    %and3A_255 = arith.andi %ne3A_251, %ne3A_254 : i1
    %sub3A_256 = arith.constant 1 : i32
    %sub3A_257 = arith.subi %div3A_236, %sub3A_256 : i32
    %select_n3A_258 = arith.select %and3A_255, %sub3A_257, %div3A_236 : i32
    %eq3A_259 = arith.constant 4 : i32
    %eq3A_260 = vector.broadcast %eq3A_259 : i32 to vector<16xi32>
    %eq3A_261 = arith.cmpi eq, %iota3A, %eq3A_260 : vector<16xi32>
    %jit3A_262 = arith.constant 0 : i32
    %broadcast_in_dim3A_263 = vector.broadcast %jit3A_262 : i32 to vector<16xi32>
    %select_n3A_264 = arith.select %eq3A_261, %sub3A_107, %broadcast_in_dim3A_263 : vector<16xi1>, vector<16xi32>
    %reduce_sum3A_265 = arith.constant true
    %reduce_sum3A_266 = vector.broadcast %reduce_sum3A_265 : i1 to vector<16xi1>
    %reduce_sum3A_267 = tpu.scan <sum>, %select_n3A_264 masked %reduce_sum3A_266 : vector<16xi32>, vector<16xi1> -> vector<16xi32>
    %reduce_sum3A_268 = vector.extract %reduce_sum3A_267[15] : i32 from vector<16xi32>
    %jit3A_269 = arith.constant 256 : i32
    %div3A_270 = arith.divsi %reduce_sum3A_268, %jit3A_269 : i32
    %sign3A_271 = arith.constant 0 : i32
    %sign3A_272 = arith.cmpi sgt, %reduce_sum3A_268, %sign3A_271 : i32
    %sign3A_273 = arith.extui %sign3A_272 : i1 to i32
    %sign3A_274 = arith.constant 0 : i32
    %sign3A_275 = arith.cmpi slt, %reduce_sum3A_268, %sign3A_274 : i32
    %sign3A_276 = arith.extui %sign3A_275 : i1 to i32
    %sign3A_277 = arith.subi %sign3A_273, %sign3A_276 : i32
    %sign3A_278 = arith.constant 0 : i32
    %sign3A_279 = arith.cmpi sgt, %jit3A_269, %sign3A_278 : i32
    %sign3A_280 = arith.extui %sign3A_279 : i1 to i32
    %sign3A_281 = arith.constant 0 : i32
    %sign3A_282 = arith.cmpi slt, %jit3A_269, %sign3A_281 : i32
    %sign3A_283 = arith.extui %sign3A_282 : i1 to i32
    %sign3A_284 = arith.subi %sign3A_280, %sign3A_283 : i32
    %ne3A_285 = arith.cmpi ne, %sign3A_277, %sign3A_284 : i32
    %rem3A_286 = arith.remsi %reduce_sum3A_268, %jit3A_269 : i32
    %ne3A_287 = arith.constant 0 : i32
    %ne3A_288 = arith.cmpi ne, %rem3A_286, %ne3A_287 : i32
    %and3A_289 = arith.andi %ne3A_285, %ne3A_288 : i1
    %sub3A_290 = arith.constant 1 : i32
    %sub3A_291 = arith.subi %div3A_270, %sub3A_290 : i32
    %select_n3A_292 = arith.select %and3A_289, %sub3A_291, %div3A_270 : i32
    %eq3A_293 = arith.constant 0 : i32
    %eq3A_294 = arith.cmpi eq, %add3A, %eq3A_293 : i32
    %convert_element_type3A = arith.extui %eq3A_294 : i1 to i32
    %cond3A = arith.constant 0 : i32
    %cond3A_295 = arith.cmpi ne, %convert_element_type3A, %cond3A : i32
    scf.if %cond3A_295 {
      %add3A_371 = arith.constant 0 : i32
      %add3A_372 = vector.broadcast %add3A_371 : i32 to vector<16xi32>
      %add3A_373 = arith.addi %iota3A, %add3A_372 : vector<16xi32>
      %ge3A = vector.broadcast %select_n3A_190 : i32 to vector<16xi32>
      %ge3A_374 = arith.cmpi sge, %add3A_373, %ge3A : vector<16xi32>
      %convert_element_type3A_375 = arith.extui %ge3A_374 : vector<16xi1> to vector<16xi32>
      %add3A_376 = arith.addi %broadcast_in_dim3A_3, %convert_element_type3A_375 : vector<16xi32>
      %ge3A_377 = vector.broadcast %select_n3A_224 : i32 to vector<16xi32>
      %ge3A_378 = arith.cmpi sge, %add3A_373, %ge3A_377 : vector<16xi32>
      %convert_element_type3A_379 = arith.extui %ge3A_378 : vector<16xi1> to vector<16xi32>
      %add3A_380 = arith.addi %add3A_376, %convert_element_type3A_379 : vector<16xi32>
      %ge3A_381 = vector.broadcast %select_n3A_258 : i32 to vector<16xi32>
      %ge3A_382 = arith.cmpi sge, %add3A_373, %ge3A_381 : vector<16xi32>
      %convert_element_type3A_383 = arith.extui %ge3A_382 : vector<16xi1> to vector<16xi32>
      %add3A_384 = arith.addi %add3A_380, %convert_element_type3A_383 : vector<16xi32>
      %ge3A_385 = vector.broadcast %select_n3A_292 : i32 to vector<16xi32>
      %ge3A_386 = arith.cmpi sge, %add3A_373, %ge3A_385 : vector<16xi32>
      %convert_element_type3A_387 = arith.extui %ge3A_386 : vector<16xi1> to vector<16xi32>
      %add3A_388 = arith.addi %add3A_384, %convert_element_type3A_387 : vector<16xi32>
      %swap3A = arith.constant 0 : index
      %swap3A_389 = tpu.vector_load %arg14[%swap3A] {strides = array<i32>} : memref<80xi32, #tpu.memory_space<vmem>>, vector<16xi32>,
      tpu.vector_store %arg14[%swap3A], %add3A_388 {strides = array<i32>} : memref<80xi32, #tpu.memory_space<vmem>>, vector<16xi32>,
      %add3A_390 = arith.constant 16 : i32
      %add3A_391 = vector.broadcast %add3A_390 : i32 to vector<16xi32>
      %add3A_392 = arith.addi %iota3A, %add3A_391 : vector<16xi32>
      %ge3A_393 = vector.broadcast %select_n3A_190 : i32 to vector<16xi32>
      %ge3A_394 = arith.cmpi sge, %add3A_392, %ge3A_393 : vector<16xi32>
      %convert_element_type3A_395 = arith.extui %ge3A_394 : vector<16xi1> to vector<16xi32>
      %add3A_396 = arith.addi %broadcast_in_dim3A_3, %convert_element_type3A_395 : vector<16xi32>
      %ge3A_397 = vector.broadcast %select_n3A_224 : i32 to vector<16xi32>
      %ge3A_398 = arith.cmpi sge, %add3A_392, %ge3A_397 : vector<16xi32>
      %convert_element_type3A_399 = arith.extui %ge3A_398 : vector<16xi1> to vector<16xi32>
      %add3A_400 = arith.addi %add3A_396, %convert_element_type3A_399 : vector<16xi32>
      %ge3A_401 = vector.broadcast %select_n3A_258 : i32 to vector<16xi32>
      %ge3A_402 = arith.cmpi sge, %add3A_392, %ge3A_401 : vector<16xi32>
      %convert_element_type3A_403 = arith.extui %ge3A_402 : vector<16xi1> to vector<16xi32>
      %add3A_404 = arith.addi %add3A_400, %convert_element_type3A_403 : vector<16xi32>
      %ge3A_405 = vector.broadcast %select_n3A_292 : i32 to vector<16xi32>
      %ge3A_406 = arith.cmpi sge, %add3A_392, %ge3A_405 : vector<16xi32>
      %convert_element_type3A_407 = arith.extui %ge3A_406 : vector<16xi1> to vector<16xi32>
      %add3A_408 = arith.addi %add3A_404, %convert_element_type3A_407 : vector<16xi32>
      %swap3A_409 = arith.constant 16 : index
      %swap3A_410 = tpu.vector_load %arg14[%swap3A_409] {strides = array<i32>} : memref<80xi32, #tpu.memory_space<vmem>>, vector<16xi32>,
      tpu.vector_store %arg14[%swap3A_409], %add3A_408 {strides = array<i32>} : memref<80xi32, #tpu.memory_space<vmem>>, vector<16xi32>,
      %add3A_411 = arith.constant 32 : i32
      %add3A_412 = vector.broadcast %add3A_411 : i32 to vector<16xi32>
      %add3A_413 = arith.addi %iota3A, %add3A_412 : vector<16xi32>
      %ge3A_414 = vector.broadcast %select_n3A_190 : i32 to vector<16xi32>
      %ge3A_415 = arith.cmpi sge, %add3A_413, %ge3A_414 : vector<16xi32>
      %convert_element_type3A_416 = arith.extui %ge3A_415 : vector<16xi1> to vector<16xi32>
      %add3A_417 = arith.addi %broadcast_in_dim3A_3, %convert_element_type3A_416 : vector<16xi32>
      %ge3A_418 = vector.broadcast %select_n3A_224 : i32 to vector<16xi32>
      %ge3A_419 = arith.cmpi sge, %add3A_413, %ge3A_418 : vector<16xi32>
      %convert_element_type3A_420 = arith.extui %ge3A_419 : vector<16xi1> to vector<16xi32>
      %add3A_421 = arith.addi %add3A_417, %convert_element_type3A_420 : vector<16xi32>
      %ge3A_422 = vector.broadcast %select_n3A_258 : i32 to vector<16xi32>
      %ge3A_423 = arith.cmpi sge, %add3A_413, %ge3A_422 : vector<16xi32>
      %convert_element_type3A_424 = arith.extui %ge3A_423 : vector<16xi1> to vector<16xi32>
      %add3A_425 = arith.addi %add3A_421, %convert_element_type3A_424 : vector<16xi32>
      %ge3A_426 = vector.broadcast %select_n3A_292 : i32 to vector<16xi32>
      %ge3A_427 = arith.cmpi sge, %add3A_413, %ge3A_426 : vector<16xi32>
      %convert_element_type3A_428 = arith.extui %ge3A_427 : vector<16xi1> to vector<16xi32>
      %add3A_429 = arith.addi %add3A_425, %convert_element_type3A_428 : vector<16xi32>
      %swap3A_430 = arith.constant 32 : index
      %swap3A_431 = tpu.vector_load %arg14[%swap3A_430] {strides = array<i32>} : memref<80xi32, #tpu.memory_space<vmem>>, vector<16xi32>,
      tpu.vector_store %arg14[%swap3A_430], %add3A_429 {strides = array<i32>} : memref<80xi32, #tpu.memory_space<vmem>>, vector<16xi32>,
      %add3A_432 = arith.constant 48 : i32
      %add3A_433 = vector.broadcast %add3A_432 : i32 to vector<16xi32>
      %add3A_434 = arith.addi %iota3A, %add3A_433 : vector<16xi32>
      %ge3A_435 = vector.broadcast %select_n3A_190 : i32 to vector<16xi32>
      %ge3A_436 = arith.cmpi sge, %add3A_434, %ge3A_435 : vector<16xi32>
      %convert_element_type3A_437 = arith.extui %ge3A_436 : vector<16xi1> to vector<16xi32>
      %add3A_438 = arith.addi %broadcast_in_dim3A_3, %convert_element_type3A_437 : vector<16xi32>
      %ge3A_439 = vector.broadcast %select_n3A_224 : i32 to vector<16xi32>
      %ge3A_440 = arith.cmpi sge, %add3A_434, %ge3A_439 : vector<16xi32>
      %convert_element_type3A_441 = arith.extui %ge3A_440 : vector<16xi1> to vector<16xi32>
      %add3A_442 = arith.addi %add3A_438, %convert_element_type3A_441 : vector<16xi32>
      %ge3A_443 = vector.broadcast %select_n3A_258 : i32 to vector<16xi32>
      %ge3A_444 = arith.cmpi sge, %add3A_434, %ge3A_443 : vector<16xi32>
      %convert_element_type3A_445 = arith.extui %ge3A_444 : vector<16xi1> to vector<16xi32>
      %add3A_446 = arith.addi %add3A_442, %convert_element_type3A_445 : vector<16xi32>
      %ge3A_447 = vector.broadcast %select_n3A_292 : i32 to vector<16xi32>
      %ge3A_448 = arith.cmpi sge, %add3A_434, %ge3A_447 : vector<16xi32>
      %convert_element_type3A_449 = arith.extui %ge3A_448 : vector<16xi1> to vector<16xi32>
      %add3A_450 = arith.addi %add3A_446, %convert_element_type3A_449 : vector<16xi32>
      %swap3A_451 = arith.constant 48 : index
      %swap3A_452 = tpu.vector_load %arg14[%swap3A_451] {strides = array<i32>} : memref<80xi32, #tpu.memory_space<vmem>>, vector<16xi32>,
      tpu.vector_store %arg14[%swap3A_451], %add3A_450 {strides = array<i32>} : memref<80xi32, #tpu.memory_space<vmem>>, vector<16xi32>,
      %add3A_453 = arith.constant 64 : i32
      %add3A_454 = vector.broadcast %add3A_453 : i32 to vector<16xi32>
      %add3A_455 = arith.addi %iota3A, %add3A_454 : vector<16xi32>
      %ge3A_456 = vector.broadcast %select_n3A_190 : i32 to vector<16xi32>
      %ge3A_457 = arith.cmpi sge, %add3A_455, %ge3A_456 : vector<16xi32>
      %convert_element_type3A_458 = arith.extui %ge3A_457 : vector<16xi1> to vector<16xi32>
      %add3A_459 = arith.addi %broadcast_in_dim3A_3, %convert_element_type3A_458 : vector<16xi32>
      %ge3A_460 = vector.broadcast %select_n3A_224 : i32 to vector<16xi32>
      %ge3A_461 = arith.cmpi sge, %add3A_455, %ge3A_460 : vector<16xi32>
      %convert_element_type3A_462 = arith.extui %ge3A_461 : vector<16xi1> to vector<16xi32>
      %add3A_463 = arith.addi %add3A_459, %convert_element_type3A_462 : vector<16xi32>
      %ge3A_464 = vector.broadcast %select_n3A_258 : i32 to vector<16xi32>
      %ge3A_465 = arith.cmpi sge, %add3A_455, %ge3A_464 : vector<16xi32>
      %convert_element_type3A_466 = arith.extui %ge3A_465 : vector<16xi1> to vector<16xi32>
      %add3A_467 = arith.addi %add3A_463, %convert_element_type3A_466 : vector<16xi32>
      %ge3A_468 = vector.broadcast %select_n3A_292 : i32 to vector<16xi32>
      %ge3A_469 = arith.cmpi sge, %add3A_455, %ge3A_468 : vector<16xi32>
      %convert_element_type3A_470 = arith.extui %ge3A_469 : vector<16xi1> to vector<16xi32>
      %add3A_471 = arith.addi %add3A_467, %convert_element_type3A_470 : vector<16xi32>
      %swap3A_472 = arith.constant 64 : index
      %swap3A_473 = tpu.vector_load %arg14[%swap3A_472] {strides = array<i32>} : memref<80xi32, #tpu.memory_space<vmem>>, vector<16xi32>,
      tpu.vector_store %arg14[%swap3A_472], %add3A_471 {strides = array<i32>} : memref<80xi32, #tpu.memory_space<vmem>>, vector<16xi32>,
      "tpu.region"() ({
        %run_scoped3A = tpu.sem_alloc : memref<!tpu.dma_semaphore, #tpu.memory_space<semaphore_mem>>
        tpu.enqueue_dma source(%arg14 : memref<80xi32, #tpu.memory_space<vmem>>) target(%arg8 : memref<80xi32, #tpu.memory_space<hbm>>) target_semaphore(%run_scoped3A : memref<!tpu.dma_semaphore, #tpu.memory_space<semaphore_mem>>)
        tpu.wait_dma2 semaphore(%run_scoped3A : memref<!tpu.dma_semaphore, #tpu.memory_space<semaphore_mem>>) src(%arg14 : memref<80xi32, #tpu.memory_space<vmem>>) dst(%arg8 : memref<80xi32, #tpu.memory_space<hbm>>)
        tpu.yield
      }) : () -> ()
    } else {
    }
    %scan3A_296 = arith.constant 0 : i32
    %scan3A_297 = arith.constant 0 : i32
    %scan3A_298 = arith.constant 0 : i32
    %scan3A_299 = arith.constant 0 : i32
    %scan3A_300 = arith.constant 0 : i32
    %scan3A_301 = arith.constant 0 : i32
    %scan3A_302 = arith.constant 32 : i32
    %scan3A_303 = arith.addi %scan3A_301, %scan3A_302 : i32
    %scan3A_304 = arith.constant 1 : i32
    %scan3A_305:5 = scf.for %scan3A_371 = %scan3A_301 to %scan3A_303 step %scan3A_304 iter_args(%scan3A_372 = %scan3A_296, %scan3A_373 = %scan3A_297, %scan3A_374 = %scan3A_298, %scan3A_375 = %scan3A_299, %scan3A_376 = %scan3A_300) -> (i32, i32, i32, i32, i32)  : i32 {
      %mul3A_377 = arith.constant 16 : i32
      %mul3A_378 = arith.muli %scan3A_371, %mul3A_377 : i32
      %get3A = arith.index_cast %mul3A_378 : i32 to index
      %get3A_379 = tpu.vector_load %arg10[%get3A] {strides = array<i32>} : memref<512xi32, #tpu.memory_space<vmem>>, vector<16xi32>,
      %eq3A_380 = arith.constant 0 : i32
      %eq3A_381 = vector.broadcast %eq3A_380 : i32 to vector<16xi32>
      %eq3A_382 = arith.cmpi eq, %get3A_379, %eq3A_381 : vector<16xi32>
      %convert_element_type3A_383 = arith.extui %eq3A_382 : vector<16xi1> to vector<16xi32>
      %cumsum3A_384 = arith.constant true
      %cumsum3A_385 = vector.broadcast %cumsum3A_384 : i1 to vector<16xi1>
      %cumsum3A_386 = tpu.scan <sum>, %convert_element_type3A_383 masked %cumsum3A_385 : vector<16xi32>, vector<16xi1> -> vector<16xi32>
      %add3A_387 = arith.addi %reduce_sum3A_116, %scan3A_372 : i32
      %add3A_388 = vector.broadcast %add3A_387 : i32 to vector<16xi32>
      %add3A_389 = arith.addi %add3A_388, %cumsum3A_386 : vector<16xi32>
      %sub3A_390 = arith.constant 1 : i32
      %sub3A_391 = vector.broadcast %sub3A_390 : i32 to vector<16xi32>
      %sub3A_392 = arith.subi %add3A_389, %sub3A_391 : vector<16xi32>
      %mul3A_393 = arith.muli %convert_element_type3A_383, %sub3A_392 : vector<16xi32>
      %add3A_394 = arith.addi %broadcast_in_dim3A_3, %mul3A_393 : vector<16xi32>
      %reduce_sum3A_395 = arith.constant true
      %reduce_sum3A_396 = vector.broadcast %reduce_sum3A_395 : i1 to vector<16xi1>
      %reduce_sum3A_397 = tpu.scan <sum>, %convert_element_type3A_383 masked %reduce_sum3A_396 : vector<16xi32>, vector<16xi1> -> vector<16xi32>
      %reduce_sum3A_398 = vector.extract %reduce_sum3A_397[15] : i32 from vector<16xi32>
      %add3A_399 = arith.addi %scan3A_372, %reduce_sum3A_398 : i32
      %eq3A_400 = arith.constant 1 : i32
      %eq3A_401 = vector.broadcast %eq3A_400 : i32 to vector<16xi32>
      %eq3A_402 = arith.cmpi eq, %get3A_379, %eq3A_401 : vector<16xi32>
      %convert_element_type3A_403 = arith.extui %eq3A_402 : vector<16xi1> to vector<16xi32>
      %cumsum3A_404 = arith.constant true
      %cumsum3A_405 = vector.broadcast %cumsum3A_404 : i1 to vector<16xi1>
      %cumsum3A_406 = tpu.scan <sum>, %convert_element_type3A_403 masked %cumsum3A_405 : vector<16xi32>, vector<16xi1> -> vector<16xi32>
      %add3A_407 = arith.addi %reduce_sum3A_126, %scan3A_373 : i32
      %add3A_408 = vector.broadcast %add3A_407 : i32 to vector<16xi32>
      %add3A_409 = arith.addi %add3A_408, %cumsum3A_406 : vector<16xi32>
      %sub3A_410 = arith.constant 1 : i32
      %sub3A_411 = vector.broadcast %sub3A_410 : i32 to vector<16xi32>
      %sub3A_412 = arith.subi %add3A_409, %sub3A_411 : vector<16xi32>
      %mul3A_413 = arith.muli %convert_element_type3A_403, %sub3A_412 : vector<16xi32>
      %add3A_414 = arith.addi %add3A_394, %mul3A_413 : vector<16xi32>
      %reduce_sum3A_415 = arith.constant true
      %reduce_sum3A_416 = vector.broadcast %reduce_sum3A_415 : i1 to vector<16xi1>
      %reduce_sum3A_417 = tpu.scan <sum>, %convert_element_type3A_403 masked %reduce_sum3A_416 : vector<16xi32>, vector<16xi1> -> vector<16xi32>
      %reduce_sum3A_418 = vector.extract %reduce_sum3A_417[15] : i32 from vector<16xi32>
      %add3A_419 = arith.addi %scan3A_373, %reduce_sum3A_418 : i32
      %eq3A_420 = arith.constant 2 : i32
      %eq3A_421 = vector.broadcast %eq3A_420 : i32 to vector<16xi32>
      %eq3A_422 = arith.cmpi eq, %get3A_379, %eq3A_421 : vector<16xi32>
      %convert_element_type3A_423 = arith.extui %eq3A_422 : vector<16xi1> to vector<16xi32>
      %cumsum3A_424 = arith.constant true
      %cumsum3A_425 = vector.broadcast %cumsum3A_424 : i1 to vector<16xi1>
      %cumsum3A_426 = tpu.scan <sum>, %convert_element_type3A_423 masked %cumsum3A_425 : vector<16xi32>, vector<16xi1> -> vector<16xi32>
      %add3A_427 = arith.addi %reduce_sum3A_136, %scan3A_374 : i32
      %add3A_428 = vector.broadcast %add3A_427 : i32 to vector<16xi32>
      %add3A_429 = arith.addi %add3A_428, %cumsum3A_426 : vector<16xi32>
      %sub3A_430 = arith.constant 1 : i32
      %sub3A_431 = vector.broadcast %sub3A_430 : i32 to vector<16xi32>
      %sub3A_432 = arith.subi %add3A_429, %sub3A_431 : vector<16xi32>
      %mul3A_433 = arith.muli %convert_element_type3A_423, %sub3A_432 : vector<16xi32>
      %add3A_434 = arith.addi %add3A_414, %mul3A_433 : vector<16xi32>
      %reduce_sum3A_435 = arith.constant true
      %reduce_sum3A_436 = vector.broadcast %reduce_sum3A_435 : i1 to vector<16xi1>
      %reduce_sum3A_437 = tpu.scan <sum>, %convert_element_type3A_423 masked %reduce_sum3A_436 : vector<16xi32>, vector<16xi1> -> vector<16xi32>
      %reduce_sum3A_438 = vector.extract %reduce_sum3A_437[15] : i32 from vector<16xi32>
      %add3A_439 = arith.addi %scan3A_374, %reduce_sum3A_438 : i32
      %eq3A_440 = arith.constant 3 : i32
      %eq3A_441 = vector.broadcast %eq3A_440 : i32 to vector<16xi32>
      %eq3A_442 = arith.cmpi eq, %get3A_379, %eq3A_441 : vector<16xi32>
      %convert_element_type3A_443 = arith.extui %eq3A_442 : vector<16xi1> to vector<16xi32>
      %cumsum3A_444 = arith.constant true
      %cumsum3A_445 = vector.broadcast %cumsum3A_444 : i1 to vector<16xi1>
      %cumsum3A_446 = tpu.scan <sum>, %convert_element_type3A_443 masked %cumsum3A_445 : vector<16xi32>, vector<16xi1> -> vector<16xi32>
      %add3A_447 = arith.addi %reduce_sum3A_146, %scan3A_375 : i32
      %add3A_448 = vector.broadcast %add3A_447 : i32 to vector<16xi32>
      %add3A_449 = arith.addi %add3A_448, %cumsum3A_446 : vector<16xi32>
      %sub3A_450 = arith.constant 1 : i32
      %sub3A_451 = vector.broadcast %sub3A_450 : i32 to vector<16xi32>
      %sub3A_452 = arith.subi %add3A_449, %sub3A_451 : vector<16xi32>
      %mul3A_453 = arith.muli %convert_element_type3A_443, %sub3A_452 : vector<16xi32>
      %add3A_454 = arith.addi %add3A_434, %mul3A_453 : vector<16xi32>
      %reduce_sum3A_455 = arith.constant true
      %reduce_sum3A_456 = vector.broadcast %reduce_sum3A_455 : i1 to vector<16xi1>
      %reduce_sum3A_457 = tpu.scan <sum>, %convert_element_type3A_443 masked %reduce_sum3A_456 : vector<16xi32>, vector<16xi1> -> vector<16xi32>
      %reduce_sum3A_458 = vector.extract %reduce_sum3A_457[15] : i32 from vector<16xi32>
      %add3A_459 = arith.addi %scan3A_375, %reduce_sum3A_458 : i32
      %eq3A_460 = arith.constant 4 : i32
      %eq3A_461 = vector.broadcast %eq3A_460 : i32 to vector<16xi32>
      %eq3A_462 = arith.cmpi eq, %get3A_379, %eq3A_461 : vector<16xi32>
      %convert_element_type3A_463 = arith.extui %eq3A_462 : vector<16xi1> to vector<16xi32>
      %cumsum3A_464 = arith.constant true
      %cumsum3A_465 = vector.broadcast %cumsum3A_464 : i1 to vector<16xi1>
      %cumsum3A_466 = tpu.scan <sum>, %convert_element_type3A_463 masked %cumsum3A_465 : vector<16xi32>, vector<16xi1> -> vector<16xi32>
      %add3A_467 = arith.addi %reduce_sum3A_156, %scan3A_376 : i32
      %add3A_468 = vector.broadcast %add3A_467 : i32 to vector<16xi32>
      %add3A_469 = arith.addi %add3A_468, %cumsum3A_466 : vector<16xi32>
      %sub3A_470 = arith.constant 1 : i32
      %sub3A_471 = vector.broadcast %sub3A_470 : i32 to vector<16xi32>
      %sub3A_472 = arith.subi %add3A_469, %sub3A_471 : vector<16xi32>
      %mul3A_473 = arith.muli %convert_element_type3A_463, %sub3A_472 : vector<16xi32>
      %add3A_474 = arith.addi %add3A_454, %mul3A_473 : vector<16xi32>
      %reduce_sum3A_475 = arith.constant true
      %reduce_sum3A_476 = vector.broadcast %reduce_sum3A_475 : i1 to vector<16xi1>
      %reduce_sum3A_477 = tpu.scan <sum>, %convert_element_type3A_463 masked %reduce_sum3A_476 : vector<16xi32>, vector<16xi1> -> vector<16xi32>
      %reduce_sum3A_478 = vector.extract %reduce_sum3A_477[15] : i32 from vector<16xi32>
      %add3A_479 = arith.addi %scan3A_376, %reduce_sum3A_478 : i32
      %mul3A_480 = arith.constant 16 : i32
      %mul3A_481 = arith.muli %scan3A_371, %mul3A_480 : i32
      %swap3A = arith.index_cast %mul3A_481 : i32 to index
      %swap3A_482 = tpu.vector_load %arg11[%swap3A] {strides = array<i32>} : memref<512xi32, #tpu.memory_space<vmem>>, vector<16xi32>,
      tpu.vector_store %arg11[%swap3A], %add3A_474 {strides = array<i32>} : memref<512xi32, #tpu.memory_space<vmem>>, vector<16xi32>,
      scf.yield %add3A_399, %add3A_419, %add3A_439, %add3A_459, %add3A_479 : i32, i32, i32, i32, i32
    }
    %scan3A_306 = arith.constant 32 : i32
    %scan3A_307 = arith.constant 0 : i32
    %scan3A_308 = arith.constant 8 : i32
    %scan3A_309 = arith.addi %scan3A_307, %scan3A_308 : i32
    %scan3A_310 = arith.constant 1 : i32
    scf.for %scan3A_371 = %scan3A_307 to %scan3A_309 step %scan3A_310  : i32 {
      %mul3A_372 = arith.constant 4 : i32
      %mul3A_373 = arith.muli %scan3A_371, %mul3A_372 : i32
      %add3A_374 = arith.constant 0 : i32
      %add3A_375 = arith.addi %add3A_374, %mul3A_373 : i32
      %add3A_376 = arith.constant 0 : i32
      %add3A_377 = arith.addi %add3A_375, %add3A_376 : i32
      %dma_wait3A_378 = arith.constant 0 : i32
      %dma_wait3A_379 = arith.constant 0 : i32
      %dma_wait3A_380 = arith.constant 0 : i32
      %dma_wait3A_381 = tpu.memref_slice %arg13[%dma_wait3A_378, %dma_wait3A_379, %dma_wait3A_380] : memref<4x16x1152xf32, #tpu.memory_space<vmem>> -> memref<1x16x1024xf32, #tpu.memory_space<vmem>>
      %dma_wait3A_382 = tpu.memref_squeeze %dma_wait3A_381 : memref<1x16x1024xf32, #tpu.memory_space<vmem>> -> memref<16x1024xf32, #tpu.memory_space<vmem>>
      %dma_wait3A_383 = arith.constant 0 : i32
      %dma_wait3A_384 = arith.constant 0 : i32
      %dma_wait3A_385 = tpu.memref_slice %arg4[%dma_wait3A_383, %dma_wait3A_384] : memref<16384x1025xf32, #tpu.memory_space<hbm>> -> memref<16x1024xf32, #tpu.memory_space<hbm>>
      %dma_wait3A_386 = arith.constant 0 : i32
      %dma_wait3A_387 = arith.constant 0 : i32
      %dma_wait3A_388 = tpu.memref_slice %arg13[%dma_wait3A_378, %dma_wait3A_386, %dma_wait3A_387] : memref<4x16x1152xf32, #tpu.memory_space<vmem>> -> memref<1x16x1024xf32, #tpu.memory_space<vmem>>
      %dma_wait3A_389 = tpu.memref_squeeze %dma_wait3A_388 : memref<1x16x1024xf32, #tpu.memory_space<vmem>> -> memref<16x1024xf32, #tpu.memory_space<vmem>>
      %dma_wait3A_390 = arith.constant 0 : i32
      %dma_wait3A_391 = arith.constant 0 : i32
      %dma_wait3A_392 = tpu.memref_slice %arg4[%dma_wait3A_390, %dma_wait3A_391] : memref<16384x1025xf32, #tpu.memory_space<hbm>> -> memref<16x1024xf32, #tpu.memory_space<hbm>>
      tpu.wait_dma2 semaphore(%arg15 : memref<!tpu.dma_semaphore, #tpu.memory_space<semaphore_mem>>) src(%dma_wait3A_392 : memref<16x1024xf32, #tpu.memory_space<hbm>>) dst(%dma_wait3A_389 : memref<16x1024xf32, #tpu.memory_space<vmem>>)
      %mul3A_393 = arith.constant 16 : i32
      %mul3A_394 = arith.muli %add3A_377, %mul3A_393 : i32
      %get3A = arith.index_cast %mul3A_394 : i32 to index
      %get3A_395 = tpu.vector_load %arg12[%get3A] {strides = array<i32>} : memref<512xf32, #tpu.memory_space<vmem>>, vector<16xf32>,
      %broadcast_in_dim3A_396 = arith.constant 0 : i32
      %broadcast_in_dim3A_397 = vector.broadcast %broadcast_in_dim3A_396 : i32 to vector<16xi32>
      %broadcast_in_dim3A_398 = arith.constant 1024 : i32
      %broadcast_in_dim3A_399 = vector.broadcast %broadcast_in_dim3A_398 : i32 to vector<16xi32>
      tpu.vector_store_idx %arg13[%broadcast_in_dim3A_397, %iota3A, %broadcast_in_dim3A_399], %get3A_395 : memref<4x16x1152xf32, #tpu.memory_space<vmem>>[vector<16xi32>, vector<16xi32>, vector<16xi32>], vector<16xf32>,
      %mul3A_400 = arith.constant 16 : i32
      %mul3A_401 = arith.muli %add3A_377, %mul3A_400 : i32
      %get3A_402 = arith.index_cast %mul3A_401 : i32 to index
      %get3A_403 = tpu.vector_load %arg11[%get3A_402] {strides = array<i32>} : memref<512xi32, #tpu.memory_space<vmem>>, vector<16xi32>,
      %dma_start3A_404 = arith.constant 0 : i32
      %dma_start3A_405 = arith.constant 0 : i32
      %dma_start3A_406 = arith.constant 0 : i32
      %dma_start3A_407 = tpu.memref_slice %arg13[%dma_start3A_404, %dma_start3A_405, %dma_start3A_406] : memref<4x16x1152xf32, #tpu.memory_space<vmem>> -> memref<1x16x1152xf32, #tpu.memory_space<vmem>>
      %dma_start3A_408 = tpu.memref_squeeze %dma_start3A_407 : memref<1x16x1152xf32, #tpu.memory_space<vmem>> -> memref<16x1152xf32, #tpu.memory_space<vmem>>
      %dma_start3A_409 = arith.constant 0 : i32
      %dma_start3A_410 = arith.constant 0 : i32
      %dma_start3A_411 = tpu.memref_slice %arg6[%dma_start3A_409, %dma_start3A_410] : memref<17664x1152xf32, #tpu.memory_space<hbm>> -> memref<17664x1152xf32, #tpu.memory_space<hbm>>
      tpu.enqueue_indirect_dma source(%dma_start3A_408 : memref<16x1152xf32, #tpu.memory_space<vmem>>) target(%dma_start3A_411 : memref<17664x1152xf32, #tpu.memory_space<hbm>>) offsets(%get3A_403 : vector<16xi32>) semaphore(%arg19 : memref<!tpu.dma_semaphore, #tpu.memory_space<semaphore_mem>>)
      %add3A_412 = arith.constant 4 : i32
      %add3A_413 = arith.addi %add3A_377, %add3A_412 : i32
      %sub3A_414 = arith.constant 2 : i32
      %sub3A_415 = arith.subi %add3A_413, %sub3A_414 : i32
      %ge3A = arith.constant 4 : i32
      %ge3A_416 = arith.cmpi sge, %sub3A_415, %ge3A : i32
      %lt3A = arith.constant 32 : i32
      %lt3A_417 = arith.cmpi slt, %sub3A_415, %lt3A : i32
      %and3A_418 = arith.andi %ge3A_416, %lt3A_417 : i1
      %convert_element_type3A_419 = arith.extui %and3A_418 : i1 to i32
      %cond3A_420 = arith.constant 0 : i32
      %cond3A_421 = arith.cmpi ne, %convert_element_type3A_419, %cond3A_420 : i32
      scf.if %cond3A_421 {
        %dma_wait3A_569 = arith.constant 2 : i32
        %dma_wait3A_570 = arith.constant 0 : i32
        %dma_wait3A_571 = arith.constant 0 : i32
        %dma_wait3A_572 = tpu.memref_slice %arg13[%dma_wait3A_569, %dma_wait3A_570, %dma_wait3A_571] : memref<4x16x1152xf32, #tpu.memory_space<vmem>> -> memref<1x16x1152xf32, #tpu.memory_space<vmem>>
        %dma_wait3A_573 = tpu.memref_squeeze %dma_wait3A_572 : memref<1x16x1152xf32, #tpu.memory_space<vmem>> -> memref<16x1152xf32, #tpu.memory_space<vmem>>
        %dma_wait3A_574 = arith.constant 0 : i32
        %dma_wait3A_575 = arith.constant 0 : i32
        %dma_wait3A_576 = tpu.memref_slice %arg6[%dma_wait3A_574, %dma_wait3A_575] : memref<17664x1152xf32, #tpu.memory_space<hbm>> -> memref<16x1152xf32, #tpu.memory_space<hbm>>
        %dma_wait3A_577 = arith.constant 0 : i32
        %dma_wait3A_578 = arith.constant 0 : i32
        %dma_wait3A_579 = tpu.memref_slice %arg6[%dma_wait3A_577, %dma_wait3A_578] : memref<17664x1152xf32, #tpu.memory_space<hbm>> -> memref<16x1152xf32, #tpu.memory_space<hbm>>
        %dma_wait3A_580 = arith.constant 0 : i32
        %dma_wait3A_581 = arith.constant 0 : i32
        %dma_wait3A_582 = tpu.memref_slice %arg13[%dma_wait3A_569, %dma_wait3A_580, %dma_wait3A_581] : memref<4x16x1152xf32, #tpu.memory_space<vmem>> -> memref<1x16x1152xf32, #tpu.memory_space<vmem>>
        %dma_wait3A_583 = tpu.memref_squeeze %dma_wait3A_582 : memref<1x16x1152xf32, #tpu.memory_space<vmem>> -> memref<16x1152xf32, #tpu.memory_space<vmem>>
        tpu.wait_dma2 semaphore(%arg21 : memref<!tpu.dma_semaphore, #tpu.memory_space<semaphore_mem>>) src(%dma_wait3A_583 : memref<16x1152xf32, #tpu.memory_space<vmem>>) dst(%dma_wait3A_579 : memref<16x1152xf32, #tpu.memory_space<hbm>>)
        %mul3A_584 = arith.constant 16 : i32
        %mul3A_585 = arith.muli %sub3A_415, %mul3A_584 : i32
        %add3A_586 = arith.addi %mul3A_2, %mul3A_585 : i32
        %dma_start3A_587 = arith.constant 2 : i32
        %dma_start3A_588 = arith.constant 0 : i32
        %dma_start3A_589 = arith.constant 0 : i32
        %dma_start3A_590 = tpu.memref_slice %arg13[%dma_start3A_587, %dma_start3A_588, %dma_start3A_589] : memref<4x16x1152xf32, #tpu.memory_space<vmem>> -> memref<1x16x1024xf32, #tpu.memory_space<vmem>>
        %dma_start3A_591 = tpu.memref_squeeze %dma_start3A_590 : memref<1x16x1024xf32, #tpu.memory_space<vmem>> -> memref<16x1024xf32, #tpu.memory_space<vmem>>
        %dma_start3A_592 = arith.constant 0 : i32
        %dma_start3A_593 = tpu.memref_slice %arg4[%add3A_586, %dma_start3A_592] : memref<16384x1025xf32, #tpu.memory_space<hbm>> -> memref<16x1024xf32, #tpu.memory_space<hbm>>
        %dma_start3A_594 = arith.constant 0 : i32
        %dma_start3A_595 = arith.constant 0 : i32
        %dma_start3A_596 = tpu.memref_slice %arg13[%dma_start3A_587, %dma_start3A_594, %dma_start3A_595] : memref<4x16x1152xf32, #tpu.memory_space<vmem>> -> memref<1x16x1024xf32, #tpu.memory_space<vmem>>
        %dma_start3A_597 = tpu.memref_squeeze %dma_start3A_596 : memref<1x16x1024xf32, #tpu.memory_space<vmem>> -> memref<16x1024xf32, #tpu.memory_space<vmem>>
        %dma_start3A_598 = arith.constant 0 : i32
        %dma_start3A_599 = tpu.memref_slice %arg4[%add3A_586, %dma_start3A_598] : memref<16384x1025xf32, #tpu.memory_space<hbm>> -> memref<16x1024xf32, #tpu.memory_space<hbm>>
        tpu.enqueue_dma source(%dma_start3A_599 : memref<16x1024xf32, #tpu.memory_space<hbm>>) target(%dma_start3A_597 : memref<16x1024xf32, #tpu.memory_space<vmem>>) target_semaphore(%arg17 : memref<!tpu.dma_semaphore, #tpu.memory_space<semaphore_mem>>)
      } else {
      }
      %add3A_422 = arith.constant 1 : i32
      %add3A_423 = arith.addi %add3A_375, %add3A_422 : i32
      %dma_wait3A_424 = arith.constant 1 : i32
      %dma_wait3A_425 = arith.constant 0 : i32
      %dma_wait3A_426 = arith.constant 0 : i32
      %dma_wait3A_427 = tpu.memref_slice %arg13[%dma_wait3A_424, %dma_wait3A_425, %dma_wait3A_426] : memref<4x16x1152xf32, #tpu.memory_space<vmem>> -> memref<1x16x1024xf32, #tpu.memory_space<vmem>>
      %dma_wait3A_428 = tpu.memref_squeeze %dma_wait3A_427 : memref<1x16x1024xf32, #tpu.memory_space<vmem>> -> memref<16x1024xf32, #tpu.memory_space<vmem>>
      %dma_wait3A_429 = arith.constant 0 : i32
      %dma_wait3A_430 = arith.constant 0 : i32
      %dma_wait3A_431 = tpu.memref_slice %arg4[%dma_wait3A_429, %dma_wait3A_430] : memref<16384x1025xf32, #tpu.memory_space<hbm>> -> memref<16x1024xf32, #tpu.memory_space<hbm>>
      %dma_wait3A_432 = arith.constant 0 : i32
      %dma_wait3A_433 = arith.constant 0 : i32
      %dma_wait3A_434 = tpu.memref_slice %arg13[%dma_wait3A_424, %dma_wait3A_432, %dma_wait3A_433] : memref<4x16x1152xf32, #tpu.memory_space<vmem>> -> memref<1x16x1024xf32, #tpu.memory_space<vmem>>
      %dma_wait3A_435 = tpu.memref_squeeze %dma_wait3A_434 : memref<1x16x1024xf32, #tpu.memory_space<vmem>> -> memref<16x1024xf32, #tpu.memory_space<vmem>>
      %dma_wait3A_436 = arith.constant 0 : i32
      %dma_wait3A_437 = arith.constant 0 : i32
      %dma_wait3A_438 = tpu.memref_slice %arg4[%dma_wait3A_436, %dma_wait3A_437] : memref<16384x1025xf32, #tpu.memory_space<hbm>> -> memref<16x1024xf32, #tpu.memory_space<hbm>>
      tpu.wait_dma2 semaphore(%arg16 : memref<!tpu.dma_semaphore, #tpu.memory_space<semaphore_mem>>) src(%dma_wait3A_438 : memref<16x1024xf32, #tpu.memory_space<hbm>>) dst(%dma_wait3A_435 : memref<16x1024xf32, #tpu.memory_space<vmem>>)
      %mul3A_439 = arith.constant 16 : i32
      %mul3A_440 = arith.muli %add3A_423, %mul3A_439 : i32
      %get3A_441 = arith.index_cast %mul3A_440 : i32 to index
      %get3A_442 = tpu.vector_load %arg12[%get3A_441] {strides = array<i32>} : memref<512xf32, #tpu.memory_space<vmem>>, vector<16xf32>,
      %broadcast_in_dim3A_443 = arith.constant 1 : i32
      %broadcast_in_dim3A_444 = vector.broadcast %broadcast_in_dim3A_443 : i32 to vector<16xi32>
      %broadcast_in_dim3A_445 = arith.constant 1024 : i32
      %broadcast_in_dim3A_446 = vector.broadcast %broadcast_in_dim3A_445 : i32 to vector<16xi32>
      tpu.vector_store_idx %arg13[%broadcast_in_dim3A_444, %iota3A, %broadcast_in_dim3A_446], %get3A_442 : memref<4x16x1152xf32, #tpu.memory_space<vmem>>[vector<16xi32>, vector<16xi32>, vector<16xi32>], vector<16xf32>,
      %mul3A_447 = arith.constant 16 : i32
      %mul3A_448 = arith.muli %add3A_423, %mul3A_447 : i32
      %get3A_449 = arith.index_cast %mul3A_448 : i32 to index
      %get3A_450 = tpu.vector_load %arg11[%get3A_449] {strides = array<i32>} : memref<512xi32, #tpu.memory_space<vmem>>, vector<16xi32>,
      %dma_start3A_451 = arith.constant 1 : i32
      %dma_start3A_452 = arith.constant 0 : i32
      %dma_start3A_453 = arith.constant 0 : i32
      %dma_start3A_454 = tpu.memref_slice %arg13[%dma_start3A_451, %dma_start3A_452, %dma_start3A_453] : memref<4x16x1152xf32, #tpu.memory_space<vmem>> -> memref<1x16x1152xf32, #tpu.memory_space<vmem>>
      %dma_start3A_455 = tpu.memref_squeeze %dma_start3A_454 : memref<1x16x1152xf32, #tpu.memory_space<vmem>> -> memref<16x1152xf32, #tpu.memory_space<vmem>>
      %dma_start3A_456 = arith.constant 0 : i32
      %dma_start3A_457 = arith.constant 0 : i32
      %dma_start3A_458 = tpu.memref_slice %arg6[%dma_start3A_456, %dma_start3A_457] : memref<17664x1152xf32, #tpu.memory_space<hbm>> -> memref<17664x1152xf32, #tpu.memory_space<hbm>>
      tpu.enqueue_indirect_dma source(%dma_start3A_455 : memref<16x1152xf32, #tpu.memory_space<vmem>>) target(%dma_start3A_458 : memref<17664x1152xf32, #tpu.memory_space<hbm>>) offsets(%get3A_450 : vector<16xi32>) semaphore(%arg20 : memref<!tpu.dma_semaphore, #tpu.memory_space<semaphore_mem>>)
      %add3A_459 = arith.constant 4 : i32
      %add3A_460 = arith.addi %add3A_423, %add3A_459 : i32
      %sub3A_461 = arith.constant 2 : i32
      %sub3A_462 = arith.subi %add3A_460, %sub3A_461 : i32
      %ge3A_463 = arith.constant 4 : i32
      %ge3A_464 = arith.cmpi sge, %sub3A_462, %ge3A_463 : i32
      %lt3A_465 = arith.constant 32 : i32
      %lt3A_466 = arith.cmpi slt, %sub3A_462, %lt3A_465 : i32
      %and3A_467 = arith.andi %ge3A_464, %lt3A_466 : i1
      %convert_element_type3A_468 = arith.extui %and3A_467 : i1 to i32
      %cond3A_469 = arith.constant 0 : i32
      %cond3A_470 = arith.cmpi ne, %convert_element_type3A_468, %cond3A_469 : i32
      scf.if %cond3A_470 {
        %dma_wait3A_569 = arith.constant 3 : i32
        %dma_wait3A_570 = arith.constant 0 : i32
        %dma_wait3A_571 = arith.constant 0 : i32
        %dma_wait3A_572 = tpu.memref_slice %arg13[%dma_wait3A_569, %dma_wait3A_570, %dma_wait3A_571] : memref<4x16x1152xf32, #tpu.memory_space<vmem>> -> memref<1x16x1152xf32, #tpu.memory_space<vmem>>
        %dma_wait3A_573 = tpu.memref_squeeze %dma_wait3A_572 : memref<1x16x1152xf32, #tpu.memory_space<vmem>> -> memref<16x1152xf32, #tpu.memory_space<vmem>>
        %dma_wait3A_574 = arith.constant 0 : i32
        %dma_wait3A_575 = arith.constant 0 : i32
        %dma_wait3A_576 = tpu.memref_slice %arg6[%dma_wait3A_574, %dma_wait3A_575] : memref<17664x1152xf32, #tpu.memory_space<hbm>> -> memref<16x1152xf32, #tpu.memory_space<hbm>>
        %dma_wait3A_577 = arith.constant 0 : i32
        %dma_wait3A_578 = arith.constant 0 : i32
        %dma_wait3A_579 = tpu.memref_slice %arg6[%dma_wait3A_577, %dma_wait3A_578] : memref<17664x1152xf32, #tpu.memory_space<hbm>> -> memref<16x1152xf32, #tpu.memory_space<hbm>>
        %dma_wait3A_580 = arith.constant 0 : i32
        %dma_wait3A_581 = arith.constant 0 : i32
        %dma_wait3A_582 = tpu.memref_slice %arg13[%dma_wait3A_569, %dma_wait3A_580, %dma_wait3A_581] : memref<4x16x1152xf32, #tpu.memory_space<vmem>> -> memref<1x16x1152xf32, #tpu.memory_space<vmem>>
        %dma_wait3A_583 = tpu.memref_squeeze %dma_wait3A_582 : memref<1x16x1152xf32, #tpu.memory_space<vmem>> -> memref<16x1152xf32, #tpu.memory_space<vmem>>
        tpu.wait_dma2 semaphore(%arg22 : memref<!tpu.dma_semaphore, #tpu.memory_space<semaphore_mem>>) src(%dma_wait3A_583 : memref<16x1152xf32, #tpu.memory_space<vmem>>) dst(%dma_wait3A_579 : memref<16x1152xf32, #tpu.memory_space<hbm>>)
        %mul3A_584 = arith.constant 16 : i32
        %mul3A_585 = arith.muli %sub3A_462, %mul3A_584 : i32
        %add3A_586 = arith.addi %mul3A_2, %mul3A_585 : i32
        %dma_start3A_587 = arith.constant 3 : i32
        %dma_start3A_588 = arith.constant 0 : i32
        %dma_start3A_589 = arith.constant 0 : i32
        %dma_start3A_590 = tpu.memref_slice %arg13[%dma_start3A_587, %dma_start3A_588, %dma_start3A_589] : memref<4x16x1152xf32, #tpu.memory_space<vmem>> -> memref<1x16x1024xf32, #tpu.memory_space<vmem>>
        %dma_start3A_591 = tpu.memref_squeeze %dma_start3A_590 : memref<1x16x1024xf32, #tpu.memory_space<vmem>> -> memref<16x1024xf32, #tpu.memory_space<vmem>>
        %dma_start3A_592 = arith.constant 0 : i32
        %dma_start3A_593 = tpu.memref_slice %arg4[%add3A_586, %dma_start3A_592] : memref<16384x1025xf32, #tpu.memory_space<hbm>> -> memref<16x1024xf32, #tpu.memory_space<hbm>>
        %dma_start3A_594 = arith.constant 0 : i32
        %dma_start3A_595 = arith.constant 0 : i32
        %dma_start3A_596 = tpu.memref_slice %arg13[%dma_start3A_587, %dma_start3A_594, %dma_start3A_595] : memref<4x16x1152xf32, #tpu.memory_space<vmem>> -> memref<1x16x1024xf32, #tpu.memory_space<vmem>>
        %dma_start3A_597 = tpu.memref_squeeze %dma_start3A_596 : memref<1x16x1024xf32, #tpu.memory_space<vmem>> -> memref<16x1024xf32, #tpu.memory_space<vmem>>
        %dma_start3A_598 = arith.constant 0 : i32
        %dma_start3A_599 = tpu.memref_slice %arg4[%add3A_586, %dma_start3A_598] : memref<16384x1025xf32, #tpu.memory_space<hbm>> -> memref<16x1024xf32, #tpu.memory_space<hbm>>
        tpu.enqueue_dma source(%dma_start3A_599 : memref<16x1024xf32, #tpu.memory_space<hbm>>) target(%dma_start3A_597 : memref<16x1024xf32, #tpu.memory_space<vmem>>) target_semaphore(%arg18 : memref<!tpu.dma_semaphore, #tpu.memory_space<semaphore_mem>>)
      } else {
      }
      %add3A_471 = arith.constant 2 : i32
      %add3A_472 = arith.addi %add3A_375, %add3A_471 : i32
      %dma_wait3A_473 = arith.constant 2 : i32
      %dma_wait3A_474 = arith.constant 0 : i32
      %dma_wait3A_475 = arith.constant 0 : i32
      %dma_wait3A_476 = tpu.memref_slice %arg13[%dma_wait3A_473, %dma_wait3A_474, %dma_wait3A_475] : memref<4x16x1152xf32, #tpu.memory_space<vmem>> -> memref<1x16x1024xf32, #tpu.memory_space<vmem>>
      %dma_wait3A_477 = tpu.memref_squeeze %dma_wait3A_476 : memref<1x16x1024xf32, #tpu.memory_space<vmem>> -> memref<16x1024xf32, #tpu.memory_space<vmem>>
      %dma_wait3A_478 = arith.constant 0 : i32
      %dma_wait3A_479 = arith.constant 0 : i32
      %dma_wait3A_480 = tpu.memref_slice %arg4[%dma_wait3A_478, %dma_wait3A_479] : memref<16384x1025xf32, #tpu.memory_space<hbm>> -> memref<16x1024xf32, #tpu.memory_space<hbm>>
      %dma_wait3A_481 = arith.constant 0 : i32
      %dma_wait3A_482 = arith.constant 0 : i32
      %dma_wait3A_483 = tpu.memref_slice %arg13[%dma_wait3A_473, %dma_wait3A_481, %dma_wait3A_482] : memref<4x16x1152xf32, #tpu.memory_space<vmem>> -> memref<1x16x1024xf32, #tpu.memory_space<vmem>>
      %dma_wait3A_484 = tpu.memref_squeeze %dma_wait3A_483 : memref<1x16x1024xf32, #tpu.memory_space<vmem>> -> memref<16x1024xf32, #tpu.memory_space<vmem>>
      %dma_wait3A_485 = arith.constant 0 : i32
      %dma_wait3A_486 = arith.constant 0 : i32
      %dma_wait3A_487 = tpu.memref_slice %arg4[%dma_wait3A_485, %dma_wait3A_486] : memref<16384x1025xf32, #tpu.memory_space<hbm>> -> memref<16x1024xf32, #tpu.memory_space<hbm>>
      tpu.wait_dma2 semaphore(%arg17 : memref<!tpu.dma_semaphore, #tpu.memory_space<semaphore_mem>>) src(%dma_wait3A_487 : memref<16x1024xf32, #tpu.memory_space<hbm>>) dst(%dma_wait3A_484 : memref<16x1024xf32, #tpu.memory_space<vmem>>)
      %mul3A_488 = arith.constant 16 : i32
      %mul3A_489 = arith.muli %add3A_472, %mul3A_488 : i32
      %get3A_490 = arith.index_cast %mul3A_489 : i32 to index
      %get3A_491 = tpu.vector_load %arg12[%get3A_490] {strides = array<i32>} : memref<512xf32, #tpu.memory_space<vmem>>, vector<16xf32>,
      %broadcast_in_dim3A_492 = arith.constant 2 : i32
      %broadcast_in_dim3A_493 = vector.broadcast %broadcast_in_dim3A_492 : i32 to vector<16xi32>
      %broadcast_in_dim3A_494 = arith.constant 1024 : i32
      %broadcast_in_dim3A_495 = vector.broadcast %broadcast_in_dim3A_494 : i32 to vector<16xi32>
      tpu.vector_store_idx %arg13[%broadcast_in_dim3A_493, %iota3A, %broadcast_in_dim3A_495], %get3A_491 : memref<4x16x1152xf32, #tpu.memory_space<vmem>>[vector<16xi32>, vector<16xi32>, vector<16xi32>], vector<16xf32>,
      %mul3A_496 = arith.constant 16 : i32
      %mul3A_497 = arith.muli %add3A_472, %mul3A_496 : i32
      %get3A_498 = arith.index_cast %mul3A_497 : i32 to index
      %get3A_499 = tpu.vector_load %arg11[%get3A_498] {strides = array<i32>} : memref<512xi32, #tpu.memory_space<vmem>>, vector<16xi32>,
      %dma_start3A_500 = arith.constant 2 : i32
      %dma_start3A_501 = arith.constant 0 : i32
      %dma_start3A_502 = arith.constant 0 : i32
      %dma_start3A_503 = tpu.memref_slice %arg13[%dma_start3A_500, %dma_start3A_501, %dma_start3A_502] : memref<4x16x1152xf32, #tpu.memory_space<vmem>> -> memref<1x16x1152xf32, #tpu.memory_space<vmem>>
      %dma_start3A_504 = tpu.memref_squeeze %dma_start3A_503 : memref<1x16x1152xf32, #tpu.memory_space<vmem>> -> memref<16x1152xf32, #tpu.memory_space<vmem>>
      %dma_start3A_505 = arith.constant 0 : i32
      %dma_start3A_506 = arith.constant 0 : i32
      %dma_start3A_507 = tpu.memref_slice %arg6[%dma_start3A_505, %dma_start3A_506] : memref<17664x1152xf32, #tpu.memory_space<hbm>> -> memref<17664x1152xf32, #tpu.memory_space<hbm>>
      tpu.enqueue_indirect_dma source(%dma_start3A_504 : memref<16x1152xf32, #tpu.memory_space<vmem>>) target(%dma_start3A_507 : memref<17664x1152xf32, #tpu.memory_space<hbm>>) offsets(%get3A_499 : vector<16xi32>) semaphore(%arg21 : memref<!tpu.dma_semaphore, #tpu.memory_space<semaphore_mem>>)
      %add3A_508 = arith.constant 4 : i32
      %add3A_509 = arith.addi %add3A_472, %add3A_508 : i32
      %sub3A_510 = arith.constant 2 : i32
      %sub3A_511 = arith.subi %add3A_509, %sub3A_510 : i32
      %ge3A_512 = arith.constant 4 : i32
      %ge3A_513 = arith.cmpi sge, %sub3A_511, %ge3A_512 : i32
      %lt3A_514 = arith.constant 32 : i32
      %lt3A_515 = arith.cmpi slt, %sub3A_511, %lt3A_514 : i32
      %and3A_516 = arith.andi %ge3A_513, %lt3A_515 : i1
      %convert_element_type3A_517 = arith.extui %and3A_516 : i1 to i32
      %cond3A_518 = arith.constant 0 : i32
      %cond3A_519 = arith.cmpi ne, %convert_element_type3A_517, %cond3A_518 : i32
      scf.if %cond3A_519 {
        %dma_wait3A_569 = arith.constant 0 : i32
        %dma_wait3A_570 = arith.constant 0 : i32
        %dma_wait3A_571 = arith.constant 0 : i32
        %dma_wait3A_572 = tpu.memref_slice %arg13[%dma_wait3A_569, %dma_wait3A_570, %dma_wait3A_571] : memref<4x16x1152xf32, #tpu.memory_space<vmem>> -> memref<1x16x1152xf32, #tpu.memory_space<vmem>>
        %dma_wait3A_573 = tpu.memref_squeeze %dma_wait3A_572 : memref<1x16x1152xf32, #tpu.memory_space<vmem>> -> memref<16x1152xf32, #tpu.memory_space<vmem>>
        %dma_wait3A_574 = arith.constant 0 : i32
        %dma_wait3A_575 = arith.constant 0 : i32
        %dma_wait3A_576 = tpu.memref_slice %arg6[%dma_wait3A_574, %dma_wait3A_575] : memref<17664x1152xf32, #tpu.memory_space<hbm>> -> memref<16x1152xf32, #tpu.memory_space<hbm>>
        %dma_wait3A_577 = arith.constant 0 : i32
        %dma_wait3A_578 = arith.constant 0 : i32
        %dma_wait3A_579 = tpu.memref_slice %arg6[%dma_wait3A_577, %dma_wait3A_578] : memref<17664x1152xf32, #tpu.memory_space<hbm>> -> memref<16x1152xf32, #tpu.memory_space<hbm>>
        %dma_wait3A_580 = arith.constant 0 : i32
        %dma_wait3A_581 = arith.constant 0 : i32
        %dma_wait3A_582 = tpu.memref_slice %arg13[%dma_wait3A_569, %dma_wait3A_580, %dma_wait3A_581] : memref<4x16x1152xf32, #tpu.memory_space<vmem>> -> memref<1x16x1152xf32, #tpu.memory_space<vmem>>
        %dma_wait3A_583 = tpu.memref_squeeze %dma_wait3A_582 : memref<1x16x1152xf32, #tpu.memory_space<vmem>> -> memref<16x1152xf32, #tpu.memory_space<vmem>>
        tpu.wait_dma2 semaphore(%arg19 : memref<!tpu.dma_semaphore, #tpu.memory_space<semaphore_mem>>) src(%dma_wait3A_583 : memref<16x1152xf32, #tpu.memory_space<vmem>>) dst(%dma_wait3A_579 : memref<16x1152xf32, #tpu.memory_space<hbm>>)
        %mul3A_584 = arith.constant 16 : i32
        %mul3A_585 = arith.muli %sub3A_511, %mul3A_584 : i32
        %add3A_586 = arith.addi %mul3A_2, %mul3A_585 : i32
        %dma_start3A_587 = arith.constant 0 : i32
        %dma_start3A_588 = arith.constant 0 : i32
        %dma_start3A_589 = arith.constant 0 : i32
        %dma_start3A_590 = tpu.memref_slice %arg13[%dma_start3A_587, %dma_start3A_588, %dma_start3A_589] : memref<4x16x1152xf32, #tpu.memory_space<vmem>> -> memref<1x16x1024xf32, #tpu.memory_space<vmem>>
        %dma_start3A_591 = tpu.memref_squeeze %dma_start3A_590 : memref<1x16x1024xf32, #tpu.memory_space<vmem>> -> memref<16x1024xf32, #tpu.memory_space<vmem>>
        %dma_start3A_592 = arith.constant 0 : i32
        %dma_start3A_593 = tpu.memref_slice %arg4[%add3A_586, %dma_start3A_592] : memref<16384x1025xf32, #tpu.memory_space<hbm>> -> memref<16x1024xf32, #tpu.memory_space<hbm>>
        %dma_start3A_594 = arith.constant 0 : i32
        %dma_start3A_595 = arith.constant 0 : i32
        %dma_start3A_596 = tpu.memref_slice %arg13[%dma_start3A_587, %dma_start3A_594, %dma_start3A_595] : memref<4x16x1152xf32, #tpu.memory_space<vmem>> -> memref<1x16x1024xf32, #tpu.memory_space<vmem>>
        %dma_start3A_597 = tpu.memref_squeeze %dma_start3A_596 : memref<1x16x1024xf32, #tpu.memory_space<vmem>> -> memref<16x1024xf32, #tpu.memory_space<vmem>>
        %dma_start3A_598 = arith.constant 0 : i32
        %dma_start3A_599 = tpu.memref_slice %arg4[%add3A_586, %dma_start3A_598] : memref<16384x1025xf32, #tpu.memory_space<hbm>> -> memref<16x1024xf32, #tpu.memory_space<hbm>>
        tpu.enqueue_dma source(%dma_start3A_599 : memref<16x1024xf32, #tpu.memory_space<hbm>>) target(%dma_start3A_597 : memref<16x1024xf32, #tpu.memory_space<vmem>>) target_semaphore(%arg15 : memref<!tpu.dma_semaphore, #tpu.memory_space<semaphore_mem>>)
      } else {
      }
      %add3A_520 = arith.constant 3 : i32
      %add3A_521 = arith.addi %add3A_375, %add3A_520 : i32
      %dma_wait3A_522 = arith.constant 3 : i32
      %dma_wait3A_523 = arith.constant 0 : i32
      %dma_wait3A_524 = arith.constant 0 : i32
      %dma_wait3A_525 = tpu.memref_slice %arg13[%dma_wait3A_522, %dma_wait3A_523, %dma_wait3A_524] : memref<4x16x1152xf32, #tpu.memory_space<vmem>> -> memref<1x16x1024xf32, #tpu.memory_space<vmem>>
      %dma_wait3A_526 = tpu.memref_squeeze %dma_wait3A_525 : memref<1x16x1024xf32, #tpu.memory_space<vmem>> -> memref<16x1024xf32, #tpu.memory_space<vmem>>
      %dma_wait3A_527 = arith.constant 0 : i32
      %dma_wait3A_528 = arith.constant 0 : i32
      %dma_wait3A_529 = tpu.memref_slice %arg4[%dma_wait3A_527, %dma_wait3A_528] : memref<16384x1025xf32, #tpu.memory_space<hbm>> -> memref<16x1024xf32, #tpu.memory_space<hbm>>
      %dma_wait3A_530 = arith.constant 0 : i32
      %dma_wait3A_531 = arith.constant 0 : i32
      %dma_wait3A_532 = tpu.memref_slice %arg13[%dma_wait3A_522, %dma_wait3A_530, %dma_wait3A_531] : memref<4x16x1152xf32, #tpu.memory_space<vmem>> -> memref<1x16x1024xf32, #tpu.memory_space<vmem>>
      %dma_wait3A_533 = tpu.memref_squeeze %dma_wait3A_532 : memref<1x16x1024xf32, #tpu.memory_space<vmem>> -> memref<16x1024xf32, #tpu.memory_space<vmem>>
      %dma_wait3A_534 = arith.constant 0 : i32
      %dma_wait3A_535 = arith.constant 0 : i32
      %dma_wait3A_536 = tpu.memref_slice %arg4[%dma_wait3A_534, %dma_wait3A_535] : memref<16384x1025xf32, #tpu.memory_space<hbm>> -> memref<16x1024xf32, #tpu.memory_space<hbm>>
      tpu.wait_dma2 semaphore(%arg18 : memref<!tpu.dma_semaphore, #tpu.memory_space<semaphore_mem>>) src(%dma_wait3A_536 : memref<16x1024xf32, #tpu.memory_space<hbm>>) dst(%dma_wait3A_533 : memref<16x1024xf32, #tpu.memory_space<vmem>>)
      %mul3A_537 = arith.constant 16 : i32
      %mul3A_538 = arith.muli %add3A_521, %mul3A_537 : i32
      %get3A_539 = arith.index_cast %mul3A_538 : i32 to index
      %get3A_540 = tpu.vector_load %arg12[%get3A_539] {strides = array<i32>} : memref<512xf32, #tpu.memory_space<vmem>>, vector<16xf32>,
      %broadcast_in_dim3A_541 = arith.constant 3 : i32
      %broadcast_in_dim3A_542 = vector.broadcast %broadcast_in_dim3A_541 : i32 to vector<16xi32>
      %broadcast_in_dim3A_543 = arith.constant 1024 : i32
      %broadcast_in_dim3A_544 = vector.broadcast %broadcast_in_dim3A_543 : i32 to vector<16xi32>
      tpu.vector_store_idx %arg13[%broadcast_in_dim3A_542, %iota3A, %broadcast_in_dim3A_544], %get3A_540 : memref<4x16x1152xf32, #tpu.memory_space<vmem>>[vector<16xi32>, vector<16xi32>, vector<16xi32>], vector<16xf32>,
      %mul3A_545 = arith.constant 16 : i32
      %mul3A_546 = arith.muli %add3A_521, %mul3A_545 : i32
      %get3A_547 = arith.index_cast %mul3A_546 : i32 to index
      %get3A_548 = tpu.vector_load %arg11[%get3A_547] {strides = array<i32>} : memref<512xi32, #tpu.memory_space<vmem>>, vector<16xi32>,
      %dma_start3A_549 = arith.constant 3 : i32
      %dma_start3A_550 = arith.constant 0 : i32
      %dma_start3A_551 = arith.constant 0 : i32
      %dma_start3A_552 = tpu.memref_slice %arg13[%dma_start3A_549, %dma_start3A_550, %dma_start3A_551] : memref<4x16x1152xf32, #tpu.memory_space<vmem>> -> memref<1x16x1152xf32, #tpu.memory_space<vmem>>
      %dma_start3A_553 = tpu.memref_squeeze %dma_start3A_552 : memref<1x16x1152xf32, #tpu.memory_space<vmem>> -> memref<16x1152xf32, #tpu.memory_space<vmem>>
      %dma_start3A_554 = arith.constant 0 : i32
      %dma_start3A_555 = arith.constant 0 : i32
      %dma_start3A_556 = tpu.memref_slice %arg6[%dma_start3A_554, %dma_start3A_555] : memref<17664x1152xf32, #tpu.memory_space<hbm>> -> memref<17664x1152xf32, #tpu.memory_space<hbm>>
      tpu.enqueue_indirect_dma source(%dma_start3A_553 : memref<16x1152xf32, #tpu.memory_space<vmem>>) target(%dma_start3A_556 : memref<17664x1152xf32, #tpu.memory_space<hbm>>) offsets(%get3A_548 : vector<16xi32>) semaphore(%arg22 : memref<!tpu.dma_semaphore, #tpu.memory_space<semaphore_mem>>)
      %add3A_557 = arith.constant 4 : i32
      %add3A_558 = arith.addi %add3A_521, %add3A_557 : i32
      %sub3A_559 = arith.constant 2 : i32
      %sub3A_560 = arith.subi %add3A_558, %sub3A_559 : i32
      %ge3A_561 = arith.constant 4 : i32
      %ge3A_562 = arith.cmpi sge, %sub3A_560, %ge3A_561 : i32
      %lt3A_563 = arith.constant 32 : i32
      %lt3A_564 = arith.cmpi slt, %sub3A_560, %lt3A_563 : i32
      %and3A_565 = arith.andi %ge3A_562, %lt3A_564 : i1
      %convert_element_type3A_566 = arith.extui %and3A_565 : i1 to i32
      %cond3A_567 = arith.constant 0 : i32
      %cond3A_568 = arith.cmpi ne, %convert_element_type3A_566, %cond3A_567 : i32
      scf.if %cond3A_568 {
        %dma_wait3A_569 = arith.constant 1 : i32
        %dma_wait3A_570 = arith.constant 0 : i32
        %dma_wait3A_571 = arith.constant 0 : i32
        %dma_wait3A_572 = tpu.memref_slice %arg13[%dma_wait3A_569, %dma_wait3A_570, %dma_wait3A_571] : memref<4x16x1152xf32, #tpu.memory_space<vmem>> -> memref<1x16x1152xf32, #tpu.memory_space<vmem>>
        %dma_wait3A_573 = tpu.memref_squeeze %dma_wait3A_572 : memref<1x16x1152xf32, #tpu.memory_space<vmem>> -> memref<16x1152xf32, #tpu.memory_space<vmem>>
        %dma_wait3A_574 = arith.constant 0 : i32
        %dma_wait3A_575 = arith.constant 0 : i32
        %dma_wait3A_576 = tpu.memref_slice %arg6[%dma_wait3A_574, %dma_wait3A_575] : memref<17664x1152xf32, #tpu.memory_space<hbm>> -> memref<16x1152xf32, #tpu.memory_space<hbm>>
        %dma_wait3A_577 = arith.constant 0 : i32
        %dma_wait3A_578 = arith.constant 0 : i32
        %dma_wait3A_579 = tpu.memref_slice %arg6[%dma_wait3A_577, %dma_wait3A_578] : memref<17664x1152xf32, #tpu.memory_space<hbm>> -> memref<16x1152xf32, #tpu.memory_space<hbm>>
        %dma_wait3A_580 = arith.constant 0 : i32
        %dma_wait3A_581 = arith.constant 0 : i32
        %dma_wait3A_582 = tpu.memref_slice %arg13[%dma_wait3A_569, %dma_wait3A_580, %dma_wait3A_581] : memref<4x16x1152xf32, #tpu.memory_space<vmem>> -> memref<1x16x1152xf32, #tpu.memory_space<vmem>>
        %dma_wait3A_583 = tpu.memref_squeeze %dma_wait3A_582 : memref<1x16x1152xf32, #tpu.memory_space<vmem>> -> memref<16x1152xf32, #tpu.memory_space<vmem>>
        tpu.wait_dma2 semaphore(%arg20 : memref<!tpu.dma_semaphore, #tpu.memory_space<semaphore_mem>>) src(%dma_wait3A_583 : memref<16x1152xf32, #tpu.memory_space<vmem>>) dst(%dma_wait3A_579 : memref<16x1152xf32, #tpu.memory_space<hbm>>)
        %mul3A_584 = arith.constant 16 : i32
        %mul3A_585 = arith.muli %sub3A_560, %mul3A_584 : i32
        %add3A_586 = arith.addi %mul3A_2, %mul3A_585 : i32
        %dma_start3A_587 = arith.constant 1 : i32
        %dma_start3A_588 = arith.constant 0 : i32
        %dma_start3A_589 = arith.constant 0 : i32
        %dma_start3A_590 = tpu.memref_slice %arg13[%dma_start3A_587, %dma_start3A_588, %dma_start3A_589] : memref<4x16x1152xf32, #tpu.memory_space<vmem>> -> memref<1x16x1024xf32, #tpu.memory_space<vmem>>
        %dma_start3A_591 = tpu.memref_squeeze %dma_start3A_590 : memref<1x16x1024xf32, #tpu.memory_space<vmem>> -> memref<16x1024xf32, #tpu.memory_space<vmem>>
        %dma_start3A_592 = arith.constant 0 : i32
        %dma_start3A_593 = tpu.memref_slice %arg4[%add3A_586, %dma_start3A_592] : memref<16384x1025xf32, #tpu.memory_space<hbm>> -> memref<16x1024xf32, #tpu.memory_space<hbm>>
        %dma_start3A_594 = arith.constant 0 : i32
        %dma_start3A_595 = arith.constant 0 : i32
        %dma_start3A_596 = tpu.memref_slice %arg13[%dma_start3A_587, %dma_start3A_594, %dma_start3A_595] : memref<4x16x1152xf32, #tpu.memory_space<vmem>> -> memref<1x16x1024xf32, #tpu.memory_space<vmem>>
        %dma_start3A_597 = tpu.memref_squeeze %dma_start3A_596 : memref<1x16x1024xf32, #tpu.memory_space<vmem>> -> memref<16x1024xf32, #tpu.memory_space<vmem>>
        %dma_start3A_598 = arith.constant 0 : i32
        %dma_start3A_599 = tpu.memref_slice %arg4[%add3A_586, %dma_start3A_598] : memref<16384x1025xf32, #tpu.memory_space<hbm>> -> memref<16x1024xf32, #tpu.memory_space<hbm>>
        tpu.enqueue_dma source(%dma_start3A_599 : memref<16x1024xf32, #tpu.memory_space<hbm>>) target(%dma_start3A_597 : memref<16x1024xf32, #tpu.memory_space<vmem>>) target_semaphore(%arg16 : memref<!tpu.dma_semaphore, #tpu.memory_space<semaphore_mem>>)
      } else {
      }
    }
    %scan3A_311 = arith.constant 8 : i32
    "tpu.region"() ({
      %run_scoped3A = tpu.sem_alloc : memref<!tpu.dma_semaphore, #tpu.memory_space<semaphore_mem>>
      %dma_start3A_371 = tpu.memref_slice %arg7[%mul3A_2] : memref<16384xi32, #tpu.memory_space<hbm>> -> memref<512xi32, #tpu.memory_space<hbm>>
      %dma_start3A_372 = tpu.memref_slice %arg7[%mul3A_2] : memref<16384xi32, #tpu.memory_space<hbm>> -> memref<512xi32, #tpu.memory_space<hbm>>
      tpu.enqueue_dma source(%arg11 : memref<512xi32, #tpu.memory_space<vmem>>) target(%dma_start3A_372 : memref<512xi32, #tpu.memory_space<hbm>>) target_semaphore(%run_scoped3A : memref<!tpu.dma_semaphore, #tpu.memory_space<semaphore_mem>>)
      %dma_wait3A_373 = tpu.memref_slice %arg7[%mul3A_2] : memref<16384xi32, #tpu.memory_space<hbm>> -> memref<512xi32, #tpu.memory_space<hbm>>
      %dma_wait3A_374 = tpu.memref_slice %arg7[%mul3A_2] : memref<16384xi32, #tpu.memory_space<hbm>> -> memref<512xi32, #tpu.memory_space<hbm>>
      tpu.wait_dma2 semaphore(%run_scoped3A : memref<!tpu.dma_semaphore, #tpu.memory_space<semaphore_mem>>) src(%arg11 : memref<512xi32, #tpu.memory_space<vmem>>) dst(%dma_wait3A_374 : memref<512xi32, #tpu.memory_space<hbm>>)
      tpu.yield
    }) : () -> ()
    %dma_wait3A = arith.constant 0 : i32
    %dma_wait3A_312 = arith.constant 0 : i32
    %dma_wait3A_313 = arith.constant 0 : i32
    %dma_wait3A_314 = tpu.memref_slice %arg13[%dma_wait3A, %dma_wait3A_312, %dma_wait3A_313] : memref<4x16x1152xf32, #tpu.memory_space<vmem>> -> memref<1x16x1152xf32, #tpu.memory_space<vmem>>
    %dma_wait3A_315 = tpu.memref_squeeze %dma_wait3A_314 : memref<1x16x1152xf32, #tpu.memory_space<vmem>> -> memref<16x1152xf32, #tpu.memory_space<vmem>>
    %dma_wait3A_316 = arith.constant 0 : i32
    %dma_wait3A_317 = arith.constant 0 : i32
    %dma_wait3A_318 = tpu.memref_slice %arg6[%dma_wait3A_316, %dma_wait3A_317] : memref<17664x1152xf32, #tpu.memory_space<hbm>> -> memref<16x1152xf32, #tpu.memory_space<hbm>>
    %dma_wait3A_319 = arith.constant 0 : i32
    %dma_wait3A_320 = arith.constant 0 : i32
    %dma_wait3A_321 = tpu.memref_slice %arg6[%dma_wait3A_319, %dma_wait3A_320] : memref<17664x1152xf32, #tpu.memory_space<hbm>> -> memref<16x1152xf32, #tpu.memory_space<hbm>>
    %dma_wait3A_322 = arith.constant 0 : i32
    %dma_wait3A_323 = arith.constant 0 : i32
    %dma_wait3A_324 = tpu.memref_slice %arg13[%dma_wait3A, %dma_wait3A_322, %dma_wait3A_323] : memref<4x16x1152xf32, #tpu.memory_space<vmem>> -> memref<1x16x1152xf32, #tpu.memory_space<vmem>>
    %dma_wait3A_325 = tpu.memref_squeeze %dma_wait3A_324 : memref<1x16x1152xf32, #tpu.memory_space<vmem>> -> memref<16x1152xf32, #tpu.memory_space<vmem>>
    tpu.wait_dma2 semaphore(%arg19 : memref<!tpu.dma_semaphore, #tpu.memory_space<semaphore_mem>>) src(%dma_wait3A_325 : memref<16x1152xf32, #tpu.memory_space<vmem>>) dst(%dma_wait3A_321 : memref<16x1152xf32, #tpu.memory_space<hbm>>)
    %dma_wait3A_326 = arith.constant 1 : i32
    %dma_wait3A_327 = arith.constant 0 : i32
    %dma_wait3A_328 = arith.constant 0 : i32
    %dma_wait3A_329 = tpu.memref_slice %arg13[%dma_wait3A_326, %dma_wait3A_327, %dma_wait3A_328] : memref<4x16x1152xf32, #tpu.memory_space<vmem>> -> memref<1x16x1152xf32, #tpu.memory_space<vmem>>
    %dma_wait3A_330 = tpu.memref_squeeze %dma_wait3A_329 : memref<1x16x1152xf32, #tpu.memory_space<vmem>> -> memref<16x1152xf32, #tpu.memory_space<vmem>>
    %dma_wait3A_331 = arith.constant 0 : i32
    %dma_wait3A_332 = arith.constant 0 : i32
    %dma_wait3A_333 = tpu.memref_slice %arg6[%dma_wait3A_331, %dma_wait3A_332] : memref<17664x1152xf32, #tpu.memory_space<hbm>> -> memref<16x1152xf32, #tpu.memory_space<hbm>>
    %dma_wait3A_334 = arith.constant 0 : i32
    %dma_wait3A_335 = arith.constant 0 : i32
    %dma_wait3A_336 = tpu.memref_slice %arg6[%dma_wait3A_334, %dma_wait3A_335] : memref<17664x1152xf32, #tpu.memory_space<hbm>> -> memref<16x1152xf32, #tpu.memory_space<hbm>>
    %dma_wait3A_337 = arith.constant 0 : i32
    %dma_wait3A_338 = arith.constant 0 : i32
    %dma_wait3A_339 = tpu.memref_slice %arg13[%dma_wait3A_326, %dma_wait3A_337, %dma_wait3A_338] : memref<4x16x1152xf32, #tpu.memory_space<vmem>> -> memref<1x16x1152xf32, #tpu.memory_space<vmem>>
    %dma_wait3A_340 = tpu.memref_squeeze %dma_wait3A_339 : memref<1x16x1152xf32, #tpu.memory_space<vmem>> -> memref<16x1152xf32, #tpu.memory_space<vmem>>
    tpu.wait_dma2 semaphore(%arg20 : memref<!tpu.dma_semaphore, #tpu.memory_space<semaphore_mem>>) src(%dma_wait3A_340 : memref<16x1152xf32, #tpu.memory_space<vmem>>) dst(%dma_wait3A_336 : memref<16x1152xf32, #tpu.memory_space<hbm>>)
    %dma_wait3A_341 = arith.constant 2 : i32
    %dma_wait3A_342 = arith.constant 0 : i32
    %dma_wait3A_343 = arith.constant 0 : i32
    %dma_wait3A_344 = tpu.memref_slice %arg13[%dma_wait3A_341, %dma_wait3A_342, %dma_wait3A_343] : memref<4x16x1152xf32, #tpu.memory_space<vmem>> -> memref<1x16x1152xf32, #tpu.memory_space<vmem>>
    %dma_wait3A_345 = tpu.memref_squeeze %dma_wait3A_344 : memref<1x16x1152xf32, #tpu.memory_space<vmem>> -> memref<16x1152xf32, #tpu.memory_space<vmem>>
    %dma_wait3A_346 = arith.constant 0 : i32
    %dma_wait3A_347 = arith.constant 0 : i32
    %dma_wait3A_348 = tpu.memref_slice %arg6[%dma_wait3A_346, %dma_wait3A_347] : memref<17664x1152xf32, #tpu.memory_space<hbm>> -> memref<16x1152xf32, #tpu.memory_space<hbm>>
    %dma_wait3A_349 = arith.constant 0 : i32
    %dma_wait3A_350 = arith.constant 0 : i32
    %dma_wait3A_351 = tpu.memref_slice %arg6[%dma_wait3A_349, %dma_wait3A_350] : memref<17664x1152xf32, #tpu.memory_space<hbm>> -> memref<16x1152xf32, #tpu.memory_space<hbm>>
    %dma_wait3A_352 = arith.constant 0 : i32
    %dma_wait3A_353 = arith.constant 0 : i32
    %dma_wait3A_354 = tpu.memref_slice %arg13[%dma_wait3A_341, %dma_wait3A_352, %dma_wait3A_353] : memref<4x16x1152xf32, #tpu.memory_space<vmem>> -> memref<1x16x1152xf32, #tpu.memory_space<vmem>>
    %dma_wait3A_355 = tpu.memref_squeeze %dma_wait3A_354 : memref<1x16x1152xf32, #tpu.memory_space<vmem>> -> memref<16x1152xf32, #tpu.memory_space<vmem>>
    tpu.wait_dma2 semaphore(%arg21 : memref<!tpu.dma_semaphore, #tpu.memory_space<semaphore_mem>>) src(%dma_wait3A_355 : memref<16x1152xf32, #tpu.memory_space<vmem>>) dst(%dma_wait3A_351 : memref<16x1152xf32, #tpu.memory_space<hbm>>)
    %dma_wait3A_356 = arith.constant 3 : i32
    %dma_wait3A_357 = arith.constant 0 : i32
    %dma_wait3A_358 = arith.constant 0 : i32
    %dma_wait3A_359 = tpu.memref_slice %arg13[%dma_wait3A_356, %dma_wait3A_357, %dma_wait3A_358] : memref<4x16x1152xf32, #tpu.memory_space<vmem>> -> memref<1x16x1152xf32, #tpu.memory_space<vmem>>
    %dma_wait3A_360 = tpu.memref_squeeze %dma_wait3A_359 : memref<1x16x1152xf32, #tpu.memory_space<vmem>> -> memref<16x1152xf32, #tpu.memory_space<vmem>>
    %dma_wait3A_361 = arith.constant 0 : i32
    %dma_wait3A_362 = arith.constant 0 : i32
    %dma_wait3A_363 = tpu.memref_slice %arg6[%dma_wait3A_361, %dma_wait3A_362] : memref<17664x1152xf32, #tpu.memory_space<hbm>> -> memref<16x1152xf32, #tpu.memory_space<hbm>>
    %dma_wait3A_364 = arith.constant 0 : i32
    %dma_wait3A_365 = arith.constant 0 : i32
    %dma_wait3A_366 = tpu.memref_slice %arg6[%dma_wait3A_364, %dma_wait3A_365] : memref<17664x1152xf32, #tpu.memory_space<hbm>> -> memref<16x1152xf32, #tpu.memory_space<hbm>>
    %dma_wait3A_367 = arith.constant 0 : i32
    %dma_wait3A_368 = arith.constant 0 : i32
    %dma_wait3A_369 = tpu.memref_slice %arg13[%dma_wait3A_356, %dma_wait3A_367, %dma_wait3A_368] : memref<4x16x1152xf32, #tpu.memory_space<vmem>> -> memref<1x16x1152xf32, #tpu.memory_space<vmem>>
    %dma_wait3A_370 = tpu.memref_squeeze %dma_wait3A_369 : memref<1x16x1152xf32, #tpu.memory_space<vmem>> -> memref<16x1152xf32, #tpu.memory_space<vmem>>
    tpu.wait_dma2 semaphore(%arg22 : memref<!tpu.dma_semaphore, #tpu.memory_space<semaphore_mem>>) src(%dma_wait3A_370 : memref<16x1152xf32, #tpu.memory_space<vmem>>) dst(%dma_wait3A_366 : memref<16x1152xf32, #tpu.memory_space<hbm>>)
    return
  }
}

#map = affine_map<(d0, d1) -> (0)>
module attributes {stable_mosaic.version = 14 : i64} {
  func.func @_sc_bin_hist(%arg0: i32, %arg1: i32, %arg2: memref<16384xf32, #tpu.memory_space<hbm>>, %arg3: memref<16384xi32, #tpu.memory_space<hbm>>, %arg4: memref<512xi32, #tpu.memory_space<hbm>>, %arg5: memref<512xf32, #tpu.memory_space<vmem>>, %arg6: memref<512xi32, #tpu.memory_space<vmem>>, %arg7: memref<16xi32, #tpu.memory_space<vmem>>) attributes {dimension_semantics = [#tpu.dimension_semantics<core_parallel>, #tpu.dimension_semantics<subcore_parallel>], iteration_bounds = array<i64: 2, 16>, scalar_prefetch = 0 : i64, scratch_operands = 3 : i64, tpu.core_type = #tpu.core_type<sc_vector_subcore>, window_params = [{transform_indices = #map}, {transform_indices = #map}, {transform_indices = #map}]} {
    %mul3A = arith.constant 2 : i32
    %mul3A_0 = arith.muli %arg1, %mul3A : i32
    %add3A = arith.addi %mul3A_0, %arg0 : i32
    %mul3A_1 = arith.constant 512 : i32
    %mul3A_2 = arith.muli %add3A, %mul3A_1 : i32
    %iota3A = tpu.iota {dimensions = array<i32: 0>} : vector<16xi32>
    "tpu.region"() ({
      %run_scoped3A = tpu.sem_alloc : memref<!tpu.dma_semaphore, #tpu.memory_space<semaphore_mem>>
      %dma_start3A = tpu.memref_slice %arg2[%mul3A_2] : memref<16384xf32, #tpu.memory_space<hbm>> -> memref<512xf32, #tpu.memory_space<hbm>>
      %dma_start3A_12 = tpu.memref_slice %arg2[%mul3A_2] : memref<16384xf32, #tpu.memory_space<hbm>> -> memref<512xf32, #tpu.memory_space<hbm>>
      tpu.enqueue_dma source(%dma_start3A_12 : memref<512xf32, #tpu.memory_space<hbm>>) target(%arg5 : memref<512xf32, #tpu.memory_space<vmem>>) target_semaphore(%run_scoped3A : memref<!tpu.dma_semaphore, #tpu.memory_space<semaphore_mem>>)
      %dma_wait3A = tpu.memref_slice %arg2[%mul3A_2] : memref<16384xf32, #tpu.memory_space<hbm>> -> memref<512xf32, #tpu.memory_space<hbm>>
      %dma_wait3A_13 = tpu.memref_slice %arg2[%mul3A_2] : memref<16384xf32, #tpu.memory_space<hbm>> -> memref<512xf32, #tpu.memory_space<hbm>>
      tpu.wait_dma2 semaphore(%run_scoped3A : memref<!tpu.dma_semaphore, #tpu.memory_space<semaphore_mem>>) src(%dma_wait3A_13 : memref<512xf32, #tpu.memory_space<hbm>>) dst(%arg5 : memref<512xf32, #tpu.memory_space<vmem>>)
      tpu.yield
    }) : () -> ()
    %broadcast_in_dim3A = arith.constant 0 : i32
    %broadcast_in_dim3A_3 = vector.broadcast %broadcast_in_dim3A : i32 to vector<16xi32>
    %scan3A = arith.constant 0 : i32
    %scan3A_4 = arith.constant 32 : i32
    %scan3A_5 = arith.addi %scan3A, %scan3A_4 : i32
    %scan3A_6 = arith.constant 1 : i32
    %scan3A_7 = scf.for %scan3A_12 = %scan3A to %scan3A_5 step %scan3A_6 iter_args(%scan3A_13 = %broadcast_in_dim3A_3) -> (vector<16xi32>)  : i32 {
      %mul3A_14 = arith.constant 16 : i32
      %mul3A_15 = arith.muli %scan3A_12, %mul3A_14 : i32
      %get3A = arith.index_cast %mul3A_15 : i32 to index
      %get3A_16 = tpu.vector_load %arg5[%get3A] {strides = array<i32>} : memref<512xf32, #tpu.memory_space<vmem>>, vector<16xf32>,
      %ge3A = arith.constant 6.000000e-01 : f32
      %ge3A_17 = vector.broadcast %ge3A : f32 to vector<16xf32>
      %ge3A_18 = arith.cmpf oge, %get3A_16, %ge3A_17 : vector<16xf32>
      %convert_element_type3A = arith.extui %ge3A_18 : vector<16xi1> to vector<16xi32>
      %add3A_19 = arith.constant 0 : i32
      %add3A_20 = vector.broadcast %add3A_19 : i32 to vector<16xi32>
      %add3A_21 = arith.addi %add3A_20, %convert_element_type3A : vector<16xi32>
      %ge3A_22 = arith.constant 0.699999988 : f32
      %ge3A_23 = vector.broadcast %ge3A_22 : f32 to vector<16xf32>
      %ge3A_24 = arith.cmpf oge, %get3A_16, %ge3A_23 : vector<16xf32>
      %convert_element_type3A_25 = arith.extui %ge3A_24 : vector<16xi1> to vector<16xi32>
      %add3A_26 = arith.addi %add3A_21, %convert_element_type3A_25 : vector<16xi32>
      %ge3A_27 = arith.constant 8.000000e-01 : f32
      %ge3A_28 = vector.broadcast %ge3A_27 : f32 to vector<16xf32>
      %ge3A_29 = arith.cmpf oge, %get3A_16, %ge3A_28 : vector<16xf32>
      %convert_element_type3A_30 = arith.extui %ge3A_29 : vector<16xi1> to vector<16xi32>
      %add3A_31 = arith.addi %add3A_26, %convert_element_type3A_30 : vector<16xi32>
      %ge3A_32 = arith.constant 0.899999976 : f32
      %ge3A_33 = vector.broadcast %ge3A_32 : f32 to vector<16xf32>
      %ge3A_34 = arith.cmpf oge, %get3A_16, %ge3A_33 : vector<16xf32>
      %convert_element_type3A_35 = arith.extui %ge3A_34 : vector<16xi1> to vector<16xi32>
      %add3A_36 = arith.addi %add3A_31, %convert_element_type3A_35 : vector<16xi32>
      %mul3A_37 = arith.constant 16 : i32
      %mul3A_38 = arith.muli %scan3A_12, %mul3A_37 : i32
      %swap3A_39 = arith.index_cast %mul3A_38 : i32 to index
      %swap3A_40 = tpu.vector_load %arg6[%swap3A_39] {strides = array<i32>} : memref<512xi32, #tpu.memory_space<vmem>>, vector<16xi32>,
      tpu.vector_store %arg6[%swap3A_39], %add3A_36 {strides = array<i32>} : memref<512xi32, #tpu.memory_space<vmem>>, vector<16xi32>,
      %eq3A = arith.constant 0 : i32
      %eq3A_41 = vector.broadcast %eq3A : i32 to vector<16xi32>
      %eq3A_42 = arith.cmpi eq, %add3A_36, %eq3A_41 : vector<16xi32>
      %convert_element_type3A_43 = arith.extui %eq3A_42 : vector<16xi1> to vector<16xi32>
      %reduce_sum3A = arith.constant true
      %reduce_sum3A_44 = vector.broadcast %reduce_sum3A : i1 to vector<16xi1>
      %reduce_sum3A_45 = tpu.scan <sum>, %convert_element_type3A_43 masked %reduce_sum3A_44 : vector<16xi32>, vector<16xi1> -> vector<16xi32>
      %reduce_sum3A_46 = vector.extract %reduce_sum3A_45[15] : i32 from vector<16xi32>
      %eq3A_47 = arith.constant 0 : i32
      %eq3A_48 = vector.broadcast %eq3A_47 : i32 to vector<16xi32>
      %eq3A_49 = arith.cmpi eq, %iota3A, %eq3A_48 : vector<16xi32>
      %jit3A = arith.constant 0 : i32
      %broadcast_in_dim3A_50 = vector.broadcast %reduce_sum3A_46 : i32 to vector<16xi32>
      %broadcast_in_dim3A_51 = vector.broadcast %jit3A : i32 to vector<16xi32>
      %select_n3A = arith.select %eq3A_49, %broadcast_in_dim3A_50, %broadcast_in_dim3A_51 : vector<16xi1>, vector<16xi32>
      %add3A_52 = arith.addi %scan3A_13, %select_n3A : vector<16xi32>
      %eq3A_53 = arith.constant 1 : i32
      %eq3A_54 = vector.broadcast %eq3A_53 : i32 to vector<16xi32>
      %eq3A_55 = arith.cmpi eq, %add3A_36, %eq3A_54 : vector<16xi32>
      %convert_element_type3A_56 = arith.extui %eq3A_55 : vector<16xi1> to vector<16xi32>
      %reduce_sum3A_57 = arith.constant true
      %reduce_sum3A_58 = vector.broadcast %reduce_sum3A_57 : i1 to vector<16xi1>
      %reduce_sum3A_59 = tpu.scan <sum>, %convert_element_type3A_56 masked %reduce_sum3A_58 : vector<16xi32>, vector<16xi1> -> vector<16xi32>
      %reduce_sum3A_60 = vector.extract %reduce_sum3A_59[15] : i32 from vector<16xi32>
      %eq3A_61 = arith.constant 1 : i32
      %eq3A_62 = vector.broadcast %eq3A_61 : i32 to vector<16xi32>
      %eq3A_63 = arith.cmpi eq, %iota3A, %eq3A_62 : vector<16xi32>
      %jit3A_64 = arith.constant 0 : i32
      %broadcast_in_dim3A_65 = vector.broadcast %reduce_sum3A_60 : i32 to vector<16xi32>
      %broadcast_in_dim3A_66 = vector.broadcast %jit3A_64 : i32 to vector<16xi32>
      %select_n3A_67 = arith.select %eq3A_63, %broadcast_in_dim3A_65, %broadcast_in_dim3A_66 : vector<16xi1>, vector<16xi32>
      %add3A_68 = arith.addi %add3A_52, %select_n3A_67 : vector<16xi32>
      %eq3A_69 = arith.constant 2 : i32
      %eq3A_70 = vector.broadcast %eq3A_69 : i32 to vector<16xi32>
      %eq3A_71 = arith.cmpi eq, %add3A_36, %eq3A_70 : vector<16xi32>
      %convert_element_type3A_72 = arith.extui %eq3A_71 : vector<16xi1> to vector<16xi32>
      %reduce_sum3A_73 = arith.constant true
      %reduce_sum3A_74 = vector.broadcast %reduce_sum3A_73 : i1 to vector<16xi1>
      %reduce_sum3A_75 = tpu.scan <sum>, %convert_element_type3A_72 masked %reduce_sum3A_74 : vector<16xi32>, vector<16xi1> -> vector<16xi32>
      %reduce_sum3A_76 = vector.extract %reduce_sum3A_75[15] : i32 from vector<16xi32>
      %eq3A_77 = arith.constant 2 : i32
      %eq3A_78 = vector.broadcast %eq3A_77 : i32 to vector<16xi32>
      %eq3A_79 = arith.cmpi eq, %iota3A, %eq3A_78 : vector<16xi32>
      %jit3A_80 = arith.constant 0 : i32
      %broadcast_in_dim3A_81 = vector.broadcast %reduce_sum3A_76 : i32 to vector<16xi32>
      %broadcast_in_dim3A_82 = vector.broadcast %jit3A_80 : i32 to vector<16xi32>
      %select_n3A_83 = arith.select %eq3A_79, %broadcast_in_dim3A_81, %broadcast_in_dim3A_82 : vector<16xi1>, vector<16xi32>
      %add3A_84 = arith.addi %add3A_68, %select_n3A_83 : vector<16xi32>
      %eq3A_85 = arith.constant 3 : i32
      %eq3A_86 = vector.broadcast %eq3A_85 : i32 to vector<16xi32>
      %eq3A_87 = arith.cmpi eq, %add3A_36, %eq3A_86 : vector<16xi32>
      %convert_element_type3A_88 = arith.extui %eq3A_87 : vector<16xi1> to vector<16xi32>
      %reduce_sum3A_89 = arith.constant true
      %reduce_sum3A_90 = vector.broadcast %reduce_sum3A_89 : i1 to vector<16xi1>
      %reduce_sum3A_91 = tpu.scan <sum>, %convert_element_type3A_88 masked %reduce_sum3A_90 : vector<16xi32>, vector<16xi1> -> vector<16xi32>
      %reduce_sum3A_92 = vector.extract %reduce_sum3A_91[15] : i32 from vector<16xi32>
      %eq3A_93 = arith.constant 3 : i32
      %eq3A_94 = vector.broadcast %eq3A_93 : i32 to vector<16xi32>
      %eq3A_95 = arith.cmpi eq, %iota3A, %eq3A_94 : vector<16xi32>
      %jit3A_96 = arith.constant 0 : i32
      %broadcast_in_dim3A_97 = vector.broadcast %reduce_sum3A_92 : i32 to vector<16xi32>
      %broadcast_in_dim3A_98 = vector.broadcast %jit3A_96 : i32 to vector<16xi32>
      %select_n3A_99 = arith.select %eq3A_95, %broadcast_in_dim3A_97, %broadcast_in_dim3A_98 : vector<16xi1>, vector<16xi32>
      %add3A_100 = arith.addi %add3A_84, %select_n3A_99 : vector<16xi32>
      %eq3A_101 = arith.constant 4 : i32
      %eq3A_102 = vector.broadcast %eq3A_101 : i32 to vector<16xi32>
      %eq3A_103 = arith.cmpi eq, %add3A_36, %eq3A_102 : vector<16xi32>
      %convert_element_type3A_104 = arith.extui %eq3A_103 : vector<16xi1> to vector<16xi32>
      %reduce_sum3A_105 = arith.constant true
      %reduce_sum3A_106 = vector.broadcast %reduce_sum3A_105 : i1 to vector<16xi1>
      %reduce_sum3A_107 = tpu.scan <sum>, %convert_element_type3A_104 masked %reduce_sum3A_106 : vector<16xi32>, vector<16xi1> -> vector<16xi32>
      %reduce_sum3A_108 = vector.extract %reduce_sum3A_107[15] : i32 from vector<16xi32>
      %eq3A_109 = arith.constant 4 : i32
      %eq3A_110 = vector.broadcast %eq3A_109 : i32 to vector<16xi32>
      %eq3A_111 = arith.cmpi eq, %iota3A, %eq3A_110 : vector<16xi32>
      %jit3A_112 = arith.constant 0 : i32
      %broadcast_in_dim3A_113 = vector.broadcast %reduce_sum3A_108 : i32 to vector<16xi32>
      %broadcast_in_dim3A_114 = vector.broadcast %jit3A_112 : i32 to vector<16xi32>
      %select_n3A_115 = arith.select %eq3A_111, %broadcast_in_dim3A_113, %broadcast_in_dim3A_114 : vector<16xi1>, vector<16xi32>
      %add3A_116 = arith.addi %add3A_100, %select_n3A_115 : vector<16xi32>
      scf.yield %add3A_116 : vector<16xi32>
    }
    %scan3A_8 = arith.constant 32 : i32
    %swap3A = arith.constant 0 : index
    %swap3A_9 = tpu.vector_load %arg7[%swap3A] {strides = array<i32>} : memref<16xi32, #tpu.memory_space<vmem>>, vector<16xi32>,
    tpu.vector_store %arg7[%swap3A], %scan3A_7 {strides = array<i32>} : memref<16xi32, #tpu.memory_space<vmem>>, vector<16xi32>,
    "tpu.region"() ({
      %run_scoped3A = tpu.sem_alloc : memref<!tpu.dma_semaphore, #tpu.memory_space<semaphore_mem>>
      %dma_start3A = tpu.memref_slice %arg3[%mul3A_2] : memref<16384xi32, #tpu.memory_space<hbm>> -> memref<512xi32, #tpu.memory_space<hbm>>
      %dma_start3A_12 = tpu.memref_slice %arg3[%mul3A_2] : memref<16384xi32, #tpu.memory_space<hbm>> -> memref<512xi32, #tpu.memory_space<hbm>>
      tpu.enqueue_dma source(%arg6 : memref<512xi32, #tpu.memory_space<vmem>>) target(%dma_start3A_12 : memref<512xi32, #tpu.memory_space<hbm>>) target_semaphore(%run_scoped3A : memref<!tpu.dma_semaphore, #tpu.memory_space<semaphore_mem>>)
      %dma_wait3A = tpu.memref_slice %arg3[%mul3A_2] : memref<16384xi32, #tpu.memory_space<hbm>> -> memref<512xi32, #tpu.memory_space<hbm>>
      %dma_wait3A_13 = tpu.memref_slice %arg3[%mul3A_2] : memref<16384xi32, #tpu.memory_space<hbm>> -> memref<512xi32, #tpu.memory_space<hbm>>
      tpu.wait_dma2 semaphore(%run_scoped3A : memref<!tpu.dma_semaphore, #tpu.memory_space<semaphore_mem>>) src(%arg6 : memref<512xi32, #tpu.memory_space<vmem>>) dst(%dma_wait3A_13 : memref<512xi32, #tpu.memory_space<hbm>>)
      tpu.yield
    }) : () -> ()
    %mul3A_10 = arith.constant 16 : i32
    %mul3A_11 = arith.muli %add3A, %mul3A_10 : i32
    "tpu.region"() ({
      %run_scoped3A = tpu.sem_alloc : memref<!tpu.dma_semaphore, #tpu.memory_space<semaphore_mem>>
      %dma_start3A = tpu.memref_slice %arg4[%mul3A_11] : memref<512xi32, #tpu.memory_space<hbm>> -> memref<16xi32, #tpu.memory_space<hbm>>
      %dma_start3A_12 = tpu.memref_slice %arg4[%mul3A_11] : memref<512xi32, #tpu.memory_space<hbm>> -> memref<16xi32, #tpu.memory_space<hbm>>
      tpu.enqueue_dma source(%arg7 : memref<16xi32, #tpu.memory_space<vmem>>) target(%dma_start3A_12 : memref<16xi32, #tpu.memory_space<hbm>>) target_semaphore(%run_scoped3A : memref<!tpu.dma_semaphore, #tpu.memory_space<semaphore_mem>>)
      %dma_wait3A = tpu.memref_slice %arg4[%mul3A_11] : memref<512xi32, #tpu.memory_space<hbm>> -> memref<16xi32, #tpu.memory_space<hbm>>
      %dma_wait3A_13 = tpu.memref_slice %arg4[%mul3A_11] : memref<512xi32, #tpu.memory_space<hbm>> -> memref<16xi32, #tpu.memory_space<hbm>>
      tpu.wait_dma2 semaphore(%run_scoped3A : memref<!tpu.dma_semaphore, #tpu.memory_space<semaphore_mem>>) src(%arg7 : memref<16xi32, #tpu.memory_space<vmem>>) dst(%dma_wait3A_13 : memref<16xi32, #tpu.memory_space<hbm>>)
      tpu.yield
    }) : () -> ()
    return
  }
}

module attributes {stable_mosaic.version = 14 : i64} {
  func.func @_tc_body(%arg0: i32, %arg1: memref<80xi32, #tpu.memory_space<smem>>, %arg2: memref<256x1152xf32, #tpu.memory_space<vmem>>, %arg3: memref<1x1152x1024xf32, #tpu.memory_space<vmem>>, %arg4: memref<1x1x1024xf32, #tpu.memory_space<vmem>>, %arg5: memref<1x1024x1024xf32, #tpu.memory_space<vmem>>, %arg6: memref<1x1x1024xf32, #tpu.memory_space<vmem>>, %arg7: memref<1x1x1024xf32, #tpu.memory_space<vmem>>, %arg8: memref<1x1024x512xf32, #tpu.memory_space<vmem>>, %arg9: memref<1x1x512xf32, #tpu.memory_space<vmem>>, %arg10: memref<1x1x512xf32, #tpu.memory_space<vmem>>, %arg11: memref<256x512xf32, #tpu.memory_space<vmem>>) attributes {dimension_semantics = [#tpu.dimension_semantics<arbitrary>], iteration_bounds = array<i64: 69>, scalar_prefetch = 1 : i64, scratch_operands = 0 : i64, tpu.core_type = #tpu.core_type<tc>, window_params = [{transform_indices = @transform_0, window_bounds = array<i64: 256, 1152>}, {transform_indices = @transform_1, window_bounds = array<i64: 1, 1152, 1024>}, {transform_indices = @transform_2, window_bounds = array<i64: 1, 1, 1024>}, {transform_indices = @transform_3, window_bounds = array<i64: 1, 1024, 1024>}, {transform_indices = @transform_4, window_bounds = array<i64: 1, 1, 1024>}, {transform_indices = @transform_5, window_bounds = array<i64: 1, 1, 1024>}, {transform_indices = @transform_6, window_bounds = array<i64: 1, 1024, 512>}, {transform_indices = @transform_7, window_bounds = array<i64: 1, 1, 512>}, {transform_indices = @transform_8, window_bounds = array<i64: 1, 1, 512>}, {transform_indices = @transform_9, window_bounds = array<i64: 256, 512>}]} {
    %get3A = arith.constant 0 : index
    %get3A_0 = arith.constant 0 : index
    %get3A_1 = vector.load %arg2[%get3A, %get3A_0] : memref<256x1152xf32, #tpu.memory_space<vmem>>, vector<256x1152xf32>
    %get3A_2 = arith.constant 0 : index
    %get3A_3 = arith.constant 0 : index
    %get3A_4 = vector.load %arg2[%get3A_2, %get3A_3] : memref<256x1152xf32, #tpu.memory_space<vmem>>, vector<256x1xf32>
    %get3A_5 = arith.constant 0 : index
    %get3A_6 = arith.constant 0 : index
    %get3A_7 = arith.constant 0 : index
    %get3A_8 = vector.load %arg3[%get3A_5, %get3A_6, %get3A_7] : memref<1x1152x1024xf32, #tpu.memory_space<vmem>>, vector<1x1152x1024xf32>
    %get3A_9 = vector.shape_cast %get3A_8 : vector<1x1152x1024xf32> to vector<1152x1024xf32>
    %dot_general3A = arith.constant dense<0.000000e+00> : vector<256x1024xf32>
    %dot_general3A_10 = tpu.matmul %get3A_1, %get3A_9, %dot_general3A {dimension_numbers = #tpu.dot_dimension_numbers<[1], [0], [0], [1], [0, 0, 1, 1], [], []>, transpose_lhs_hint = false} : vector<256x1152xf32>, vector<1152x1024xf32>, vector<256x1024xf32> -> vector<256x1024xf32>
    %get3A_11 = arith.constant 0 : index
    %get3A_12 = arith.constant 0 : index
    %get3A_13 = arith.constant 0 : index
    %get3A_14 = vector.load %arg4[%get3A_11, %get3A_12, %get3A_13] : memref<1x1x1024xf32, #tpu.memory_space<vmem>>, vector<1x1x1024xf32>
    %get3A_15 = vector.shape_cast %get3A_14 : vector<1x1x1024xf32> to vector<1024xf32>
    %broadcast_in_dim3A = vector.shape_cast %get3A_15 : vector<1024xf32> to vector<1x1024xf32>
    %add3A = vector.broadcast %broadcast_in_dim3A : vector<1x1024xf32> to vector<256x1024xf32>
    %add3A_16 = arith.addf %dot_general3A_10, %add3A : vector<256x1024xf32>
    %max3A = arith.constant 0.000000e+00 : f32
    %max3A_17 = vector.broadcast %max3A : f32 to vector<256x1024xf32>
    %max3A_18 = arith.maximumf %add3A_16, %max3A_17 : vector<256x1024xf32>
    %get3A_19 = arith.constant 0 : index
    %get3A_20 = arith.constant 0 : index
    %get3A_21 = arith.constant 0 : index
    %get3A_22 = vector.load %arg5[%get3A_19, %get3A_20, %get3A_21] : memref<1x1024x1024xf32, #tpu.memory_space<vmem>>, vector<1x1024x1024xf32>
    %get3A_23 = vector.shape_cast %get3A_22 : vector<1x1024x1024xf32> to vector<1024x1024xf32>
    %dot_general3A_24 = arith.constant dense<0.000000e+00> : vector<256x1024xf32>
    %dot_general3A_25 = tpu.matmul %max3A_18, %get3A_23, %dot_general3A_24 {dimension_numbers = #tpu.dot_dimension_numbers<[1], [0], [0], [1], [0, 0, 1, 1], [], []>, transpose_lhs_hint = false} : vector<256x1024xf32>, vector<1024x1024xf32>, vector<256x1024xf32> -> vector<256x1024xf32>
    %get3A_26 = arith.constant 0 : index
    %get3A_27 = arith.constant 0 : index
    %get3A_28 = arith.constant 0 : index
    %get3A_29 = vector.load %arg7[%get3A_26, %get3A_27, %get3A_28] : memref<1x1x1024xf32, #tpu.memory_space<vmem>>, vector<1x1x1024xf32>
    %get3A_30 = vector.shape_cast %get3A_29 : vector<1x1x1024xf32> to vector<1024xf32>
    %broadcast_in_dim3A_31 = vector.shape_cast %get3A_30 : vector<1024xf32> to vector<1x1024xf32>
    %mul3A = vector.broadcast %get3A_4 : vector<256x1xf32> to vector<256x1024xf32>
    %mul3A_32 = vector.broadcast %broadcast_in_dim3A_31 : vector<1x1024xf32> to vector<256x1024xf32>
    %mul3A_33 = arith.mulf %mul3A, %mul3A_32 : vector<256x1024xf32>
    %add3A_34 = arith.addf %dot_general3A_25, %mul3A_33 : vector<256x1024xf32>
    %get3A_35 = arith.constant 0 : index
    %get3A_36 = arith.constant 0 : index
    %get3A_37 = arith.constant 0 : index
    %get3A_38 = vector.load %arg6[%get3A_35, %get3A_36, %get3A_37] : memref<1x1x1024xf32, #tpu.memory_space<vmem>>, vector<1x1x1024xf32>
    %get3A_39 = vector.shape_cast %get3A_38 : vector<1x1x1024xf32> to vector<1024xf32>
    %broadcast_in_dim3A_40 = vector.shape_cast %get3A_39 : vector<1024xf32> to vector<1x1024xf32>
    %add3A_41 = vector.broadcast %broadcast_in_dim3A_40 : vector<1x1024xf32> to vector<256x1024xf32>
    %add3A_42 = arith.addf %add3A_34, %add3A_41 : vector<256x1024xf32>
    %max3A_43 = arith.constant 0.000000e+00 : f32
    %max3A_44 = vector.broadcast %max3A_43 : f32 to vector<256x1024xf32>
    %max3A_45 = arith.maximumf %add3A_42, %max3A_44 : vector<256x1024xf32>
    %get3A_46 = arith.constant 0 : index
    %get3A_47 = arith.constant 0 : index
    %get3A_48 = arith.constant 0 : index
    %get3A_49 = vector.load %arg8[%get3A_46, %get3A_47, %get3A_48] : memref<1x1024x512xf32, #tpu.memory_space<vmem>>, vector<1x1024x512xf32>
    %get3A_50 = vector.shape_cast %get3A_49 : vector<1x1024x512xf32> to vector<1024x512xf32>
    %dot_general3A_51 = arith.constant dense<0.000000e+00> : vector<256x512xf32>
    %dot_general3A_52 = tpu.matmul %max3A_45, %get3A_50, %dot_general3A_51 {dimension_numbers = #tpu.dot_dimension_numbers<[1], [0], [0], [1], [0, 0, 1, 1], [], []>, transpose_lhs_hint = false} : vector<256x1024xf32>, vector<1024x512xf32>, vector<256x512xf32> -> vector<256x512xf32>
    %get3A_53 = arith.constant 0 : index
    %get3A_54 = arith.constant 0 : index
    %get3A_55 = arith.constant 0 : index
    %get3A_56 = vector.load %arg10[%get3A_53, %get3A_54, %get3A_55] : memref<1x1x512xf32, #tpu.memory_space<vmem>>, vector<1x1x512xf32>
    %get3A_57 = vector.shape_cast %get3A_56 : vector<1x1x512xf32> to vector<512xf32>
    %broadcast_in_dim3A_58 = vector.shape_cast %get3A_57 : vector<512xf32> to vector<1x512xf32>
    %mul3A_59 = vector.broadcast %get3A_4 : vector<256x1xf32> to vector<256x512xf32>
    %mul3A_60 = vector.broadcast %broadcast_in_dim3A_58 : vector<1x512xf32> to vector<256x512xf32>
    %mul3A_61 = arith.mulf %mul3A_59, %mul3A_60 : vector<256x512xf32>
    %add3A_62 = arith.addf %dot_general3A_52, %mul3A_61 : vector<256x512xf32>
    %get3A_63 = arith.constant 0 : index
    %get3A_64 = arith.constant 0 : index
    %get3A_65 = arith.constant 0 : index
    %get3A_66 = vector.load %arg9[%get3A_63, %get3A_64, %get3A_65] : memref<1x1x512xf32, #tpu.memory_space<vmem>>, vector<1x1x512xf32>
    %get3A_67 = vector.shape_cast %get3A_66 : vector<1x1x512xf32> to vector<512xf32>
    %broadcast_in_dim3A_68 = vector.shape_cast %get3A_67 : vector<512xf32> to vector<1x512xf32>
    %add3A_69 = vector.broadcast %broadcast_in_dim3A_68 : vector<1x512xf32> to vector<256x512xf32>
    %add3A_70 = arith.addf %add3A_62, %add3A_69 : vector<256x512xf32>
    %max3A_71 = arith.constant 0.000000e+00 : f32
    %max3A_72 = vector.broadcast %max3A_71 : f32 to vector<256x512xf32>
    %max3A_73 = arith.maximumf %add3A_70, %max3A_72 : vector<256x512xf32>
    %swap3A = arith.constant 0 : index
    %swap3A_74 = arith.constant 0 : index
    %swap3A_75 = vector.load %arg11[%swap3A, %swap3A_74] : memref<256x512xf32, #tpu.memory_space<vmem>>, vector<256x512xf32>
    tpu.vector_store %arg11[%swap3A, %swap3A_74], %max3A_73 {strides = array<i32>} : memref<256x512xf32, #tpu.memory_space<vmem>>, vector<256x512xf32>,
    return
  }
  func.func @transform_0(%arg0: i32, %arg1: memref<80xi32, #tpu.memory_space<smem>>) -> (i32, i32) {
    %c0_i32 = arith.constant 0 : i32
    %c0_i32_0 = arith.constant 0 : i32
    return %arg0, %c0_i32 : i32, i32
  }
  func.func @transform_1(%arg0: i32, %arg1: memref<80xi32, #tpu.memory_space<smem>>) -> (i32, i32, i32) {
    %get3A = arith.index_cast %arg0 : i32 to index
    %get3A_0 = memref.load %arg1[%get3A] : memref<80xi32, #tpu.memory_space<smem>>
    %c0_i32 = arith.constant 0 : i32
    %c0_i32_1 = arith.constant 0 : i32
    %c0_i32_2 = arith.constant 0 : i32
    return %get3A_0, %c0_i32, %c0_i32_1 : i32, i32, i32
  }
  func.func @transform_2(%arg0: i32, %arg1: memref<80xi32, #tpu.memory_space<smem>>) -> (i32, i32, i32) {
    %get3A = arith.index_cast %arg0 : i32 to index
    %get3A_0 = memref.load %arg1[%get3A] : memref<80xi32, #tpu.memory_space<smem>>
    %c0_i32 = arith.constant 0 : i32
    %c0_i32_1 = arith.constant 0 : i32
    %c0_i32_2 = arith.constant 0 : i32
    return %get3A_0, %c0_i32, %c0_i32_1 : i32, i32, i32
  }
  func.func @transform_3(%arg0: i32, %arg1: memref<80xi32, #tpu.memory_space<smem>>) -> (i32, i32, i32) {
    %get3A = arith.index_cast %arg0 : i32 to index
    %get3A_0 = memref.load %arg1[%get3A] : memref<80xi32, #tpu.memory_space<smem>>
    %c0_i32 = arith.constant 0 : i32
    %c0_i32_1 = arith.constant 0 : i32
    %c0_i32_2 = arith.constant 0 : i32
    return %get3A_0, %c0_i32, %c0_i32_1 : i32, i32, i32
  }
  func.func @transform_4(%arg0: i32, %arg1: memref<80xi32, #tpu.memory_space<smem>>) -> (i32, i32, i32) {
    %get3A = arith.index_cast %arg0 : i32 to index
    %get3A_0 = memref.load %arg1[%get3A] : memref<80xi32, #tpu.memory_space<smem>>
    %c0_i32 = arith.constant 0 : i32
    %c0_i32_1 = arith.constant 0 : i32
    %c0_i32_2 = arith.constant 0 : i32
    return %get3A_0, %c0_i32, %c0_i32_1 : i32, i32, i32
  }
  func.func @transform_5(%arg0: i32, %arg1: memref<80xi32, #tpu.memory_space<smem>>) -> (i32, i32, i32) {
    %get3A = arith.index_cast %arg0 : i32 to index
    %get3A_0 = memref.load %arg1[%get3A] : memref<80xi32, #tpu.memory_space<smem>>
    %c0_i32 = arith.constant 0 : i32
    %c0_i32_1 = arith.constant 0 : i32
    %c0_i32_2 = arith.constant 0 : i32
    return %get3A_0, %c0_i32, %c0_i32_1 : i32, i32, i32
  }
  func.func @transform_6(%arg0: i32, %arg1: memref<80xi32, #tpu.memory_space<smem>>) -> (i32, i32, i32) {
    %get3A = arith.index_cast %arg0 : i32 to index
    %get3A_0 = memref.load %arg1[%get3A] : memref<80xi32, #tpu.memory_space<smem>>
    %c0_i32 = arith.constant 0 : i32
    %c0_i32_1 = arith.constant 0 : i32
    %c0_i32_2 = arith.constant 0 : i32
    return %get3A_0, %c0_i32, %c0_i32_1 : i32, i32, i32
  }
  func.func @transform_7(%arg0: i32, %arg1: memref<80xi32, #tpu.memory_space<smem>>) -> (i32, i32, i32) {
    %get3A = arith.index_cast %arg0 : i32 to index
    %get3A_0 = memref.load %arg1[%get3A] : memref<80xi32, #tpu.memory_space<smem>>
    %c0_i32 = arith.constant 0 : i32
    %c0_i32_1 = arith.constant 0 : i32
    %c0_i32_2 = arith.constant 0 : i32
    return %get3A_0, %c0_i32, %c0_i32_1 : i32, i32, i32
  }
  func.func @transform_8(%arg0: i32, %arg1: memref<80xi32, #tpu.memory_space<smem>>) -> (i32, i32, i32) {
    %get3A = arith.index_cast %arg0 : i32 to index
    %get3A_0 = memref.load %arg1[%get3A] : memref<80xi32, #tpu.memory_space<smem>>
    %c0_i32 = arith.constant 0 : i32
    %c0_i32_1 = arith.constant 0 : i32
    %c0_i32_2 = arith.constant 0 : i32
    return %get3A_0, %c0_i32, %c0_i32_1 : i32, i32, i32
  }
  func.func @transform_9(%arg0: i32, %arg1: memref<80xi32, #tpu.memory_space<smem>>) -> (i32, i32) {
    %c0_i32 = arith.constant 0 : i32
    %c0_i32_0 = arith.constant 0 : i32
    return %arg0, %c0_i32 : i32, i32
  }
}

</mosaic_0001>

<sc_bundles>
// kernel: kernel.12.cloned.1.call-start
scs
__scs_entry_jumppad:
0x0: {  	(pc) =	sbr.rel $0x88, $3  }
0x1: {  	(tag) =	ssettag $0x0;
	lr =	simm.s32 $0x1  }
0x2: {  	[smem:$0x3F97] =	sst lr;
	_ =	strace $0xD0000000  }
0x3: {  	_ = 	snop  }
0x4: {  	_ = 	snop  }
0x5: {  	_ = 	snop  }
0x6: {  	_ = 	snop  }
0x7: {  	_ = 	snop  }
__scs_overlays_trampoline_lowered:
0x8: {  	[smem:$0x3FA6] =	sst s0  }
0x9: {  	[smem:$0x3FA7] =	sst s1  }
0xa: {  	[smem:$0x3FA8] =	sst s2  }
0xb: {  	[smem:$0x3FA9] =	sst s3  }
0xc: {  	[smem:$0x3FAA] =	sst s4  }
0xd: {  	[smem:$0x3FAB] =	sst s5  }
0xe: {  	[smem:$0x3FAC] =	sst s6  }
0xf: {  	[smem:$0x3FAD] =	sst s7  }
0x10: {  	[smem:$0x3FAE] =	sst s8  }
0x11: {  	[smem:$0x3FAF] =	sst s9;
	s0 =	simm.s32 @!p0 $0x0  }
0x12: {  	s1 =	sld [smem:$0x3F95];
	s0 =	simm.s32 @p0 $0x1  }
0x13: {  	[smem:$0x3FB0] =	sst s0;
	s0 =	simm.s32 @!p1 $0x0  }
0x14: {  	s2 =	sld [smem:$0x3F94];
	s0 =	simm.s32 @p1 $0x1  }
0x15: {  	[smem:$0x3FB1] =	sst s0;
	s0 =	simm.s32 @!p2 $0x0  }
0x16: {  	s3 =	sld [smem:$0x3FDB];
	s0 =	simm.s32 @p2 $0x1  }
0x17: {  	s4 =	simm.s32 $0x1BF5;
	[smem:$0x3FB3] =	sst s0  }
0x18: {  	s0 =	sld [smem:$0x3F96];
	_ =	swait.ge [sflag:s4], $0x0  }
0x19: {  	s7 =	sld [smem:$0x3F97]  }
0x1a: {  	s8 =	sadd.s32 $0xFFFFE003, lr  }
0x1b: {  	s9 =	sadd.s32 $0xFFFFFEF7, lr;
	s5 =	simm.s32 $0xFFFFFFFF;
	p2 =	slt.u32 s8, $0xFFFFF086  }
0x1c: {  	p1 =	slt.u32 s9, $0xF7A;
	s5 =	simm.s32 @!p2 $0x0  }
0x1d: {  	s5 =	simm.s32 @p1 $0x1;
	p0 =	seq.s32 s7, s2  }
0x1e: {  	s7 =	smul.u32 @!p0 $0xF7A, s2;
	p2 =	seq.s32 @!p0 s5, $0x0  }
0x1f: {  	s9 =	smul.u32 $0xF7A, s1;
	s8 =	simm.s32 @!p0 $0x1BF5;
	p2 =	por !p2, p0  }
0x20: {  	[sflag:s8] =	ssyncset.s32 @!p0 $0xFFFFF086;
	s6 =	sadd.s32 @!p0 s3, s7;
	s7 =	simm.s32 @!p0 $0x108  }
0x21: {  	s3 =	sadd.s32 s3, s9;
	s6 =	sadd.s32 @!p0 $0x88, s6;
	s7 =	simm.s32 @p2 $0x1082  }
0x22: {  	[simem:s7], [sflag:s8] =	dma.local @!p0 [hbm:s6], $0xF7A  }
0x23: {  	s9 =	sor.u32 $0xD0000000, s2;
	s6 =	simm.s32 $0x108;
	_ =	swait.ge @!p0 [sflag:s8], $0x0  }
0x24: {  	s3 =	sadd.s32 $0x88, s3;
	s6 =	simm.s32 @!p1 $0x1082;
	[sflag:s4] =	ssyncset.s32 $0xFFFFF086  }
0x25: {  	[simem:s6], [sflag:s4] =	dma.local [hbm:s3], $0xF7A  }
0x26: {  	[smem:$0x3F97] =	sst s1;
	(tag) =	ssettag s2;
	_ =	strace s9  }
0x27: {  	s1 =	sld [smem:$0x3FA7]  }
0x28: {  	s2 =	sld [smem:$0x3FA8]  }
0x29: {  	s4 =	sld [smem:$0x3FAA]  }
0x2a: {  	p0 =	seq.s32 s5, $0x0;
	s5 =	sld [smem:$0x3FAB]  }
0x2b: {  	s6 =	sld [smem:$0x3FAC]  }
0x2c: {  	s7 =	sld [smem:$0x3FAD]  }
0x2d: {  	s3 =	simm.s32 $0x108;
	s8 =	sld [smem:$0x3FAE]  }
0x2e: {  	s3 =	simm.s32 @!p0 $0x1082;
	s9 =	sld [smem:$0x3FAF]  }
0x2f: {  	lr =	sadd.s32 s0, s3;
	s0 =	sld [smem:$0x3FA6]  }
0x30: {  	s3 =	sld [smem:$0x3FA9]  }
0x31: {  	[smem:$0x3FB2] =	sst s10  }
0x32: {  	s10 =	sld [smem:$0x3FB0];
	_ =	sdelay $0x3  }
0x33: {  	p0 =	seq.s32 s10, $0x1;
	s10 =	sld [smem:$0x3FB2];
	_ =	sdelay $0x3  }
0x34: {  	[smem:$0x3FB2] =	sst s10  }
0x35: {  	s10 =	sld [smem:$0x3FB1];
	_ =	sdelay $0x3  }
0x36: {  	p1 =	seq.s32 s10, $0x1;
	s10 =	sld [smem:$0x3FB2];
	_ =	sdelay $0x3  }
0x37: {  	[smem:$0x3FB2] =	sst s10  }
0x38: {  	s10 =	sld [smem:$0x3FB3]  }
0x39: {  	_ = 	snop;
	(pc) =	sbr.ind lr, $3  }
0x3a: {  	_ = 	snop  }
0x3b: {  	_ = 	snop  }
0x3c: {  	p2 =	seq.s32 s10, $0x1;
	s10 =	sld [smem:$0x3FB2]  }
0x3d: {  	_ =	shalt  }
0x3e: {  	_ =	shalt  }
0x3f: {  	_ =	shalt  }
0x40: {  	_ =	shalt  }
0x41: {  	_ =	shalt  }
0x42: {  	_ =	shalt  }
0x43: {  	_ =	shalt  }
0x44: {  	_ =	shalt  }
0x45: {  	_ =	shalt  }
0x46: {  	_ =	shalt  }
0x47: {  	_ =	shalt  }
0x48: {  	_ =	shalt  }
0x49: {  	_ =	shalt  }
0x4a: {  	_ =	shalt  }
0x4b: {  	_ =	shalt  }
0x4c: {  	_ =	shalt  }
0x4d: {  	_ =	shalt  }
0x4e: {  	_ =	shalt  }
0x4f: {  	_ =	shalt  }
0x50: {  	_ =	shalt  }
0x51: {  	_ =	shalt  }
0x52: {  	_ =	shalt  }
0x53: {  	_ =	shalt  }
0x54: {  	_ =	shalt  }
0x55: {  	_ =	shalt  }
0x56: {  	_ =	shalt  }
0x57: {  	_ =	shalt  }
0x58: {  	_ =	shalt  }
0x59: {  	_ =	shalt  }
0x5a: {  	_ =	shalt  }
0x5b: {  	_ =	shalt  }
0x5c: {  	_ =	shalt  }
0x5d: {  	_ =	shalt  }
0x5e: {  	_ =	shalt  }
0x5f: {  	_ =	shalt  }
0x60: {  	_ =	shalt  }
0x61: {  	_ =	shalt  }
0x62: {  	_ =	shalt  }
0x63: {  	_ =	shalt  }
0x64: {  	_ =	shalt  }
0x65: {  	_ =	shalt  }
0x66: {  	_ =	shalt  }
0x67: {  	_ =	shalt  }
0x68: {  	_ =	shalt  }
0x69: {  	_ =	shalt  }
0x6a: {  	_ =	shalt  }
0x6b: {  	_ =	shalt  }
0x6c: {  	_ =	shalt  }
0x6d: {  	_ =	shalt  }
0x6e: {  	_ =	shalt  }
0x6f: {  	_ =	shalt  }
0x70: {  	_ =	shalt  }
0x71: {  	_ =	shalt  }
0x72: {  	_ =	shalt  }
0x73: {  	_ =	shalt  }
0x74: {  	_ =	shalt  }
0x75: {  	_ =	shalt  }
0x76: {  	_ =	shalt  }
0x77: {  	_ =	shalt  }
0x78: {  	_ =	shalt  }
0x79: {  	_ =	shalt  }
0x7a: {  	_ =	shalt  }
0x7b: {  	_ =	shalt  }
0x7c: {  	_ =	shalt  }
0x7d: {  	_ =	shalt  }
0x7e: {  	_ =	shalt  }
0x7f: {  	_ =	shalt  }
0x80: {  	_ =	shalt  }
0x81: {  	_ =	shalt  }
0x82: {  	_ =	shalt  }
0x83: {  	_ =	shalt  }
0x84: {  	_ =	shalt  }
0x85: {  	_ =	shalt  }
0x86: {  	_ =	shalt  }
0x87: {  	_ =	shalt  }
.Lfunc_end0:
.L_simem_size_0:
called_computation.2_lowered:
.L_overlay_start_0:
0x88: {  	s2 =	sld [smem:$0x3FD9]  }
0x89: {  	s3 =	sld [smem:$0x3FFE];
	_ =	sdelay $0x1  }
0x8a: {  	s1 =	srdreg.scid  }
0x8b: {  	s0 =	sand.u32 $0x1, s1  }
0x8c: {  	s17 =	sshll.u32 s0, $0xA;
	s2 =	sadd.s32 s3, s2  }
0x8d: {  	s2 =	sadd.s32 s2, s17  }
0x8e: {  	[smem:$0x3FBE] =	sst s2  }
0x8f: {  	_ = 	snop  }
0x90: {  	s2 =	sld [smem:$0x3FD0];
	(tm) =	ssettm $0x1  }
0x91: {  	s18 =	sld [smem:$0x3FFB];
	_ =	sdelay $0x3  }
0x92: {  	_ =	strace s18  }
0x93: {  	s3 =	sld [smem:$0x3FFC];
	_ =	sdelay $0x3  }
0x94: {  	_ =	strace s3  }
0x95: {  	s3 =	sld [smem:$0x3FFD];
	_ =	sdelay $0x3  }
0x96: {  	_ =	strace s3  }
0x97: {  	_ =	strace $0x8FFFFFFF  }
0x98: {  	s19 =	sld [smem:$0x3FDB];
	_ =	sdelay $0x1  }
0x99: {  	s4 =	simm.s32 $_scs_section_size  }
0x9a: {  	s5 =	simm.s32 $_size__tile_overlayer_lowered;
	s6 =	simm.s32 $_tile_overlayer_lowered  }
0x9b: {  	s22 =	simm.s32 $0x1BFF;
	s21 =	sshll.u32 s6, $0x1;
	s3 =	sadd.s32 s4, s19  }
0x9c: {  	s7 =	simm.s32 $0x0;
	s20 =	sshll.u32 s5, $0x1;
	s5 =	sadd.s32 s21, s3  }
0x9d: {  	[timem:s7], [sflag:s22] =	dma.local [hbm:s5], s20  }
0x9e: {  	_ =	swait.ge [sflag:s22], s20  }
0x9f: {  	s4 =	ssub.s32 $0x0, s20;
	[sflag:s22] =	ssyncset.done $0x0  }
0xa0: {  	[sflag:s22] =	ssyncadd.s32 s4;
	_ =	sdelay $0x1  }
0xa1: {  	s23 =	simm.s32 $0x1B8B  }
0xa2: {  	_ =	swait.ge [sflag:s23], $0x1  }
0xa3: {  	[sflag:s23] =	ssyncset.done $0x0  }
0xa4: {  	s25 =	simm.s32 $0x1B8E;
	s24 =	sld [smem:$0x3FFE];
	[sflag:s23] =	ssyncadd.s32 $0xFFFFFFFF  }
0xa5: {  	s26 =	simm.s32 $execute0_lowered;
	[smem:$0x3FD2] =	sst s25  }
0xa6: {  	s5 =	sshll.u32 s26, $0x1;
	_ =	strace $0x8000004C;
	[dreg:$0x1] =	wrdreg $0xFFFFFFFF  }
0xa7: {  	s28 =	simm.s32 $_size_execute0_lowered;
	s3 =	sadd.s32 s3, s5;
	[dreg:$0x0] =	wrdreg $0x0  }
0xa8: {  	s5 =	sshll.u32 s28, $0x1;
	[dreg:$0x2] =	wrdreg s3  }
0xa9: {  	[dreg:$0x3] =	wrdreg s5  }
0xaa: {  	[dreg:$0x4] =	wrdreg $0xC0  }
0xab: {  	_ =	task [dreg:s7], $0x5FFFF  }
0xac: {  	[dreg:$0x1] =	wrdreg $0xFFFFFFFF  }
0xad: {  	[dreg:$0x0] =	wrdreg $0x60  }
0xae: {  	[dreg:$0x2] =	wrdreg s24  }
0xaf: {  	[dreg:$0x3] =	wrdreg s2  }
0xb0: {  	[dreg:$0x4] =	wrdreg $0x9  }
0xb1: {  	_ =	task.clear_ibuf [dreg:s7], $0x5FFFF;
	_ =	strace $0x9000004C  }
0xb2: {  	s29 =	simm.s32 $0x9;
	_ =	strace $0x8000004E  }
0xb3: {  	_ =	swait.ge [sflag:s29], $0x1  }
0xb4: {  	[sflag:s29] =	ssyncadd.s32 $0xFFFFFFFF  }
0xb5: {  	_ =	strace $0x9000004E  }
0xb6: {  	_ =	sfence  }
0xb7: {  	s30 =	sld [smem:$0x0];
	_ =	sdelay $0x2  }
0xb8: {  	s31 =	sshll.u32 s1, $0xD;
	s1 =	sshrl.u32 s1, $0x2  }
0xb9: {  	s3 =	sand.u32 $0x4000, s31;
	s1 =	sadd.s32 s1, s30  }
0xba: {  	s0 =	sor.u32 s3, s0;
	s1 =	sshll.u32 s1, $0x11  }
0xbb: {  	s0 =	sor.u32 s1, s0  }
0xbc: {  	s0 =	sadd.s32 $0x8F2B, s0  }
0xbd: {  	[sflag:s0] =	ssyncadd.remote.s32 $0x1  }
0xbe: {  	_ =	sfence.sel $0xFFFF  }
0xbf: {  	[dreg:$0x0] =	wrdreg $0xFFFFFFFF;
	(pc) =	sbr.abs _section_cstart, $3  }
0xc0: {  	[dreg:$0x1] =	wrdreg $0xFFFFFFFF  }
0xc1: {  	_ =	task.clear_ibuf [dreg:s7], $0x2FFFF;
	_ =	strace $0x9FFFFFFF  }
0xc2: {  	(tm) =	ssettm $0x7FFFFFFF  }
0xc3: {  	_ =	shalt  }
tec
execute0_lowered:
.L_overlay_start_1:
0x0: {  	(tag) =	ssettag $0x1  }
0x1: {  	s0 =	srdreg.scid;
	s1 =	rddreg [dreg:$0x0]  }
0x2: {  	s9 =	stileid.u32;
	s4 =	rddreg [dreg:$0x1];
	s2 =	simm.s32 $0x0  }
0x3: {  	s10 =	simm.s32 $0x200;
	s11 =	simm.s32 $0xA00;
	s12 =	simm.s32 $0x1200  }
0x4: {  	s13 =	simm.s32 $0x1A00;
	s14 =	simm.s32 $0x2200;
	s15 =	simm.s32 $0x2A00  }
0x5: {  	s16 =	simm.s32 $0x3200;
	s17 =	simm.s32 $0x3A00;
	s18 =	simm.s32 $0x4200  }
0x6: {  	s22 =	simm.s32 $0x6200;
	s28 =	simm.s32 $0x2;
	s29 =	simm.s32 $0x3  }
0x7: {  	s30 =	simm.s32 $0x4;
	s31 =	simm.s32 $0x5;
	s19 =	simm.s32 $0x8  }
0x8: {  	s20 =	simm.s32 $0x0;
	s0 =	sand.u32 $0x1, s0;
	s3 =	sshll.u32 s9, $0xA  }
0x9: {  	[smem:$0x7FF] =	sst s2;
	s25 =	sshll.u32 s9, $0x10;
	s5 =	sshll.u32 s0, $0x9  }
0xa: {  	_ =	strace $0x8000004D;
	s7 =	ssub.s32 $0x2, s0;
	s5 =	sor.u32 s5, s3  }
0xb: {  	s0 =	sshll.u32 s0, $0xF;
	s8 =	sshrl.u32 s7, $0x1;
	s3 =	sshrl.u32 s5, $0x3  }
0xc: {  	s5 =	sshll.u32 s5, $0x6;
	s7 =	ssub.s32 s7, s8;
	s6 =	sadd.s32 s3, s1  }
.Ltmp0:
0xd: {  	s3 =	sadd.s32 $0x4400, s1;
	s23 =	sadd.s32 s5, s4;
	(pc) =	sbr.rel .LBB2_1-.Ltmp0, $4  }
0xe: {  	s5 =	sadd.s32 $0x4500, s1;
	s26 =	smax.u32 s7, $0x1;
	s1 =	sadd.s32 s25, s4  }
0xf: {  	v2 =	vlaneseq.u32;
	s6 =	sadd.s32 $0x4B2800, s6;
	s24 =	sadd.s32 $0x7C00, s23;
	[dreg:$0x5] =	wrdreg s26  }
0x10: {  	vm0 =	vmmov $0xffff;
	v1 =	vshrl.u32 v2, $0x3;
	s8 =	sadd.s32 s0, s1;
	s26 =	simm.s32 $0x1;
	[dreg:$0x3] =	wrdreg s6  }
0x11: {  	v0 =	vand.u32 $0x7, v2;
	v2 =	vor.u32 $0x8, v2;
	v1 =	vmul.u32 $0x8, v1;
	s1 =	simm.s32 $0x6;
	s0 =	simm.s32 $0x7;
	[dreg:$0x4] =	wrdreg s24  }
.LBB2_4:
0x12: {  	_ =	swait.ge [sflag:s30], $0x2000  }
0x13: {  	[sflag:s30] =	ssyncset.done $0x0  }
0x14: {  	s4 =	rddreg [dreg:$0x4];
	[sflag:s30] =	ssyncadd.s32 $0xFFFFE000  }
0x15: {  	[hbm4b:s4+s2] =	stream.linear.scatter [tilespmem:s22], [sflag:$0x8], $0x2000, $0x38;
	[tilespmem:$0x8200] =	vst v63  }
0x16: {  	_ =	swait.ge [sflag:s31], $0x2000  }
0x17: {  	[sflag:s31] =	ssyncset.done $0x0  }
0x18: {  	[sflag:s31] =	ssyncadd.s32 $0xFFFFE000  }
0x19: {  	_ =	swait.ge [sflag:s1], $0x2000  }
0x1a: {  	[sflag:s1] =	ssyncset.done $0x0  }
0x1b: {  	[sflag:s1] =	ssyncadd.s32 $0xFFFFE000  }
0x1c: {  	_ =	swait.ge [sflag:s0], $0x2000  }
0x1d: {  	[sflag:s0] =	ssyncset.done $0x0  }
0x1e: {  	[sflag:s0] =	ssyncadd.s32 $0xFFFFE000  }
0x1f: {  	_ =	swait.ge [sflag:s19], $0x2000  }
0x20: {  	s20 =	sadd.s32 $0x1, s20;
	s25 =	rddreg [dreg:$0x5]  }
0x21: {  	p0 =	sne.s32 s20, s25  }
.Ltmp1:
0x22: {  	_ = 	snop;
	(pc) =	sbr.rel @!p0 .LBB2_5-.Ltmp1, $3  }
0x23: {  	_ =	sdelay $0x1  }
0x24: {  	[sflag:s19] =	ssyncset.done $0x0  }
0x25: {  	[sflag:s19] =	ssyncadd.s32 $0xFFFFE000  }
.LBB2_1:
0x26: {  	s4 =	rddreg [dreg:$0x3];
	s6 =	simm.s32 $0x9  }
0x27: {  	[tilespmem:s2], [sflag:$0x9] =	stream.linear.gather [hbm4b:s4+s2], $0x200, $0x38;
	[tilespmem:$0x8200] =	vst v63  }
0x28: {  	_ =	swait.ge [sflag:s6], $0x200  }
0x29: {  	[sflag:s6] =	ssyncset.done $0x0  }
0x2a: {  	[sflag:s6] =	ssyncadd.s32 $0xFFFFFE00  }
0x2b: {  	v3 =	vld [tilespmem:$0x0];
	_ =	sdelay $0x4  }
0x2c: {  	v4 =	vshll.u32 v3, $0x2  }
0x2d: {  	v3 =	vand.u32 $0x7, v3;
	v4 =	vand.u32 $0xFFFFFFE0, v4  }
0x2e: {  	v3 =	vor.u32 v3, v4  }
0x2f: {  	v4 =	vperm.xlane v3, v0;
	_ =	sdelay $0x1  }
0x30: {  	v4 =	vadd.s32 v1, v4;
	_ =	sdelay $0x1  }
0x31: {  	v3 =	vperm.xlane v3, v2;
	_ =	sdelay $0x1  }
0x32: {  	v3 =	vadd.s32 v1, v3  }
0x33: {  	[tilespmem:s10], [sflag:$0x1] =	stream.indirect_vreg.gather [hbm4b:s3+s2], $0x80, v4, vm0, $0xb8;
	[tilespmem:$0x8200] =	vst v63  }
0x34: {  	_ = 	snop  }
0x35: {  	[tilespmem:s11], [sflag:$0x1] =	stream.indirect_vreg.gather [hbm4b:s5+s2], $0x80, v4, vm0, $0xb8;
	[tilespmem:$0x8200] =	vst v63  }
0x36: {  	_ = 	snop  }
0x37: {  	[tilespmem:s12], [sflag:$0x1] =	stream.indirect_vreg.gather [hbm4b:s3+s2], $0x80, v3, vm0, $0xb8;
	[tilespmem:$0x8200] =	vst v63  }
0x38: {  	_ = 	snop  }
0x39: {  	[tilespmem:s13], [sflag:$0x1] =	stream.indirect_vreg.gather [hbm4b:s5+s2], $0x80, v3, vm0, $0xb8;
	[tilespmem:$0x8200] =	vst v63  }
0x3a: {  	v3 =	vld [tilespmem:$0x10];
	_ =	sdelay $0x4  }
0x3b: {  	v61 =	vshll.u32 v3, $0x2  }
0x3c: {  	v3 =	vand.u32 $0x7, v3;
	v4 =	vand.u32 $0xFFFFFFE0, v61  }
0x3d: {  	v3 =	vor.u32 v3, v4  }
0x3e: {  	v4 =	vperm.xlane v3, v0;
	_ =	sdelay $0x1  }
0x3f: {  	v4 =	vadd.s32 v1, v4;
	_ =	sdelay $0x1  }
0x40: {  	v3 =	vperm.xlane v3, v2;
	_ =	sdelay $0x1  }
0x41: {  	v3 =	vadd.s32 v1, v3  }
0x42: {  	[tilespmem:s14], [sflag:$0x2] =	stream.indirect_vreg.gather [hbm4b:s3+s2], $0x80, v4, vm0, $0xb8;
	[tilespmem:$0x8200] =	vst v63  }
0x43: {  	_ = 	snop  }
0x44: {  	[tilespmem:s15], [sflag:$0x2] =	stream.indirect_vreg.gather [hbm4b:s5+s2], $0x80, v4, vm0, $0xb8;
	[tilespmem:$0x8200] =	vst v63  }
0x45: {  	_ = 	snop  }
0x46: {  	[tilespmem:s16], [sflag:$0x2] =	stream.indirect_vreg.gather [hbm4b:s3+s2], $0x80, v3, vm0, $0xb8;
	[tilespmem:$0x8200] =	vst v63  }
0x47: {  	_ = 	snop  }
0x48: {  	[tilespmem:s17], [sflag:$0x2] =	stream.indirect_vreg.gather [hbm4b:s5+s2], $0x80, v3, vm0, $0xb8;
	[tilespmem:$0x8200] =	vst v63  }
0x49: {  	v3 =	vld [tilespmem:$0x20];
	_ =	sdelay $0x4  }
0x4a: {  	v62 =	vshll.u32 v3, $0x2  }
0x4b: {  	v3 =	vand.u32 $0x7, v3;
	v4 =	vand.u32 $0xFFFFFFE0, v62  }
0x4c: {  	v3 =	vor.u32 v3, v4  }
0x4d: {  	v4 =	vperm.xlane v3, v0;
	_ =	sdelay $0x1  }
0x4e: {  	v4 =	vadd.s32 v1, v4;
	_ =	sdelay $0x1  }
0x4f: {  	v3 =	vperm.xlane v3, v2;
	_ =	sdelay $0x1  }
0x50: {  	v3 =	vadd.s32 v1, v3  }
0x51: {  	[tilespmem:s18], [sflag:$0x3] =	stream.indirect_vreg.gather [hbm4b:s3+s2], $0x80, v4, vm0, $0xb8;
	[tilespmem:$0x8200] =	vst v63  }
0x52: {  	s7 =	simm.s32 $0x4A00  }
0x53: {  	[tilespmem:s7], [sflag:$0x3] =	stream.indirect_vreg.gather [hbm4b:s5+s2], $0x80, v4, vm0, $0xb8;
	[tilespmem:$0x8200] =	vst v63  }
0x54: {  	s9 =	simm.s32 $0x5200  }
0x55: {  	[tilespmem:s9], [sflag:$0x3] =	stream.indirect_vreg.gather [hbm4b:s3+s2], $0x80, v3, vm0, $0xb8;
	[tilespmem:$0x8200] =	vst v63  }
0x56: {  	s21 =	simm.s32 $0x5A00  }
0x57: {  	[tilespmem:s21], [sflag:$0x3] =	stream.indirect_vreg.gather [hbm4b:s5+s2], $0x80, v3, vm0, $0xb8;
	[tilespmem:$0x8200] =	vst v63  }
0x58: {  	v3 =	vld [tilespmem:$0x30];
	_ =	sdelay $0x4  }
0x59: {  	v63 =	vshll.u32 v3, $0x2  }
0x5a: {  	v3 =	vand.u32 $0x7, v3;
	v4 =	vand.u32 $0xFFFFFFE0, v63  }
0x5b: {  	v3 =	vor.u32 v3, v4  }
0x5c: {  	v4 =	vperm.xlane v3, v0;
	_ =	sdelay $0x1  }
0x5d: {  	v4 =	vadd.s32 v1, v4;
	_ =	sdelay $0x1  }
0x5e: {  	v3 =	vperm.xlane v3, v2;
	_ =	sdelay $0x1  }
0x5f: {  	v3 =	vadd.s32 v1, v3  }
0x60: {  	[tilespmem:s22], [sflag:$0x4] =	stream.indirect_vreg.gather [hbm4b:s3+s2], $0x80, v4, vm0, $0xb8;
	[tilespmem:$0x8200] =	vst v63  }
0x61: {  	s23 =	simm.s32 $0x6A00  }
0x62: {  	[tilespmem:s23], [sflag:$0x4] =	stream.indirect_vreg.gather [hbm4b:s5+s2], $0x80, v4, vm0, $0xb8;
	[tilespmem:$0x8200] =	vst v63  }
0x63: {  	s24 =	simm.s32 $0x7200  }
0x64: {  	[tilespmem:s24], [sflag:$0x4] =	stream.indirect_vreg.gather [hbm4b:s3+s2], $0x80, v3, vm0, $0xb8;
	[tilespmem:$0x8200] =	vst v63  }
0x65: {  	s25 =	simm.s32 $0x7A00;
	s21 =	simm.s32 $0x50  }
0x66: {  	[tilespmem:s25], [sflag:$0x4] =	stream.indirect_vreg.gather [hbm4b:s5+s2], $0x80, v3, vm0, $0xb8;
	[tilespmem:$0x8200] =	vst v63  }
0x67: {  	s23 =	simm.s32 $0xFFFFFFFC;
	s24 =	simm.s32 $0x0;
	s25 =	simm.s32 $0x0  }
.LBB2_2:
0x68: {  	_ =	swait.ge [sflag:s26], $0x2000  }
0x69: {  	p0 =	sgt.u32 s23, $0x1B;
	[sflag:s26] =	ssyncset.done $0x0  }
0x6a: {  	s4 =	sadd.s32 s25, s8;
	s6 =	simm.s32 @!p0 $0x7;
	[sflag:s26] =	ssyncadd.s32 $0xFFFFE000  }
0x6b: {  	[hbm4b:s4+s2] =	stream.linear.scatter [tilespmem:s10], [sflag:$0x5], $0x2000, $0x38;
	[tilespmem:$0x8200] =	vst v63  }
0x6c: {  	s7 =	sadd.s32 @!p0 $0x20, s24;
	_ =	swait.ge @!p0 [sflag:s6], $0x2000  }
0x6d: {  	s9 =	sand.u32 @!p0 $0x180, s24;
	s7 =	sand.u32 @!p0 $0x60, s7;
	[sflag:s6] =	ssyncset.done @!p0 $0x0  }
0x6e: {  	[sflag:s6] =	ssyncadd.s32 @!p0 $0xFFFFE000;
	s6 =	sor.u32 @!p0 s7, s9  }
0x6f: {  	v3 =	vld @!p0 [tilespmem:s6+$0x0];
	_ =	sdelay $0x4  }
0x70: {  	v4 =	vshll.u32 @!p0 v3, $0x2  }
0x71: {  	v5 =	vlaneseq.u32 @!p0;
	v3 =	vand.u32 @!p0 $0x7, v3;
	v4 =	vand.u32 @!p0 $0xFFFFFFE0, v4  }
0x72: {  	v6 =	vshrl.u32 @!p0 v5, $0x3;
	v3 =	vor.u32 @!p0 v3, v4;
	v4 =	vand.u32 @!p0 $0x7, v5  }
0x73: {  	v6 =	vmul.u32 @!p0 $0x8, v6;
	v4 =	vperm.xlane @!p0 v3, v4;
	_ =	sdelay $0x1  }
0x74: {  	v4 =	vadd.s32 @!p0 v6, v4  }
0x75: {  	v5 =	vor.u32 @!p0 $0x8, v5  }
0x76: {  	v3 =	vperm.xlane @!p0 v3, v5;
	_ =	sdelay $0x1  }
0x77: {  	vm1 =	vmmov @!p0 $0xffff;
	s7 =	simm.s32 @!p0 $0x4200;
	s6 =	simm.s32 @!p0 $0x0;
	v3 =	vadd.s32 @!p0 v6, v3  }
0x78: {  	[tilespmem:s7], [sflag:$0x3] =	stream.indirect_vreg.gather @!p0 [hbm4b:s3+s6], $0x80, v4, vm1, $0xb8;
	[tilespmem:$0x8200] =	vst v63  }
0x79: {  	s7 =	simm.s32 @!p0 $0x4A00  }
0x7a: {  	[tilespmem:s7], [sflag:$0x3] =	stream.indirect_vreg.gather @!p0 [hbm4b:s5+s6], $0x80, v4, vm1, $0xb8;
	[tilespmem:$0x8200] =	vst v63  }
0x7b: {  	s7 =	simm.s32 @!p0 $0x5200  }
0x7c: {  	[tilespmem:s7], [sflag:$0x3] =	stream.indirect_vreg.gather @!p0 [hbm4b:s3+s6], $0x80, v3, vm1, $0xb8;
	[tilespmem:$0x8200] =	vst v63  }
0x7d: {  	s7 =	simm.s32 @!p0 $0x5A00  }
0x7e: {  	[tilespmem:s7], [sflag:$0x3] =	stream.indirect_vreg.gather @!p0 [hbm4b:s5+s6], $0x80, v3, vm1, $0xb8;
	[tilespmem:$0x8200] =	vst v63  }
0x7f: {  	_ =	swait.ge [sflag:s28], $0x2000  }
0x80: {  	p0 =	seq.s32 s25, $0x0;
	[sflag:s28] =	ssyncset.done $0x0  }
0x81: {  	s7 =	sadd.s32 $0x400, s4;
	s6 =	simm.s32 @!p0 $0x8;
	[sflag:s28] =	ssyncadd.s32 $0xFFFFE000  }
0x82: {  	[hbm4b:s7+s2] =	stream.linear.scatter [tilespmem:s14], [sflag:$0x6], $0x2000, $0x38;
	[tilespmem:$0x8200] =	vst v63  }
0x83: {  	_ =	swait.ge @!p0 [sflag:s6], $0x2000  }
0x84: {  	[sflag:s6] =	ssyncset.done @!p0 $0x0  }
0x85: {  	[sflag:s6] =	ssyncadd.s32 @!p0 $0xFFFFE000  }
0x86: {  	v3 =	vld @!p0 [tilespmem:s21+$0xFFFFFFE0];
	_ =	sdelay $0x4  }
0x87: {  	v4 =	vshll.u32 @!p0 v3, $0x2  }
0x88: {  	v5 =	vlaneseq.u32 @!p0;
	v3 =	vand.u32 @!p0 $0x7, v3;
	v4 =	vand.u32 @!p0 $0xFFFFFFE0, v4  }
0x89: {  	v6 =	vshrl.u32 @!p0 v5, $0x3;
	v3 =	vor.u32 @!p0 v3, v4;
	v4 =	vand.u32 @!p0 $0x7, v5  }
0x8a: {  	v6 =	vmul.u32 @!p0 $0x8, v6;
	v4 =	vperm.xlane @!p0 v3, v4;
	_ =	sdelay $0x1  }
0x8b: {  	v4 =	vadd.s32 @!p0 v6, v4  }
0x8c: {  	v5 =	vor.u32 @!p0 $0x8, v5  }
0x8d: {  	v3 =	vperm.xlane @!p0 v3, v5;
	_ =	sdelay $0x1  }
0x8e: {  	vm1 =	vmmov @!p0 $0xffff;
	s7 =	simm.s32 @!p0 $0x6200;
	s6 =	simm.s32 @!p0 $0x0;
	v3 =	vadd.s32 @!p0 v6, v3  }
0x8f: {  	[tilespmem:s7], [sflag:$0x4] =	stream.indirect_vreg.gather @!p0 [hbm4b:s3+s6], $0x80, v4, vm1, $0xb8;
	[tilespmem:$0x8200] =	vst v63  }
0x90: {  	s7 =	simm.s32 @!p0 $0x6A00  }
0x91: {  	[tilespmem:s7], [sflag:$0x4] =	stream.indirect_vreg.gather @!p0 [hbm4b:s5+s6], $0x80, v4, vm1, $0xb8;
	[tilespmem:$0x8200] =	vst v63  }
0x92: {  	s7 =	simm.s32 @!p0 $0x7200  }
0x93: {  	[tilespmem:s7], [sflag:$0x4] =	stream.indirect_vreg.gather @!p0 [hbm4b:s3+s6], $0x80, v3, vm1, $0xb8;
	[tilespmem:$0x8200] =	vst v63  }
0x94: {  	s7 =	simm.s32 @!p0 $0x7A00  }
0x95: {  	[tilespmem:s7], [sflag:$0x4] =	stream.indirect_vreg.gather @!p0 [hbm4b:s5+s6], $0x80, v3, vm1, $0xb8;
	[tilespmem:$0x8200] =	vst v63  }
0x96: {  	p0 =	seq.s32 s25, $0x7000  }
.Ltmp2:
0x97: {  	_ = 	snop;
	(pc) =	sbr.rel @p0 .LBB2_4-.Ltmp2, $4  }
0x98: {  	_ =	swait.ge [sflag:s29], $0x2000  }
0x99: {  	[sflag:s29] =	ssyncset.done $0x0  }
0x9a: {  	s9 =	sadd.s32 $0x800, s4;
	[sflag:s29] =	ssyncadd.s32 $0xFFFFE000  }
0x9b: {  	[hbm4b:s9+s2] =	stream.linear.scatter [tilespmem:s18], [sflag:$0x7], $0x2000, $0x38;
	[tilespmem:$0x8200] =	vst v63  }
0x9c: {  	_ =	swait.ge [sflag:s31], $0x2000  }
0x9d: {  	[sflag:s31] =	ssyncset.done $0x0  }
0x9e: {  	[sflag:s31] =	ssyncadd.s32 $0xFFFFE000  }
0x9f: {  	v3 =	vld [tilespmem:s21+$0xFFFFFFF0];
	_ =	sdelay $0x4  }
0xa0: {  	v4 =	vshll.u32 v3, $0x2  }
0xa1: {  	v3 =	vand.u32 $0x7, v3;
	v4 =	vand.u32 $0xFFFFFFE0, v4  }
0xa2: {  	v3 =	vor.u32 v3, v4  }
0xa3: {  	v4 =	vperm.xlane v3, v0;
	_ =	sdelay $0x1  }
0xa4: {  	v4 =	vadd.s32 v1, v4;
	_ =	sdelay $0x1  }
0xa5: {  	v3 =	vperm.xlane v3, v2;
	_ =	sdelay $0x1  }
0xa6: {  	v3 =	vadd.s32 v1, v3  }
0xa7: {  	[tilespmem:s10], [sflag:$0x1] =	stream.indirect_vreg.gather [hbm4b:s3+s2], $0x80, v4, vm0, $0xb8;
	[tilespmem:$0x8200] =	vst v63  }
0xa8: {  	_ = 	snop  }
0xa9: {  	[tilespmem:s11], [sflag:$0x1] =	stream.indirect_vreg.gather [hbm4b:s5+s2], $0x80, v4, vm0, $0xb8;
	[tilespmem:$0x8200] =	vst v63  }
0xaa: {  	_ = 	snop  }
0xab: {  	[tilespmem:s12], [sflag:$0x1] =	stream.indirect_vreg.gather [hbm4b:s3+s2], $0x80, v3, vm0, $0xb8;
	[tilespmem:$0x8200] =	vst v63  }
0xac: {  	_ = 	snop  }
0xad: {  	[tilespmem:s13], [sflag:$0x1] =	stream.indirect_vreg.gather [hbm4b:s5+s2], $0x80, v3, vm0, $0xb8;
	[tilespmem:$0x8200] =	vst v63  }
0xae: {  	_ =	swait.ge [sflag:s30], $0x2000  }
0xaf: {  	[sflag:s30] =	ssyncset.done $0x0  }
0xb0: {  	s4 =	sadd.s32 $0xC00, s4;
	[sflag:s30] =	ssyncadd.s32 $0xFFFFE000  }
0xb1: {  	[hbm4b:s4+s2] =	stream.linear.scatter [tilespmem:s22], [sflag:$0x8], $0x2000, $0x38;
	[tilespmem:$0x8200] =	vst v63  }
0xb2: {  	_ =	swait.ge [sflag:s1], $0x2000  }
0xb3: {  	[sflag:s1] =	ssyncset.done $0x0  }
0xb4: {  	[sflag:s1] =	ssyncadd.s32 $0xFFFFE000  }
0xb5: {  	v3 =	vld [tilespmem:s21+$0x0];
	_ =	sdelay $0x4  }
0xb6: {  	v63 =	vshll.u32 v3, $0x2  }
0xb7: {  	v3 =	vand.u32 $0x7, v3;
	v4 =	vand.u32 $0xFFFFFFE0, v63  }
0xb8: {  	v3 =	vor.u32 v3, v4  }
0xb9: {  	v4 =	vperm.xlane v3, v0;
	_ =	sdelay $0x1  }
0xba: {  	v4 =	vadd.s32 v1, v4;
	_ =	sdelay $0x2  }
0xbb: {  	v3 =	vperm.xlane v3, v2;
	_ =	sdelay $0x1  }
0xbc: {  	v3 =	vadd.s32 v1, v3;
	[tilespmem:s14], [sflag:$0x2] =	stream.indirect_vreg.gather [hbm4b:s3+s2], $0x80, v4, vm0, $0xb8;
	[tilespmem:$0x8200] =	vst v63  }
0xbd: {  	_ = 	snop  }
0xbe: {  	[tilespmem:s15], [sflag:$0x2] =	stream.indirect_vreg.gather [hbm4b:s5+s2], $0x80, v4, vm0, $0xb8;
	[tilespmem:$0x8200] =	vst v63  }
.Ltmp3:
0xbf: {  	_ = 	snop;
	(pc) =	sbr.rel .LBB2_2-.Ltmp3, $4  }
0xc0: {  	s25 =	sadd.s32 $0x1000, s25  }
0xc1: {  	[tilespmem:s16], [sflag:$0x2] =	stream.indirect_vreg.gather [hbm4b:s3+s2], $0x80, v3, vm0, $0xb8;
	[tilespmem:$0x8200] =	vst v63  }
0xc2: {  	s24 =	sadd.s32 $0x40, s24;
	s23 =	sadd.s32 $0x4, s23;
	s21 =	sadd.s32 $0x40, s21  }
0xc3: {  	[tilespmem:s17], [sflag:$0x2] =	stream.indirect_vreg.gather [hbm4b:s5+s2], $0x80, v3, vm0, $0xb8;
	[tilespmem:$0x8200] =	vst v63  }
.LBB2_5:
0xc4: {  	_ =	sfence.sel $0x180000  }
0xc5: {  	[bflag:$0x0] =	sbarrier.arrive $0xFFFF  }
0xc6: {  	_ =	strace $0x9000004D  }
0xc7: {  	s0 =	stileid.u32;
	[bflag:$0x2] =	sbarrier.arrive $0xFFFF  }
0xc8: {  	p0 =	sne.s32 s0, $0x0;
	s0 =	rddreg [dreg:$0x2]  }
0xc9: {  	s0 =	sadd.s32 @!p0 $0x100000, s0  }
0xca: {  	[sflag:s0] =	ssyncadd.tile.s32 @!p0 $0x1;
	_ =	shalt  }
.Lfunc_end2:
_tile_overlayer_lowered:
.L_overlay_start_2:
0xcb: {  	(tag) =	ssettag $0x2  }
0xcc: {  	s0 =	rddreg [dreg:$0x0];
	s2 =	stileid.u32  }
0xcd: {  	s1 =	rddreg [dreg:$0x1];
	p0 =	sne.s32 s2, $0x0  }
0xce: {  	s3 =	rddreg [dreg:$0x2];
	[bflag:$0x3] =	sbarrier.arrive $0xFFFF;
	s2 =	simm.s32 @!p0 $0x1C09  }
0xcf: {  	[timem:s3], [sflag:s2] =	dma.local @!p0 [hbm:s0], s1  }
0xd0: {  	s0 =	simm.s32 @!p0 $0x9  }
0xd1: {  	_ =	swait.ge @!p0 [sflag:s0], s1  }
0xd2: {  	s1 =	ssub.s32 @!p0 $0x0, s1;
	[sflag:s0] =	ssyncset.done @!p0 $0x0  }
0xd3: {  	[sflag:s0] =	ssyncadd.s32 @!p0 s1  }
0xd4: {  	[bflag:$0x3] =	sbarrier.arrive $0xFFFF  }
0xd5: {  	_ =	shalt  }

// kernel: kernel.6.cloned.1.call-start
scs
__scs_entry_jumppad:
0x0: {  	(pc) =	sbr.rel $0x88, $3  }
0x1: {  	(tag) =	ssettag $0x0;
	lr =	simm.s32 $0x1  }
0x2: {  	[smem:$0x3F97] =	sst lr;
	_ =	strace $0xD0000000  }
0x3: {  	_ = 	snop  }
0x4: {  	_ = 	snop  }
0x5: {  	_ = 	snop  }
0x6: {  	_ = 	snop  }
0x7: {  	_ = 	snop  }
__scs_overlays_trampoline_lowered:
0x8: {  	[smem:$0x3FA6] =	sst s0  }
0x9: {  	[smem:$0x3FA7] =	sst s1  }
0xa: {  	[smem:$0x3FA8] =	sst s2  }
0xb: {  	[smem:$0x3FA9] =	sst s3  }
0xc: {  	[smem:$0x3FAA] =	sst s4  }
0xd: {  	[smem:$0x3FAB] =	sst s5  }
0xe: {  	[smem:$0x3FAC] =	sst s6  }
0xf: {  	[smem:$0x3FAD] =	sst s7  }
0x10: {  	[smem:$0x3FAE] =	sst s8  }
0x11: {  	[smem:$0x3FAF] =	sst s9;
	s0 =	simm.s32 @!p0 $0x0  }
0x12: {  	s1 =	sld [smem:$0x3F95];
	s0 =	simm.s32 @p0 $0x1  }
0x13: {  	[smem:$0x3FB0] =	sst s0;
	s0 =	simm.s32 @!p1 $0x0  }
0x14: {  	s2 =	sld [smem:$0x3F94];
	s0 =	simm.s32 @p1 $0x1  }
0x15: {  	[smem:$0x3FB1] =	sst s0;
	s0 =	simm.s32 @!p2 $0x0  }
0x16: {  	s3 =	sld [smem:$0x3FDB];
	s0 =	simm.s32 @p2 $0x1  }
0x17: {  	s4 =	simm.s32 $0x1BF5;
	[smem:$0x3FB3] =	sst s0  }
0x18: {  	s0 =	sld [smem:$0x3F96];
	_ =	swait.ge [sflag:s4], $0x0  }
0x19: {  	s7 =	sld [smem:$0x3F97]  }
0x1a: {  	s8 =	sadd.s32 $0xFFFFE003, lr  }
0x1b: {  	s9 =	sadd.s32 $0xFFFFFEF7, lr;
	s5 =	simm.s32 $0xFFFFFFFF;
	p2 =	slt.u32 s8, $0xFFFFF086  }
0x1c: {  	p1 =	slt.u32 s9, $0xF7A;
	s5 =	simm.s32 @!p2 $0x0  }
0x1d: {  	s5 =	simm.s32 @p1 $0x1;
	p0 =	seq.s32 s7, s2  }
0x1e: {  	s7 =	smul.u32 @!p0 $0xF7A, s2;
	p2 =	seq.s32 @!p0 s5, $0x0  }
0x1f: {  	s9 =	smul.u32 $0xF7A, s1;
	s8 =	simm.s32 @!p0 $0x1BF5;
	p2 =	por !p2, p0  }
0x20: {  	[sflag:s8] =	ssyncset.s32 @!p0 $0xFFFFF086;
	s6 =	sadd.s32 @!p0 s3, s7;
	s7 =	simm.s32 @!p0 $0x108  }
0x21: {  	s3 =	sadd.s32 s3, s9;
	s6 =	sadd.s32 @!p0 $0x88, s6;
	s7 =	simm.s32 @p2 $0x1082  }
0x22: {  	[simem:s7], [sflag:s8] =	dma.local @!p0 [hbm:s6], $0xF7A  }
0x23: {  	s9 =	sor.u32 $0xD0000000, s2;
	s6 =	simm.s32 $0x108;
	_ =	swait.ge @!p0 [sflag:s8], $0x0  }
0x24: {  	s3 =	sadd.s32 $0x88, s3;
	s6 =	simm.s32 @!p1 $0x1082;
	[sflag:s4] =	ssyncset.s32 $0xFFFFF086  }
0x25: {  	[simem:s6], [sflag:s4] =	dma.local [hbm:s3], $0xF7A  }
0x26: {  	[smem:$0x3F97] =	sst s1;
	(tag) =	ssettag s2;
	_ =	strace s9  }
0x27: {  	s1 =	sld [smem:$0x3FA7]  }
0x28: {  	s2 =	sld [smem:$0x3FA8]  }
0x29: {  	s4 =	sld [smem:$0x3FAA]  }
0x2a: {  	p0 =	seq.s32 s5, $0x0;
	s5 =	sld [smem:$0x3FAB]  }
0x2b: {  	s6 =	sld [smem:$0x3FAC]  }
0x2c: {  	s7 =	sld [smem:$0x3FAD]  }
0x2d: {  	s3 =	simm.s32 $0x108;
	s8 =	sld [smem:$0x3FAE]  }
0x2e: {  	s3 =	simm.s32 @!p0 $0x1082;
	s9 =	sld [smem:$0x3FAF]  }
0x2f: {  	lr =	sadd.s32 s0, s3;
	s0 =	sld [smem:$0x3FA6]  }
0x30: {  	s3 =	sld [smem:$0x3FA9]  }
0x31: {  	[smem:$0x3FB2] =	sst s10  }
0x32: {  	s10 =	sld [smem:$0x3FB0];
	_ =	sdelay $0x3  }
0x33: {  	p0 =	seq.s32 s10, $0x1;
	s10 =	sld [smem:$0x3FB2];
	_ =	sdelay $0x3  }
0x34: {  	[smem:$0x3FB2] =	sst s10  }
0x35: {  	s10 =	sld [smem:$0x3FB1];
	_ =	sdelay $0x3  }
0x36: {  	p1 =	seq.s32 s10, $0x1;
	s10 =	sld [smem:$0x3FB2];
	_ =	sdelay $0x3  }
0x37: {  	[smem:$0x3FB2] =	sst s10  }
0x38: {  	s10 =	sld [smem:$0x3FB3]  }
0x39: {  	_ = 	snop;
	(pc) =	sbr.ind lr, $3  }
0x3a: {  	_ = 	snop  }
0x3b: {  	_ = 	snop  }
0x3c: {  	p2 =	seq.s32 s10, $0x1;
	s10 =	sld [smem:$0x3FB2]  }
0x3d: {  	_ =	shalt  }
0x3e: {  	_ =	shalt  }
0x3f: {  	_ =	shalt  }
0x40: {  	_ =	shalt  }
0x41: {  	_ =	shalt  }
0x42: {  	_ =	shalt  }
0x43: {  	_ =	shalt  }
0x44: {  	_ =	shalt  }
0x45: {  	_ =	shalt  }
0x46: {  	_ =	shalt  }
0x47: {  	_ =	shalt  }
0x48: {  	_ =	shalt  }
0x49: {  	_ =	shalt  }
0x4a: {  	_ =	shalt  }
0x4b: {  	_ =	shalt  }
0x4c: {  	_ =	shalt  }
0x4d: {  	_ =	shalt  }
0x4e: {  	_ =	shalt  }
0x4f: {  	_ =	shalt  }
0x50: {  	_ =	shalt  }
0x51: {  	_ =	shalt  }
0x52: {  	_ =	shalt  }
0x53: {  	_ =	shalt  }
0x54: {  	_ =	shalt  }
0x55: {  	_ =	shalt  }
0x56: {  	_ =	shalt  }
0x57: {  	_ =	shalt  }
0x58: {  	_ =	shalt  }
0x59: {  	_ =	shalt  }
0x5a: {  	_ =	shalt  }
0x5b: {  	_ =	shalt  }
0x5c: {  	_ =	shalt  }
0x5d: {  	_ =	shalt  }
0x5e: {  	_ =	shalt  }
0x5f: {  	_ =	shalt  }
0x60: {  	_ =	shalt  }
0x61: {  	_ =	shalt  }
0x62: {  	_ =	shalt  }
0x63: {  	_ =	shalt  }
0x64: {  	_ =	shalt  }
0x65: {  	_ =	shalt  }
0x66: {  	_ =	shalt  }
0x67: {  	_ =	shalt  }
0x68: {  	_ =	shalt  }
0x69: {  	_ =	shalt  }
0x6a: {  	_ =	shalt  }
0x6b: {  	_ =	shalt  }
0x6c: {  	_ =	shalt  }
0x6d: {  	_ =	shalt  }
0x6e: {  	_ =	shalt  }
0x6f: {  	_ =	shalt  }
0x70: {  	_ =	shalt  }
0x71: {  	_ =	shalt  }
0x72: {  	_ =	shalt  }
0x73: {  	_ =	shalt  }
0x74: {  	_ =	shalt  }
0x75: {  	_ =	shalt  }
0x76: {  	_ =	shalt  }
0x77: {  	_ =	shalt  }
0x78: {  	_ =	shalt  }
0x79: {  	_ =	shalt  }
0x7a: {  	_ =	shalt  }
0x7b: {  	_ =	shalt  }
0x7c: {  	_ =	shalt  }
0x7d: {  	_ =	shalt  }
0x7e: {  	_ =	shalt  }
0x7f: {  	_ =	shalt  }
0x80: {  	_ =	shalt  }
0x81: {  	_ =	shalt  }
0x82: {  	_ =	shalt  }
0x83: {  	_ =	shalt  }
0x84: {  	_ =	shalt  }
0x85: {  	_ =	shalt  }
0x86: {  	_ =	shalt  }
0x87: {  	_ =	shalt  }
.Lfunc_end0:
.L_simem_size_0:
called_computation_lowered:
.L_overlay_start_0:
0x88: {  	s2 =	sld [smem:$0x3FD9]  }
0x89: {  	s3 =	sld [smem:$0x3FFE];
	_ =	sdelay $0x1  }
0x8a: {  	s1 =	srdreg.scid  }
0x8b: {  	s0 =	sand.u32 $0x1, s1  }
0x8c: {  	s17 =	sshll.u32 s0, $0xA;
	s2 =	sadd.s32 s3, s2  }
0x8d: {  	s2 =	sadd.s32 s2, s17  }
0x8e: {  	[smem:$0x3FBE] =	sst s2  }
0x8f: {  	_ = 	snop  }
0x90: {  	s2 =	sld [smem:$0x3FD0];
	(tm) =	ssettm $0x1  }
0x91: {  	s18 =	sld [smem:$0x3FFB];
	_ =	sdelay $0x3  }
0x92: {  	_ =	strace s18  }
0x93: {  	s3 =	sld [smem:$0x3FFC];
	_ =	sdelay $0x3  }
0x94: {  	_ =	strace s3  }
0x95: {  	s3 =	sld [smem:$0x3FFD];
	_ =	sdelay $0x3  }
0x96: {  	_ =	strace s3  }
0x97: {  	_ =	strace $0x8FFFFFFF  }
0x98: {  	s19 =	sld [smem:$0x3FDB];
	_ =	sdelay $0x1  }
0x99: {  	s4 =	simm.s32 $_scs_section_size  }
0x9a: {  	s5 =	simm.s32 $_size__tile_overlayer_lowered;
	s6 =	simm.s32 $_tile_overlayer_lowered  }
0x9b: {  	s22 =	simm.s32 $0x1BFF;
	s21 =	sshll.u32 s6, $0x1;
	s3 =	sadd.s32 s4, s19  }
0x9c: {  	s7 =	simm.s32 $0x0;
	s20 =	sshll.u32 s5, $0x1;
	s5 =	sadd.s32 s21, s3  }
0x9d: {  	[timem:s7], [sflag:s22] =	dma.local [hbm:s5], s20  }
0x9e: {  	_ =	swait.ge [sflag:s22], s20  }
0x9f: {  	s4 =	ssub.s32 $0x0, s20;
	[sflag:s22] =	ssyncset.done $0x0  }
0xa0: {  	[sflag:s22] =	ssyncadd.s32 s4;
	_ =	sdelay $0x1  }
0xa1: {  	s23 =	simm.s32 $0x1B8B  }
0xa2: {  	_ =	swait.ge [sflag:s23], $0x1  }
0xa3: {  	[sflag:s23] =	ssyncset.done $0x0  }
0xa4: {  	s25 =	simm.s32 $0x1B8E;
	s24 =	sld [smem:$0x3FFE];
	[sflag:s23] =	ssyncadd.s32 $0xFFFFFFFF  }
0xa5: {  	s26 =	simm.s32 $execute0_lowered;
	[smem:$0x3FD2] =	sst s25  }
0xa6: {  	s5 =	sshll.u32 s26, $0x1;
	_ =	strace $0x80000046;
	[dreg:$0x1] =	wrdreg $0xFFFFFFFF  }
0xa7: {  	s28 =	simm.s32 $_size_execute0_lowered;
	s3 =	sadd.s32 s3, s5;
	[dreg:$0x0] =	wrdreg $0x0  }
0xa8: {  	s5 =	sshll.u32 s28, $0x1;
	[dreg:$0x2] =	wrdreg s3  }
0xa9: {  	[dreg:$0x3] =	wrdreg s5  }
0xaa: {  	[dreg:$0x4] =	wrdreg $0xC0  }
0xab: {  	_ =	task [dreg:s7], $0x5FFFF  }
0xac: {  	[dreg:$0x1] =	wrdreg $0xFFFFFFFF  }
0xad: {  	[dreg:$0x0] =	wrdreg $0x60  }
0xae: {  	[dreg:$0x2] =	wrdreg s2  }
0xaf: {  	[dreg:$0x3] =	wrdreg s24  }
0xb0: {  	[dreg:$0x4] =	wrdreg $0x9  }
0xb1: {  	_ =	task.clear_ibuf [dreg:s7], $0x5FFFF;
	_ =	strace $0x90000046  }
0xb2: {  	s29 =	simm.s32 $0x9;
	_ =	strace $0x80000048  }
0xb3: {  	_ =	swait.ge [sflag:s29], $0x1  }
0xb4: {  	[sflag:s29] =	ssyncadd.s32 $0xFFFFFFFF  }
0xb5: {  	_ =	strace $0x90000048  }
0xb6: {  	_ =	sfence  }
0xb7: {  	s30 =	sld [smem:$0x0];
	_ =	sdelay $0x2  }
0xb8: {  	s31 =	sshll.u32 s1, $0xD;
	s1 =	sshrl.u32 s1, $0x2  }
0xb9: {  	s3 =	sand.u32 $0x4000, s31;
	s1 =	sadd.s32 s1, s30  }
0xba: {  	s0 =	sor.u32 s3, s0;
	s1 =	sshll.u32 s1, $0x11  }
0xbb: {  	s0 =	sor.u32 s1, s0  }
0xbc: {  	s0 =	sadd.s32 $0x8F2B, s0  }
0xbd: {  	[sflag:s0] =	ssyncadd.remote.s32 $0x1  }
0xbe: {  	_ =	sfence.sel $0xFFFF  }
0xbf: {  	[dreg:$0x0] =	wrdreg $0xFFFFFFFF;
	(pc) =	sbr.abs _section_cstart, $3  }
0xc0: {  	[dreg:$0x1] =	wrdreg $0xFFFFFFFF  }
0xc1: {  	_ =	task.clear_ibuf [dreg:s7], $0x2FFFF;
	_ =	strace $0x9FFFFFFF  }
0xc2: {  	(tm) =	ssettm $0x7FFFFFFF  }
0xc3: {  	_ =	shalt  }
tec
execute0_lowered:
.L_overlay_start_1:
0x0: {  	(tag) =	ssettag $0x1  }
0x1: {  	s3 =	rddreg [dreg:$0x0]  }
0x2: {  	s4 =	rddreg [dreg:$0x1]  }
0x3: {  	s0 =	rddreg [dreg:$0x2]  }
0x4: {  	s5 =	srdreg.scid;
	s1 =	stileid.u32  }
0x5: {  	s2 =	simm.s32 $0x0;
	s5 =	sand.u32 $0x1, s5;
	s6 =	sshll.u32 s1, $0x1  }
0x6: {  	s10 =	simm.s32 $0x0;
	[smem:$0x7FF] =	sst s2;
	s6 =	sor.u32 s5, s6  }
0x7: {  	_ =	strace $0x80000047;
	s5 =	ssub.s32 $0x2, s5;
	s7 =	sshll.u32 s6, $0x6  }
0x8: {  	s6 =	sshll.u32 s6, $0x1;
	s31 =	sshrl.u32 s5, $0x1;
	s8 =	sadd.s32 s7, s4  }
0x9: {  	s6 =	sadd.s32 s6, s4;
	s9 =	ssub.s32 s5, s31;
	s3 =	sadd.s32 s3, s7  }
0xa: {  	v0 =	vimm.s32 $0x0;
	vm0 =	vmmov $0x1;
	vm1 =	vcmask $0x704;
	s7 =	simm.s32 $0x1;
	s4 =	sadd.s32 $0x4C00, s8;
	s5 =	sadd.s32 $0x5400, s6  }
0xb: {  	vm2 =	vcmask $0xB08;
	vm3 =	vcmask $0xF0C;
	vm4 =	vcmask $0x1310;
	s6 =	smax.u32 s9, $0x1;
	s8 =	simm.s32 $0x200;
	s9 =	simm.s32 $0x400  }
.LBB2_1:
0xc: {  	[tilespmem:s2], [sflag:$0x1] =	stream.linear.gather [hbm4b:s3+s2], $0x200, $0x38;
	[tilespmem:$0x480] =	vst v63  }
0xd: {  	_ =	swait.ge [sflag:s7], $0x200  }
0xe: {  	[sflag:s7] =	ssyncset.done $0x0  }
0xf: {  	s14 =	simm.s32 $0x0;
	[sflag:s7] =	ssyncadd.s32 $0xFFFFFE00  }
0x10: {  	s11 =	simm.s32 $0x10;
	v1 =	vld [tilespmem:s14+$0x0]  }
0x11: {  	v2 =	vld [tilespmem:s11+$0x0];
	_ =	sdelay $0x3  }
0x12: {  	vm5 =	vge.f32 v1, $6.000000240e-01;
	vm6 =	vge.f32 v1, $6.999999880e-01  }
0x13: {  	vm8 =	vge.f32 v2, $8.000000110e-01;
	vm13 =	vge.f32 v2, $8.999999760e-01;
	v3 =	vsel vm5, $0x1, v0  }
0x14: {  	v4 =	vsel vm6, $0x1, v0;
	vm5 =	vge.f32 v1, $8.000000110e-01;
	vm6 =	vge.f32 v2, $6.999999880e-01  }
0x15: {  	v3 =	vadd.s32 v4, v3;
	v4 =	vsel vm5, $0x1, v0;
	vm5 =	vge.f32 v1, $8.999999760e-01  }
0x16: {  	v1 =	vadd.s32 v4, v3;
	v3 =	vsel vm5, $0x1, v0;
	vm5 =	vge.f32 v2, $6.000000240e-01  }
0x17: {  	s12 =	simm.s32 $0x20;
	v4 =	vsel vm6, $0x1, v0;
	v3 =	vadd.s32 v3, v1;
	v1 =	vsel vm5, $0x1, v0  }
0x18: {  	v6 =	vsel vm8, $0x1, v0;
	v1 =	vadd.s32 v4, v1;
	vm6 =	veq.s32 v3, $0x2;
	v4 =	vld [tilespmem:s12+$0x0]  }
0x19: {  	vm7 =	veq.s32 v3, $0x0;
	vm5 =	veq.s32 v3, $0x1;
	v5 =	vsel vm6, $0x1, v0  }
0x1a: {  	vm6 =	veq.s32 v3, $0x3;
	v1 =	vadd.s32 v6, v1;
	(xrf0) =	vadd.scan.msk.s32 $0xffff, v5;
	v5 =	vsel vm13, $0x1, v0  }
0x1b: {  	s13 =	simm.s32 $0x30;
	[tilespmem:s14+$0x200] =	vst v3;
	v6 =	vsel vm5, $0x1, v0;
	v2 =	vsel vm6, $0x1, v0;
	v1 =	vadd.s32 v5, v1  }
0x1c: {  	v10 =	vld [tilespmem:s13+$0x0];
	(xrf0) =	vadd.scan.msk.s32 $0xffff, v2;
	v2 =	vsel vm7, $0x1, v0;
	vm7 =	veq.s32 v3, $0x4;
	vm5 =	veq.s32 v1, $0x0  }
0x1d: {  	vm6 =	veq.s32 v1, $0x1;
	vm14 =	vge.f32 v4, $6.000000240e-01;
	vm9 =	vge.f32 v4, $6.999999880e-01  }
0x1e: {  	(xrf0) =	vadd.scan.msk.s32 $0xffff, v6;
	vm15 =	vge.f32 v4, $8.000000110e-01;
	vm12 =	vge.f32 v4, $8.999999760e-01;
	v4 =	vsel vm7, $0x1, v0  }
0x1f: {  	(xrf0) =	vadd.scan.msk.s32 $0xffff, v2;
	v9 =	vsel vm5, $0x1, v0;
	vm5 =	veq.s32 v1, $0x2;
	v5 =	vsel vm9, $0x1, v0  }
0x20: {  	v3 =	vsel vm6, $0x1, v0;
	vm7 =	veq.s32 v1, $0x4;
	v2 =	vsel vm14, $0x1, v0  }
0x21: {  	v6 =	vsel vm15, $0x1, v0;
	vm13 =	vge.f32 v10, $6.000000240e-01;
	v2 =	vadd.s32 v5, v2  }
0x22: {  	vm14 =	vge.f32 v10, $6.999999880e-01;
	v2 =	vadd.s32 v6, v2;
	v6 =	vsel vm12, $0x1, v0;
	v5, _, _ =	vpop (xrf0);
	(xrf0) =	vadd.scan.msk.s32 $0xffff, v4  }
0x23: {  	v2 =	vadd.s32 v6, v2;
	v6 =	vsel vm5, $0x1, v0;
	vm5 =	veq.s32 v1, $0x3;
	v7, _, _ =	vpop (xrf0)  }
0x24: {  	vm15 =	vge.f32 v10, $8.999999760e-01;
	v5 =	vbroadcast v5, $0xF;
	v12 =	vsel vm5, $0x1, v0;
	(xrf0) =	vadd.scan.msk.s32 $0xffff, v6;
	v8, _, _ =	vpop (xrf0)  }
0x25: {  	v63 =	vsel vm15, $0x1, v0;
	v7 =	vbroadcast v7, $0xF;
	(xrf0) =	vadd.scan.msk.s32 $0xffff, v12;
	v11, _, _ =	vpop (xrf0);
	v6 =	vbroadcast v8, $0xF  }
0x26: {  	vm6 =	veq.s32 v2, $0x0;
	v8 =	vnsel vm2, $0x0, v5;
	(xrf0) =	vadd.scan.msk.s32 $0xffff, v3;
	v11 =	vbroadcast v11, $0xF  }
0x27: {  	v5 =	vsel vm13, $0x1, v0;
	v4 =	vnsel vm3, $0x0, v7;
	v3 =	vnsel vm1, $0x0, v6  }
0x28: {  	v6 =	vsel vm7, $0x1, v0;
	vm7 =	vge.f32 v10, $8.000000110e-01;
	v7 =	vnsel vm0, $0x0, v11;
	v62, _, _ =	vpop (xrf0);
	(xrf0) =	vadd.scan.msk.s32 $0xffff, v9  }
0x29: {  	v11 =	vsel vm14, $0x1, v0;
	v13 =	vsel vm7, $0x1, v0;
	v7 =	vadd.s32 v0, v7  }
0x2a: {  	v11 =	vadd.s32 v11, v5;
	v12 =	vbroadcast v62, $0xF;
	v5, _, _ =	vpop (xrf0);
	v3 =	vadd.s32 v3, v7  }
0x2b: {  	vm5 =	veq.s32 v2, $0x1;
	v10, _, _ =	vpop (xrf0);
	v7 =	vadd.s32 v13, v11;
	v11 =	vadd.s32 v8, v3  }
0x2c: {  	s14 =	simm.s32 $0x100;
	v8, _, _ =	vpop (xrf0);
	v3 =	vadd.s32 v63, v7;
	v7 =	vsel vm6, $0x1, v0;
	v9 =	vnsel vm4, $0x0, v12  }
.LBB2_2:
0x2d: {  	s15 =	sshra.s32 s14, $0x2;
	p0 =	sne.s32 s14, $0x7C0;
	s14 =	sadd.s32 $0x40, s14;
	v12 =	vsel vm5, $0x1, v0;
	vm5 =	veq.s32 v2, $0x2;
	[tilespmem:s11+$0x200] =	vst v1;
	v11 =	vadd.s32 v4, v11;
	v1 =	vmovc v2;
	v2 =	vmovc v3  }
0x2e: {  	v10 =	vbroadcast v10, $0xF;
	s11 =	smov.u32 s12;
	s12 =	smov.u32 s13;
	v3 =	vld [tilespmem:s15+$0x0];
	v4 =	vsel vm5, $0x1, v0;
	vm5 =	veq.s32 v1, $0x3;
	v13, _, _ =	vpop (xrf0);
	(xrf0) =	vadd.scan.msk.s32 $0xffff, v6;
	s13 =	smov.u32 s15  }
0x2f: {  	v5 =	vbroadcast v5, $0xF;
	v6 =	vsel vm5, $0x1, v0;
	(xrf0) =	vadd.scan.msk.s32 $0xffff, v4;
	v13 =	vbroadcast v13, $0xF  }
0x30: {  	v4 =	vnsel vm3, $0x0, v10;
	(xrf0) =	vadd.scan.msk.s32 $0xffff, v6;
	v6 =	vbroadcast v8, $0xF;
	v8 =	vadd.s32 v9, v11  }
0x31: {  	vm6 =	veq.s32 v2, $0x0;
	v11 =	vnsel vm2, $0x0, v5;
	(xrf0) =	vadd.scan.msk.s32 $0xffff, v12;
	v9 =	vnsel vm0, $0x0, v13  }
0x32: {  	vm7 =	veq.s32 v1, $0x4;
	vm5 =	veq.s32 v2, $0x1;
	v12 =	vnsel vm1, $0x0, v6  }
0x33: {  	v6 =	vsel vm7, $0x1, v0;
	vm8 =	vge.f32 v3, $6.000000240e-01;
	vm9 =	vge.f32 v3, $6.999999880e-01  }
.Ltmp0:
0x34: {  	v13 =	vsel vm8, $0x1, v0;
	v14 =	vsel vm9, $0x1, v0;
	(xrf0) =	vadd.scan.msk.s32 $0xffff, v7;
	v7 =	vadd.s32 v8, v9;
	v8, _, _ =	vpop (xrf0);
	(pc) =	sbr.rel @p0 .LBB2_2-.Ltmp0, $4  }
0x35: {  	vm7 =	vge.f32 v3, $8.000000110e-01;
	v9 =	vadd.s32 v14, v13;
	v5, _, _ =	vpop (xrf0);
	v13 =	vbroadcast v8, $0xF  }
0x36: {  	v14 =	vsel vm7, $0x1, v0;
	vm7 =	vge.f32 v3, $8.999999760e-01;
	v3 =	vadd.s32 v12, v7;
	v10, _, _ =	vpop (xrf0)  }
0x37: {  	v7 =	vadd.s32 v14, v9;
	v9 =	vsel vm7, $0x1, v0;
	v11 =	vadd.s32 v11, v3;
	v8, _, _ =	vpop (xrf0)  }
0x38: {  	v3 =	vadd.s32 v9, v7;
	v7 =	vsel vm6, $0x1, v0;
	v9 =	vnsel vm4, $0x0, v13  }
0x39: {  	vm6 =	veq.s32 v2, $0x2  }
0x3a: {  	(xrf0) =	vadd.scan.msk.s32 $0xffff, v6;
	v12 =	vsel vm6, $0x1, v0;
	vm6 =	veq.s32 v2, $0x3  }
0x3b: {  	v30 =	vsel vm6, $0x1, v0;
	(xrf0) =	vadd.scan.msk.s32 $0xffff, v12  }
0x3c: {  	v31 =	vsel vm5, $0x1, v0;
	v32, _, _ =	vpop (xrf0);
	(xrf0) =	vadd.scan.msk.s32 $0xffff, v30  }
0x3d: {  	v4 =	vadd.s32 v4, v11;
	v33 =	vbroadcast v10, $0xF;
	vm5 =	veq.s32 v2, $0x4;
	(xrf0) =	vadd.scan.msk.s32 $0xffff, v31  }
0x3e: {  	v5 =	vbroadcast v5, $0xF;
	v35 =	vsel vm5, $0x1, v0;
	vm5 =	veq.s32 v3, $0x2;
	(xrf0) =	vadd.scan.msk.s32 $0xffff, v7  }
0x3f: {  	v36 =	vbroadcast v8, $0xF;
	v37 =	vsel vm5, $0x1, v0;
	vm5 =	veq.s32 v3, $0x3;
	(xrf0) =	vadd.scan.msk.s32 $0xffff, v35  }
0x40: {  	v34 =	vbroadcast v32, $0xF;
	vm6 =	veq.s32 v3, $0x1;
	v39 =	vsel vm5, $0x1, v0;
	v38, _, _ =	vpop (xrf0);
	(xrf0) =	vadd.scan.msk.s32 $0xffff, v37  }
0x41: {  	v4 =	vadd.s32 v9, v4;
	vm5 =	veq.s32 v3, $0x0;
	v42 =	vsel vm6, $0x1, v0;
	v41, _, _ =	vpop (xrf0);
	(xrf0) =	vadd.scan.msk.s32 $0xffff, v39  }
0x42: {  	v5 =	vnsel vm2, $0x0, v5;
	v40 =	vnsel vm0, $0x0, v34;
	v44 =	vsel vm5, $0x1, v0;
	v43, _, _ =	vpop (xrf0);
	(xrf0) =	vadd.scan.msk.s32 $0xffff, v42  }
0x43: {  	v6 =	vnsel vm3, $0x0, v33;
	v7 =	vnsel vm1, $0x0, v36;
	v4 =	vadd.s32 v4, v40;
	v45, _, _ =	vpop (xrf0);
	(xrf0) =	vadd.scan.msk.s32 $0xffff, v44  }
0x44: {  	vm5 =	veq.s32 v3, $0x4;
	v4 =	vadd.s32 v7, v4;
	v9 =	vbroadcast v38, $0xF;
	v46, _, _ =	vpop (xrf0)  }
0x45: {  	v51 =	vsel vm5, $0x1, v0;
	v4 =	vadd.s32 v5, v4;
	v48 =	vbroadcast v46, $0xF;
	v49, _, _ =	vpop (xrf0)  }
0x46: {  	v4 =	vadd.s32 v6, v4;
	v47 =	vnsel vm4, $0x0, v9;
	v50 =	vbroadcast v45, $0xF;
	v52, _, _ =	vpop (xrf0)  }
0x47: {  	v10 =	vbroadcast v41, $0xF;
	v4 =	vadd.s32 v47, v4;
	(xrf0) =	vadd.scan.msk.s32 $0xffff, v51;
	v53 =	vnsel vm0, $0x0, v48;
	v54, _, _ =	vpop (xrf0)  }
0x48: {  	v55 =	vbroadcast v43, $0xF;
	v6 =	vnsel vm1, $0x0, v50;
	v4 =	vadd.s32 v4, v53;
	v56, _, _ =	vpop (xrf0)  }
0x49: {  	v57 =	vnsel vm2, $0x0, v10;
	v58 =	vbroadcast v49, $0xF;
	v4 =	vadd.s32 v6, v4;
	v59, _, _ =	vpop (xrf0)  }
0x4a: {  	v7 =	vnsel vm3, $0x0, v55;
	v4 =	vadd.s32 v57, v4;
	v6 =	vbroadcast v59, $0xF  }
0x4b: {  	v60 =	vnsel vm4, $0x0, v58;
	v5 =	vbroadcast v56, $0xF;
	v4 =	vadd.s32 v7, v4  }
0x4c: {  	v61 =	vbroadcast v52, $0xF;
	v4 =	vadd.s32 v60, v4;
	v6 =	vnsel vm0, $0x0, v6  }
0x4d: {  	v62 =	vbroadcast v54, $0xF;
	v5 =	vnsel vm1, $0x0, v5;
	v63, _, _ =	vpop (xrf0);
	v4 =	vadd.s32 v4, v6  }
0x4e: {  	v7 =	vnsel vm2, $0x0, v61;
	v6 =	vbroadcast v63, $0xF;
	v4 =	vadd.s32 v5, v4  }
0x4f: {  	[tilespmem:s11+$0x200] =	vst v1;
	v1 =	vnsel vm3, $0x0, v62;
	v4 =	vadd.s32 v7, v4  }
0x50: {  	[tilespmem:s12+$0x200] =	vst v2;
	v2 =	vnsel vm4, $0x0, v6;
	v1 =	vadd.s32 v1, v4  }
0x51: {  	[tilespmem:s13+$0x200] =	vst v3;
	v1 =	vadd.s32 v2, v1  }
0x52: {  	[tilespmem:$0x400] =	vst v1  }
0x53: {  	[hbm4b:s4+s2] =	stream.linear.scatter [tilespmem:s8], [sflag:$0x1], $0x200, $0x38;
	[tilespmem:$0x480] =	vst v63  }
0x54: {  	s10 =	sadd.s32 $0x1, s10;
	_ =	swait.ge [sflag:s7], $0x200  }
0x55: {  	p0 =	sne.s32 s10, s6;
	[sflag:s7] =	ssyncset.done $0x0  }
.Ltmp1:
0x56: {  	[sflag:s7] =	ssyncadd.s32 $0xFFFFFE00;
	(pc) =	sbr.rel @p0 .LBB2_1-.Ltmp1, $4  }
0x57: {  	[hbm4b:s5+s2] =	stream.linear.scatter [tilespmem:s9], [sflag:$0x1], $0x10, $0x38;
	[tilespmem:$0x480] =	vst v63  }
0x58: {  	_ =	swait.ge [sflag:s7], $0x10  }
0x59: {  	[sflag:s7] =	ssyncset.done $0x0  }
0x5a: {  	[sflag:s7] =	ssyncadd.s32 $0xFFFFFFF0  }
0x5b: {  	_ =	sfence.sel $0x180000  }
0x5c: {  	[bflag:$0x0] =	sbarrier.arrive $0xFFFF  }
0x5d: {  	p0 =	sne.s32 s1, $0x0;
	_ =	strace $0x90000047  }
0x5e: {  	s0 =	sadd.s32 @!p0 $0x100000, s0;
	[bflag:$0x2] =	sbarrier.arrive $0xFFFF  }
0x5f: {  	[sflag:s0] =	ssyncadd.tile.s32 @!p0 $0x1;
	_ =	shalt  }
.Lfunc_end2:
_tile_overlayer_lowered:
.L_overlay_start_2:
0x60: {  	(tag) =	ssettag $0x2  }
0x61: {  	s0 =	rddreg [dreg:$0x0];
	s2 =	stileid.u32  }
0x62: {  	s1 =	rddreg [dreg:$0x1];
	p0 =	sne.s32 s2, $0x0  }
0x63: {  	s3 =	rddreg [dreg:$0x2];
	[bflag:$0x3] =	sbarrier.arrive $0xFFFF;
	s2 =	simm.s32 @!p0 $0x1C01  }
0x64: {  	[timem:s3], [sflag:s2] =	dma.local @!p0 [hbm:s0], s1  }
0x65: {  	s0 =	simm.s32 @!p0 $0x1  }
0x66: {  	_ =	swait.ge @!p0 [sflag:s0], s1  }
0x67: {  	s1 =	ssub.s32 @!p0 $0x0, s1;
	[sflag:s0] =	ssyncset.done @!p0 $0x0  }
0x68: {  	[sflag:s0] =	ssyncadd.s32 @!p0 s1  }
0x69: {  	[bflag:$0x3] =	sbarrier.arrive $0xFFFF  }
0x6a: {  	_ =	shalt  }

// kernel: kernel.9.cloned.1.call-start
scs
__scs_entry_jumppad:
0x0: {  	(pc) =	sbr.rel $0x88, $3  }
0x1: {  	(tag) =	ssettag $0x0;
	lr =	simm.s32 $0x1  }
0x2: {  	[smem:$0x3F97] =	sst lr;
	_ =	strace $0xD0000000  }
0x3: {  	_ = 	snop  }
0x4: {  	_ = 	snop  }
0x5: {  	_ = 	snop  }
0x6: {  	_ = 	snop  }
0x7: {  	_ = 	snop  }
__scs_overlays_trampoline_lowered:
0x8: {  	[smem:$0x3FA6] =	sst s0  }
0x9: {  	[smem:$0x3FA7] =	sst s1  }
0xa: {  	[smem:$0x3FA8] =	sst s2  }
0xb: {  	[smem:$0x3FA9] =	sst s3  }
0xc: {  	[smem:$0x3FAA] =	sst s4  }
0xd: {  	[smem:$0x3FAB] =	sst s5  }
0xe: {  	[smem:$0x3FAC] =	sst s6  }
0xf: {  	[smem:$0x3FAD] =	sst s7  }
0x10: {  	[smem:$0x3FAE] =	sst s8  }
0x11: {  	[smem:$0x3FAF] =	sst s9;
	s0 =	simm.s32 @!p0 $0x0  }
0x12: {  	s1 =	sld [smem:$0x3F95];
	s0 =	simm.s32 @p0 $0x1  }
0x13: {  	[smem:$0x3FB0] =	sst s0;
	s0 =	simm.s32 @!p1 $0x0  }
0x14: {  	s2 =	sld [smem:$0x3F94];
	s0 =	simm.s32 @p1 $0x1  }
0x15: {  	[smem:$0x3FB1] =	sst s0;
	s0 =	simm.s32 @!p2 $0x0  }
0x16: {  	s3 =	sld [smem:$0x3FDB];
	s0 =	simm.s32 @p2 $0x1  }
0x17: {  	s4 =	simm.s32 $0x1BF5;
	[smem:$0x3FB3] =	sst s0  }
0x18: {  	s0 =	sld [smem:$0x3F96];
	_ =	swait.ge [sflag:s4], $0x0  }
0x19: {  	s7 =	sld [smem:$0x3F97]  }
0x1a: {  	s8 =	sadd.s32 $0xFFFFE003, lr  }
0x1b: {  	s9 =	sadd.s32 $0xFFFFFEF7, lr;
	s5 =	simm.s32 $0xFFFFFFFF;
	p2 =	slt.u32 s8, $0xFFFFF086  }
0x1c: {  	p1 =	slt.u32 s9, $0xF7A;
	s5 =	simm.s32 @!p2 $0x0  }
0x1d: {  	s5 =	simm.s32 @p1 $0x1;
	p0 =	seq.s32 s7, s2  }
0x1e: {  	s7 =	smul.u32 @!p0 $0xF7A, s2;
	p2 =	seq.s32 @!p0 s5, $0x0  }
0x1f: {  	s9 =	smul.u32 $0xF7A, s1;
	s8 =	simm.s32 @!p0 $0x1BF5;
	p2 =	por !p2, p0  }
0x20: {  	[sflag:s8] =	ssyncset.s32 @!p0 $0xFFFFF086;
	s6 =	sadd.s32 @!p0 s3, s7;
	s7 =	simm.s32 @!p0 $0x108  }
0x21: {  	s3 =	sadd.s32 s3, s9;
	s6 =	sadd.s32 @!p0 $0x88, s6;
	s7 =	simm.s32 @p2 $0x1082  }
0x22: {  	[simem:s7], [sflag:s8] =	dma.local @!p0 [hbm:s6], $0xF7A  }
0x23: {  	s9 =	sor.u32 $0xD0000000, s2;
	s6 =	simm.s32 $0x108;
	_ =	swait.ge @!p0 [sflag:s8], $0x0  }
0x24: {  	s3 =	sadd.s32 $0x88, s3;
	s6 =	simm.s32 @!p1 $0x1082;
	[sflag:s4] =	ssyncset.s32 $0xFFFFF086  }
0x25: {  	[simem:s6], [sflag:s4] =	dma.local [hbm:s3], $0xF7A  }
0x26: {  	[smem:$0x3F97] =	sst s1;
	(tag) =	ssettag s2;
	_ =	strace s9  }
0x27: {  	s1 =	sld [smem:$0x3FA7]  }
0x28: {  	s2 =	sld [smem:$0x3FA8]  }
0x29: {  	s4 =	sld [smem:$0x3FAA]  }
0x2a: {  	p0 =	seq.s32 s5, $0x0;
	s5 =	sld [smem:$0x3FAB]  }
0x2b: {  	s6 =	sld [smem:$0x3FAC]  }
0x2c: {  	s7 =	sld [smem:$0x3FAD]  }
0x2d: {  	s3 =	simm.s32 $0x108;
	s8 =	sld [smem:$0x3FAE]  }
0x2e: {  	s3 =	simm.s32 @!p0 $0x1082;
	s9 =	sld [smem:$0x3FAF]  }
0x2f: {  	lr =	sadd.s32 s0, s3;
	s0 =	sld [smem:$0x3FA6]  }
0x30: {  	s3 =	sld [smem:$0x3FA9]  }
0x31: {  	[smem:$0x3FB2] =	sst s10  }
0x32: {  	s10 =	sld [smem:$0x3FB0];
	_ =	sdelay $0x3  }
0x33: {  	p0 =	seq.s32 s10, $0x1;
	s10 =	sld [smem:$0x3FB2];
	_ =	sdelay $0x3  }
0x34: {  	[smem:$0x3FB2] =	sst s10  }
0x35: {  	s10 =	sld [smem:$0x3FB1];
	_ =	sdelay $0x3  }
0x36: {  	p1 =	seq.s32 s10, $0x1;
	s10 =	sld [smem:$0x3FB2];
	_ =	sdelay $0x3  }
0x37: {  	[smem:$0x3FB2] =	sst s10  }
0x38: {  	s10 =	sld [smem:$0x3FB3]  }
0x39: {  	_ = 	snop;
	(pc) =	sbr.ind lr, $3  }
0x3a: {  	_ = 	snop  }
0x3b: {  	_ = 	snop  }
0x3c: {  	p2 =	seq.s32 s10, $0x1;
	s10 =	sld [smem:$0x3FB2]  }
0x3d: {  	_ =	shalt  }
0x3e: {  	_ =	shalt  }
0x3f: {  	_ =	shalt  }
0x40: {  	_ =	shalt  }
0x41: {  	_ =	shalt  }
0x42: {  	_ =	shalt  }
0x43: {  	_ =	shalt  }
0x44: {  	_ =	shalt  }
0x45: {  	_ =	shalt  }
0x46: {  	_ =	shalt  }
0x47: {  	_ =	shalt  }
0x48: {  	_ =	shalt  }
0x49: {  	_ =	shalt  }
0x4a: {  	_ =	shalt  }
0x4b: {  	_ =	shalt  }
0x4c: {  	_ =	shalt  }
0x4d: {  	_ =	shalt  }
0x4e: {  	_ =	shalt  }
0x4f: {  	_ =	shalt  }
0x50: {  	_ =	shalt  }
0x51: {  	_ =	shalt  }
0x52: {  	_ =	shalt  }
0x53: {  	_ =	shalt  }
0x54: {  	_ =	shalt  }
0x55: {  	_ =	shalt  }
0x56: {  	_ =	shalt  }
0x57: {  	_ =	shalt  }
0x58: {  	_ =	shalt  }
0x59: {  	_ =	shalt  }
0x5a: {  	_ =	shalt  }
0x5b: {  	_ =	shalt  }
0x5c: {  	_ =	shalt  }
0x5d: {  	_ =	shalt  }
0x5e: {  	_ =	shalt  }
0x5f: {  	_ =	shalt  }
0x60: {  	_ =	shalt  }
0x61: {  	_ =	shalt  }
0x62: {  	_ =	shalt  }
0x63: {  	_ =	shalt  }
0x64: {  	_ =	shalt  }
0x65: {  	_ =	shalt  }
0x66: {  	_ =	shalt  }
0x67: {  	_ =	shalt  }
0x68: {  	_ =	shalt  }
0x69: {  	_ =	shalt  }
0x6a: {  	_ =	shalt  }
0x6b: {  	_ =	shalt  }
0x6c: {  	_ =	shalt  }
0x6d: {  	_ =	shalt  }
0x6e: {  	_ =	shalt  }
0x6f: {  	_ =	shalt  }
0x70: {  	_ =	shalt  }
0x71: {  	_ =	shalt  }
0x72: {  	_ =	shalt  }
0x73: {  	_ =	shalt  }
0x74: {  	_ =	shalt  }
0x75: {  	_ =	shalt  }
0x76: {  	_ =	shalt  }
0x77: {  	_ =	shalt  }
0x78: {  	_ =	shalt  }
0x79: {  	_ =	shalt  }
0x7a: {  	_ =	shalt  }
0x7b: {  	_ =	shalt  }
0x7c: {  	_ =	shalt  }
0x7d: {  	_ =	shalt  }
0x7e: {  	_ =	shalt  }
0x7f: {  	_ =	shalt  }
0x80: {  	_ =	shalt  }
0x81: {  	_ =	shalt  }
0x82: {  	_ =	shalt  }
0x83: {  	_ =	shalt  }
0x84: {  	_ =	shalt  }
0x85: {  	_ =	shalt  }
0x86: {  	_ =	shalt  }
0x87: {  	_ =	shalt  }
.Lfunc_end0:
.L_simem_size_0:
called_computation.1_lowered:
.L_overlay_start_0:
0x88: {  	s2 =	sld [smem:$0x3FD9]  }
0x89: {  	s3 =	sld [smem:$0x3FFE];
	_ =	sdelay $0x1  }
0x8a: {  	s1 =	srdreg.scid  }
0x8b: {  	s0 =	sand.u32 $0x1, s1  }
0x8c: {  	s16 =	sshll.u32 s0, $0xA;
	s2 =	sadd.s32 s3, s2  }
0x8d: {  	s2 =	sadd.s32 s2, s16  }
0x8e: {  	[smem:$0x3FBE] =	sst s2  }
0x8f: {  	_ = 	snop  }
0x90: {  	(tm) =	ssettm $0x1  }
0x91: {  	s17 =	sld [smem:$0x3FFB];
	_ =	sdelay $0x3  }
0x92: {  	_ =	strace s17  }
0x93: {  	s2 =	sld [smem:$0x3FFC];
	_ =	sdelay $0x3  }
0x94: {  	_ =	strace s2  }
0x95: {  	s2 =	sld [smem:$0x3FFD];
	_ =	sdelay $0x3  }
0x96: {  	_ =	strace s2  }
0x97: {  	_ =	strace $0x8FFFFFFF  }
0x98: {  	s18 =	sld [smem:$0x3FDB];
	_ =	sdelay $0x1  }
0x99: {  	s19 =	simm.s32 $_scs_section_size  }
0x9a: {  	s4 =	simm.s32 $_size__tile_overlayer_lowered;
	s5 =	simm.s32 $_tile_overlayer_lowered  }
0x9b: {  	s22 =	simm.s32 $0x1BFF;
	s21 =	sshll.u32 s5, $0x1;
	s2 =	sadd.s32 s19, s18  }
0x9c: {  	s6 =	simm.s32 $0x0;
	s20 =	sshll.u32 s4, $0x1;
	s4 =	sadd.s32 s21, s2  }
0x9d: {  	[timem:s6], [sflag:s22] =	dma.local [hbm:s4], s20  }
0x9e: {  	_ =	swait.ge [sflag:s22], s20  }
0x9f: {  	s3 =	ssub.s32 $0x0, s20;
	[sflag:s22] =	ssyncset.done $0x0  }
0xa0: {  	[sflag:s22] =	ssyncadd.s32 s3;
	_ =	sdelay $0x1  }
0xa1: {  	s23 =	simm.s32 $0x1B8B  }
0xa2: {  	_ =	swait.ge [sflag:s23], $0x1  }
0xa3: {  	[sflag:s23] =	ssyncset.done $0x0  }
0xa4: {  	s25 =	simm.s32 $0x1B8E;
	s24 =	sld [smem:$0x3FFE];
	[sflag:s23] =	ssyncadd.s32 $0xFFFFFFFF  }
0xa5: {  	s26 =	simm.s32 $execute0_lowered;
	[smem:$0x3FD2] =	sst s25  }
0xa6: {  	s4 =	sshll.u32 s26, $0x1;
	_ =	strace $0x80000049;
	[dreg:$0x1] =	wrdreg $0xFFFFFFFF  }
0xa7: {  	s28 =	simm.s32 $_size_execute0_lowered;
	s2 =	sadd.s32 s2, s4;
	[dreg:$0x0] =	wrdreg $0x0  }
0xa8: {  	s4 =	sshll.u32 s28, $0x1;
	[dreg:$0x2] =	wrdreg s2  }
0xa9: {  	[dreg:$0x3] =	wrdreg s4  }
0xaa: {  	[dreg:$0x4] =	wrdreg $0xC0  }
0xab: {  	_ =	task [dreg:s6], $0x5FFFF  }
0xac: {  	[dreg:$0x1] =	wrdreg $0xFFFFFFFF  }
0xad: {  	[dreg:$0x0] =	wrdreg $0x60  }
0xae: {  	[dreg:$0x2] =	wrdreg s24  }
0xaf: {  	[dreg:$0x3] =	wrdreg $0x9  }
0xb0: {  	_ =	task.clear_ibuf [dreg:s6], $0x4FFFF;
	_ =	strace $0x90000049  }
0xb1: {  	s29 =	simm.s32 $0x9;
	_ =	strace $0x8000004B  }
0xb2: {  	_ =	swait.ge [sflag:s29], $0x1  }
0xb3: {  	[sflag:s29] =	ssyncadd.s32 $0xFFFFFFFF  }
0xb4: {  	_ =	strace $0x9000004B  }
0xb5: {  	_ =	sfence  }
0xb6: {  	s30 =	sld [smem:$0x0];
	_ =	sdelay $0x2  }
0xb7: {  	s31 =	sshll.u32 s1, $0xD;
	s1 =	sshrl.u32 s1, $0x2  }
0xb8: {  	s3 =	sand.u32 $0x4000, s31;
	s1 =	sadd.s32 s1, s30  }
0xb9: {  	s0 =	sor.u32 s3, s0;
	s1 =	sshll.u32 s1, $0x11  }
0xba: {  	s0 =	sor.u32 s1, s0  }
0xbb: {  	s0 =	sadd.s32 $0x8F2B, s0  }
0xbc: {  	[sflag:s0] =	ssyncadd.remote.s32 $0x1  }
0xbd: {  	_ =	sfence.sel $0xFFFF  }
0xbe: {  	[dreg:$0x0] =	wrdreg $0xFFFFFFFF;
	(pc) =	sbr.abs _section_cstart, $3  }
0xbf: {  	[dreg:$0x1] =	wrdreg $0xFFFFFFFF  }
0xc0: {  	_ =	task.clear_ibuf [dreg:s6], $0x2FFFF;
	_ =	strace $0x9FFFFFFF  }
0xc1: {  	(tm) =	ssettm $0x7FFFFFFF  }
tec
execute0_lowered:
.L_overlay_start_1:
0x0: {  	(tag) =	ssettag $0x1  }
0x1: {  	v0 =	vimm.s32 $0x4780  }
0x2: {  	vm5 =	vcmask $0x300;
	vm6 =	vcmask $0x704;
	vm2 =	vcmask $0xB08  }
0x3: {  	vm1 =	vcmask $0xF0C;
	vm3 =	vcmask $0x1310;
	vm4 =	vcmask $0x1714  }
0x4: {  	s1 =	rddreg [dreg:$0x0];
	vm0 =	vmmov $0x1;
	v3 =	vimm.s32 $0x8F80;
	v4 =	vimm.s32 $0xD780  }
0x5: {  	s2 =	simm.s32 $0x0;
	s0 =	srdreg.scid;
	s10 =	stileid.u32;
	v5 =	vimm.s32 $0x11F80;
	v13 =	vlaneseq.u32;
	v0 =	vsel vm5, $0x2000, v0  }
0x6: {  	s28 =	simm.s32 $0x800;
	s29 =	simm.s32 $0xBC00;
	s30 =	simm.s32 $0xE000;
	v3 =	vsel vm5, $0x6800, v3;
	v4 =	vsel vm5, $0xB000, v4;
	v5 =	vsel vm5, $0xF800, v5  }
0x7: {  	s31 =	simm.s32 $0x10400;
	[smem:$0x7FF] =	sst s2;
	s3 =	sand.u32 $0x1, s0;
	vm5 =	vcmask $0x1B18;
	v0 =	vsel vm6, $0x2080, v0;
	v3 =	vsel vm6, $0x6880, v3  }
0x8: {  	s24 =	sshll.u32 s10, $0x1;
	s4 =	sadd.s32 $0x5400, s1;
	s5 =	sadd.s32 $0x245800, s1;
	v4 =	vsel vm6, $0xB080, v4;
	v5 =	vsel vm6, $0xF880, v5;
	vm6 =	vcmask $0x1F1C  }
0x9: {  	s25 =	sadd.s32 $0x5600, s1;
	s9 =	sadd.s32 $0x245600, s1;
	s15 =	sshll.u32 s10, $0xA;
	v1 =	vsel vm2, $0x2100, v0;
	v0 =	vimm.f32 $0.0e+00;
	v3 =	vsel vm2, $0x6900, v3  }
0xa: {  	_ =	strace $0x8000004A;
	[dreg:$0x2] =	wrdreg s4;
	s4 =	sor.u32 s3, s24;
	v4 =	vsel vm2, $0xB100, v4;
	v5 =	vsel vm2, $0xF900, v5;
	vm2 =	vcmask $0x70C  }
0xb: {  	s8 =	ssub.s32 $0x2, s3;
	[dreg:$0x3] =	wrdreg s9;
	s3 =	sshll.u32 s3, $0x9;
	v2 =	vsel vm1, $0x2180, v1;
	v1 =	vimm.s32 $0x0;
	v3 =	vsel vm1, $0x6980, v3  }
0xc: {  	s6 =	sshll.u32 s4, $0x6;
	s7 =	smul.u32 $0x12000, s4;
	s26 =	sshrl.u32 s8, $0x1;
	v4 =	vsel vm1, $0xB180, v4;
	v5 =	vsel vm1, $0xF980, v5;
	vm1 =	vcmask $0x2320  }
0xd: {  	s3 =	sor.u32 s3, s15;
	s15 =	sadd.s32 $0x245B00, s1;
	p0 =	sne.s32 s4, $0x0;
	v2 =	vsel vm3, $0x2200, v2;
	v3 =	vsel vm3, $0x6A00, v3;
	v4 =	vsel vm3, $0xB200, v4  }
0xe: {  	s6 =	sadd.s32 s6, s1;
	s17 =	ssub.s32 s8, s26;
	s18 =	sor.u32 $0x50, s3;
	v5 =	vsel vm3, $0xFA00, v5;
	vm3 =	vcmask $0xB10;
	v2 =	vsel vm4, $0x2280, v2  }
0xf: {  	s19 =	sor.u32 $0x40, s3;
	s20 =	sor.u32 $0x20, s3;
	s3 =	sor.u32 $0x30, s3;
	v3 =	vsel vm4, $0x6A80, v3;
	v4 =	vsel vm4, $0xB280, v4;
	v5 =	vsel vm4, $0xFA80, v5  }
0x10: {  	s11 =	sadd.s32 s25, s7;
	s14 =	sadd.s32 $0x4C00, s6;
	s16 =	sadd.s32 $0x4400, s6;
	vm4 =	vcmask $0xF14;
	v2 =	vsel vm5, $0x2300, v2;
	v3 =	vsel vm5, $0x6B00, v3  }
0x11: {  	s8 =	sshrl.u32 s18, $0x3;
	s9 =	sshrl.u32 s19, $0x3;
	[dreg:$0x8] =	wrdreg s14;
	v4 =	vsel vm5, $0xB300, v4;
	v5 =	vsel vm5, $0xFB00, v5;
	vm5 =	vcmask $0x2724  }
0x12: {  	s10 =	sshrl.u32 s20, $0x3;
	s6 =	sadd.s32 $0x4B2800, s6;
	[dreg:$0x9] =	wrdreg s16;
	v2 =	vsel vm6, $0x2380, v2;
	v3 =	vsel vm6, $0x6B80, v3;
	v4 =	vsel vm6, $0xB380, v4  }
0x13: {  	s3 =	sshrl.u32 s3, $0x3;
	s22 =	smax.u32 s17, $0x1;
	[dreg:$0xa] =	wrdreg s6;
	v5 =	vsel vm6, $0xFB80, v5;
	vm6 =	vmmov $0xff;
	v2 =	vsel vm1, $0x4400, v2  }
0x14: {  	s19 =	simm.s32 $0x3;
	s7 =	sadd.s32 $0x900, s11;
	[dreg:$0xb] =	wrdreg s22;
	v3 =	vsel vm1, $0x8C00, v3;
	v4 =	vsel vm1, $0xD400, v4;
	v5 =	vsel vm1, $0x11C00, v5  }
0x15: {  	s12 =	sadd.s32 $0x1200, s11;
	s13 =	sadd.s32 $0x1B00, s11;
	[dreg:$0x4] =	wrdreg s11;
	vm1 =	vcmask $0x2B28;
	v2 =	vsel vm5, $0x4480, v2;
	v3 =	vsel vm5, $0x8C80, v3  }
0x16: {  	s14 =	sadd.s32 $0x245A00, s1;
	s8 =	smul.u32 $0x480, s8;
	[dreg:$0x5] =	wrdreg s7;
	v4 =	vsel vm5, $0xD480, v4;
	v5 =	vsel vm5, $0x11C80, v5;
	vm5 =	vcmask $0x2F2C  }
0x17: {  	s9 =	smul.u32 $0x480, s9;
	s16 =	sadd.s32 $0x245C00, s1;
	[dreg:$0x6] =	wrdreg s12;
	v6 =	vsel vm1, $0x4500, v2;
	v2 =	vadd.s32 $0x1, v13;
	v7 =	vsel vm1, $0x8D00, v3  }
0x18: {  	s21 =	smul.u32 $0x480, s10;
	s23 =	sadd.s32 $0x480, s11;
	[dreg:$0x7] =	wrdreg s13;
	v4 =	vsel vm1, $0xD500, v4;
	v5 =	vsel vm1, $0x11D00, v5;
	vm1 =	vcmask $0x3330  }
0x19: {  	s3 =	smul.u32 $0x480, s3;
	s24 =	sadd.s32 $0xD80, s11;
	[dreg:$0xc] =	wrdreg s23;
	v3 =	vadd.s32 $0x11, v13;
	v6 =	vsel vm5, $0x4580, v6;
	v7 =	vsel vm5, $0x8D80, v7  }
0x1a: {  	s26 =	sadd.s32 $0x1F80, s11;
	s22 =	simm.s32 $0x5000;
	[dreg:$0xd] =	wrdreg s24;
	v8 =	vsel vm5, $0xD580, v4;
	v5 =	vsel vm5, $0x11D80, v5;
	vm5 =	vcmask $0x3734  }
0x1b: {  	[dreg:$0x13] =	wrdreg s26;
	s17 =	sadd.s32 s8, s25;
	s18 =	sadd.s32 s9, s25;
	v4 =	vadd.s32 $0x21, v13;
	v6 =	vsel vm1, $0x4600, v6;
	v10 =	vsel vm1, $0x8E00, v7  }
0x1c: {  	s20 =	sadd.s32 s21, s25;
	s21 =	sadd.s32 s3, s25;
	s25 =	sadd.s32 $0x1680, s11;
	v8 =	vsel vm1, $0xD600, v8;
	v11 =	vsel vm1, $0x11E00, v5;
	vm1 =	vcmask $0x3B38  }
.Ltmp0:
0x1d: {  	s10 =	simm.s32 $0x4;
	[dreg:$0x12] =	wrdreg s25;
	v5 =	vadd.s32 $0x31, v13;
	v9 =	vsel vm5, $0x4680, v6;
	v6 =	vadd.s32 $0x41, v13;
	(pc) =	sbr.rel .LBB2_1-.Ltmp0, $4  }
0x1e: {  	s13 =	sadd.s32 $0x245900, s1;
	s23 =	simm.s32 $0x7400;
	[dreg:$0xe] =	wrdreg s17;
	v10 =	vsel vm5, $0x8E80, v10;
	v12 =	vsel vm5, $0xD680, v8;
	v14 =	vsel vm5, $0x11E80, v11  }
0x1f: {  	s24 =	simm.s32 $0x9800;
	s26 =	simm.s32 $0x2;
	[dreg:$0xf] =	wrdreg s18;
	vm5 =	vmmov $0xffff;
	v8 =	vand.u32 $0x7, v13;
	v7 =	vsel vm1, $0x4700, v9  }
0x20: {  	s11 =	simm.s32 $0x2C00;
	s9 =	simm.s32 $0x1;
	[dreg:$0x10] =	wrdreg s20;
	v9 =	vshrl.u32 v13, $0x3;
	v10 =	vsel vm1, $0x8F00, v10;
	v11 =	vsel vm1, $0xD700, v12  }
0x21: {  	s3 =	simm.s32 $0x0;
	s25 =	simm.s32 $0x6;
	[dreg:$0x11] =	wrdreg s21;
	v12 =	vsel vm1, $0x11F00, v14;
	v13 =	vor.u32 $0x8, v13;
	v9 =	vmul.u32 $0x8, v9  }
.LBB2_12:
0x22: {  	s0 =	rddreg [dreg:$0xa];
	s1 =	simm.s32 $0x400;
	s12 =	simm.s32 $0x9  }
0x23: {  	[hbm4b:s0+s2] =	stream.linear.scatter [tilespmem:s1], [sflag:$0x9], $0x200, $0x38;
	[tilespmem:$0x12880] =	vst v63  }
0x24: {  	_ =	swait.ge [sflag:s12], $0x200  }
0x25: {  	[sflag:s12] =	ssyncset.done $0x0  }
0x26: {  	s17 =	simm.s32 $0x5;
	[sflag:s12] =	ssyncadd.s32 $0xFFFFFE00  }
0x27: {  	_ =	swait.ge [sflag:s17], $0x4800  }
0x28: {  	[sflag:s17] =	ssyncset.done $0x0  }
0x29: {  	[sflag:s17] =	ssyncadd.s32 $0xFFFFB800  }
0x2a: {  	_ =	swait.ge [sflag:s25], $0x4800  }
0x2b: {  	[sflag:s25] =	ssyncset.done $0x0  }
0x2c: {  	s18 =	simm.s32 $0x7;
	[sflag:s25] =	ssyncadd.s32 $0xFFFFB800  }
0x2d: {  	_ =	swait.ge [sflag:s18], $0x4800  }
0x2e: {  	[sflag:s18] =	ssyncset.done $0x0  }
0x2f: {  	s20 =	simm.s32 $0x8;
	[sflag:s18] =	ssyncadd.s32 $0xFFFFB800  }
0x30: {  	_ =	swait.ge [sflag:s20], $0x4800  }
0x31: {  	s3 =	rddreg [dreg:$0x14]  }
0x32: {  	s21 =	rddreg [dreg:$0xb];
	s3 =	sadd.s32 $0x1, s3  }
0x33: {  	p1 =	sne.s32 s3, s21  }
.Ltmp1:
0x34: {  	_ = 	snop;
	(pc) =	sbr.rel @!p1 .LBB2_13-.Ltmp1, $3  }
0x35: {  	_ =	sdelay $0x1  }
0x36: {  	[sflag:s20] =	ssyncset.done $0x0  }
0x37: {  	[sflag:s20] =	ssyncadd.s32 $0xFFFFB800  }
.LBB2_1:
0x38: {  	s0 =	simm.s32 $0x0  }
0x39: {  	s0 =	smul.u32 $0x9000, s0;
	_ =	sdelay $0x1  }
0x3a: {  	s1 =	sand.u32 $0x380, s2;
	s0 =	sshra.s32 s0, $0x2  }
0x3b: {  	s0 =	sor.u32 s1, s0  }
0x3c: {  	[tilespmem:s0+$0x10000] =	vst v0  }
0x3d: {  	[tilespmem:s0+$0x2820] =	vst v0  }
0x3e: {  	[tilespmem:s0+$0x2830] =	vst v0  }
0x3f: {  	[tilespmem:s0+$0x2840] =	vst v0  }
0x40: {  	[tilespmem:s0+$0x2850] =	vst v0  }
0x41: {  	[tilespmem:s0+$0x2860] =	vst v0  }
0x42: {  	[tilespmem:s0+$0x2870] =	vst v0  }
0x43: {  	[tilespmem:s0+$0x7010] =	vst v0  }
0x44: {  	[tilespmem:s0+$0x7020] =	vst v0  }
0x45: {  	[tilespmem:s0+$0x7030] =	vst v0  }
0x46: {  	[tilespmem:s0+$0x7040] =	vst v0  }
0x47: {  	[tilespmem:s0+$0x7050] =	vst v0  }
0x48: {  	[tilespmem:s0+$0x7060] =	vst v0  }
0x49: {  	[tilespmem:s0+$0x7070] =	vst v0  }
0x4a: {  	[tilespmem:s0+$0xB800] =	vst v0  }
0x4b: {  	[tilespmem:s0+$0xB810] =	vst v0  }
0x4c: {  	[tilespmem:s0+$0xB820] =	vst v0  }
0x4d: {  	[tilespmem:s0+$0xB830] =	vst v0  }
0x4e: {  	[tilespmem:s0+$0xB840] =	vst v0  }
0x4f: {  	[dreg:$0x14] =	wrdreg s3;
	s3 =	simm.s32 $0x0;
	s1 =	simm.s32 $0x1;
	[tilespmem:s0+$0x2800] =	vst v0  }
.LBB2_2:
0x50: {  	p1 =	sne.s32 s1, $0xF;
	[tilespmem:s0+$0x2810] =	vst v0  }
0x51: {  	[tilespmem:s0+$0x7000] =	vst v0  }
0x52: {  	[tilespmem:s0+$0xB850] =	vst v0  }
0x53: {  	[tilespmem:s0+$0xB860] =	vst v0  }
0x54: {  	s6 =	sadd.s32 $0x10000, s0;
	[tilespmem:s0+$0xB870] =	vst v0  }
0x55: {  	[tilespmem:s6+$0x70] =	vst v0  }
0x56: {  	[tilespmem:s6+$0x10] =	vst v0  }
0x57: {  	s0 =	sshrl.u32 s1, $0x3;
	[tilespmem:s6+$0x20] =	vst v0  }
0x58: {  	s0 =	smul.u32 $0x9000, s0;
	[tilespmem:s6+$0x30] =	vst v0  }
0x59: {  	s3 =	sadd.s32 $0x80, s3;
	[tilespmem:s6+$0x40] =	vst v0  }
0x5a: {  	s7 =	sand.u32 $0x380, s3;
	s0 =	sshra.s32 s0, $0x2;
	[tilespmem:s6+$0x50] =	vst v0  }
0x5b: {  	s0 =	sor.u32 s7, s0;
	[tilespmem:s6+$0x60] =	vst v0  }
0x5c: {  	[tilespmem:s0+$0x10000] =	vst v0  }
0x5d: {  	[tilespmem:s0+$0x2820] =	vst v0  }
0x5e: {  	[tilespmem:s0+$0x2830] =	vst v0  }
0x5f: {  	[tilespmem:s0+$0x2840] =	vst v0  }
0x60: {  	[tilespmem:s0+$0x2850] =	vst v0  }
0x61: {  	[tilespmem:s0+$0x2860] =	vst v0  }
0x62: {  	[tilespmem:s0+$0x2870] =	vst v0  }
0x63: {  	[tilespmem:s0+$0x7010] =	vst v0  }
0x64: {  	[tilespmem:s0+$0x7020] =	vst v0  }
0x65: {  	[tilespmem:s0+$0x7030] =	vst v0  }
0x66: {  	[tilespmem:s0+$0x7040] =	vst v0  }
0x67: {  	[tilespmem:s0+$0x7050] =	vst v0  }
0x68: {  	[tilespmem:s0+$0x7060] =	vst v0  }
0x69: {  	[tilespmem:s0+$0x7070] =	vst v0  }
0x6a: {  	[tilespmem:s0+$0xB800] =	vst v0  }
.Ltmp2:
0x6b: {  	[tilespmem:s0+$0xB810] =	vst v0;
	(pc) =	sbr.rel @p1 .LBB2_2-.Ltmp2, $4  }
0x6c: {  	[tilespmem:s0+$0xB820] =	vst v0  }
0x6d: {  	[tilespmem:s0+$0xB830] =	vst v0  }
0x6e: {  	[tilespmem:s0+$0xB840] =	vst v0  }
0x6f: {  	s1 =	sadd.s32 $0x1, s1;
	[tilespmem:s0+$0x2800] =	vst v0  }
0x70: {  	[tilespmem:s0+$0x2810] =	vst v0  }
0x71: {  	[tilespmem:s0+$0x7000] =	vst v0  }
0x72: {  	[tilespmem:s0+$0xB850] =	vst v0  }
0x73: {  	[tilespmem:s0+$0xB860] =	vst v0  }
0x74: {  	[tilespmem:s0+$0xB870] =	vst v0;
	s7 =	sadd.s32 $0x10000, s0  }
0x75: {  	[tilespmem:s7+$0x70] =	vst v0  }
0x76: {  	[tilespmem:s7+$0x10] =	vst v0  }
0x77: {  	[tilespmem:s7+$0x20] =	vst v0  }
0x78: {  	[tilespmem:s7+$0x30] =	vst v0  }
0x79: {  	[tilespmem:s7+$0x40] =	vst v0  }
0x7a: {  	[tilespmem:s7+$0x50] =	vst v0  }
0x7b: {  	s8 =	simm.s32 $0x0;
	s1 =	rddreg [dreg:$0x4];
	[tilespmem:s7+$0x60] =	vst v0  }
0x7c: {  	[tilespmem:s28], [sflag:$0x1] =	stream.linear.gather [hbm4b:s1+s8], $0x2000, $0x38;
	[tilespmem:$0x12880] =	vst v63  }
0x7d: {  	s12 =	rddreg [dreg:$0xc]  }
0x7e: {  	[tilespmem:s11], [sflag:$0x1] =	stream.linear.gather [hbm4b:s12+s8], $0x2000, $0x38;
	[tilespmem:$0x12880] =	vst v63  }
0x7f: {  	s17 =	rddreg [dreg:$0x5]  }
0x80: {  	[tilespmem:s22], [sflag:$0x2] =	stream.linear.gather [hbm4b:s17+s8], $0x2000, $0x38;
	[tilespmem:$0x12880] =	vst v63  }
0x81: {  	s18 =	rddreg [dreg:$0xd]  }
0x82: {  	[tilespmem:s23], [sflag:$0x2] =	stream.linear.gather [hbm4b:s18+s8], $0x2000, $0x38;
	[tilespmem:$0x12880] =	vst v63  }
0x83: {  	s20 =	rddreg [dreg:$0x6]  }
0x84: {  	[tilespmem:s24], [sflag:$0x3] =	stream.linear.gather [hbm4b:s20+s8], $0x2000, $0x38;
	[tilespmem:$0x12880] =	vst v63  }
0x85: {  	s21 =	rddreg [dreg:$0x12]  }
0x86: {  	[tilespmem:s29], [sflag:$0x3] =	stream.linear.gather [hbm4b:s21+s8], $0x2000, $0x38;
	[tilespmem:$0x12880] =	vst v63  }
0x87: {  	s22 =	rddreg [dreg:$0x7]  }
0x88: {  	[tilespmem:s30], [sflag:$0x4] =	stream.linear.gather [hbm4b:s22+s8], $0x2000, $0x38;
	[tilespmem:$0x12880] =	vst v63  }
0x89: {  	s23 =	rddreg [dreg:$0x13]  }
0x8a: {  	[tilespmem:s31], [sflag:$0x4] =	stream.linear.gather [hbm4b:s23+s8], $0x2000, $0x38;
	[tilespmem:$0x12880] =	vst v63  }
0x8b: {  	s3 =	simm.s32 $0x9;
	s24 =	rddreg [dreg:$0x2]  }
0x8c: {  	[tilespmem:s8], [sflag:$0x9] =	stream.linear.gather [hbm4b:s24+s8], $0x200, $0x38;
	[tilespmem:$0x12880] =	vst v63  }
0x8d: {  	_ =	swait.ge [sflag:s3], $0x200  }
0x8e: {  	[sflag:s3] =	ssyncset.done $0x0  }
0x8f: {  	s6 =	simm.s32 $0x200;
	s29 =	rddreg [dreg:$0x8];
	[sflag:s3] =	ssyncadd.s32 $0xFFFFFE00  }
0x90: {  	[tilespmem:s6], [sflag:$0x9] =	stream.linear.gather [hbm4b:s29+s8], $0x200, $0x38;
	[tilespmem:$0x12880] =	vst v63  }
0x91: {  	_ =	swait.ge [sflag:s3], $0x200  }
0x92: {  	[sflag:s3] =	ssyncset.done $0x0  }
0x93: {  	s31 =	simm.s32 $0x600;
	s30 =	rddreg [dreg:$0x9];
	[sflag:s3] =	ssyncadd.s32 $0xFFFFFE00  }
0x94: {  	[tilespmem:s31], [sflag:$0x9] =	stream.linear.gather [hbm4b:s30+s8], $0x200, $0x38;
	[tilespmem:$0x12880] =	vst v63  }
0x95: {  	_ =	swait.ge [sflag:s3], $0x200  }
0x96: {  	[sflag:s3] =	ssyncset.done $0x0  }
0x97: {  	[sflag:s3] =	ssyncadd.s32 $0xFFFFFE00  }
0x98: {  	v15 =	vld [tilespmem:s8+$0x0];
	_ =	sdelay $0x3  }
0x99: {  	v14 =	vimm.s32 $0x0;
	p1 =	sgt.u32 s4, $0x0  }
0x9a: {  	s0 =	simm.s32 $0x1;
	s1 =	simm.s32 $0x10;
	v16 =	vadd.s32 v14, v15;
	v15 =	vpsel !p1, $0x0, v15  }
.LBB2_4:
0x9b: {  	v17 =	vld [tilespmem:s1+$0x0];
	p1 =	sne.s32 s0, $0x1F;
	v14 =	vadd.s32 v14, v15;
	s3 =	smov.u32 s0;
	s0 =	sadd.s32 $0x1, s0  }
.Ltmp3:
0x9c: {  	(pc) =	sbr.rel @p1 .LBB2_4-.Ltmp3, $3  }
0x9d: {  	_ =	sdelay $0x1  }
0x9e: {  	p2 =	slt.u32 s3, s4  }
0x9f: {  	s1 =	sadd.s32 $0x10, s1;
	v16 =	vadd.s32 v16, v17;
	v15 =	vpsel !p2, $0x0, v17  }
0xa0: {  	v16 =	vadd.s32 $0xFF, v16  }
0xa1: {  	v17 =	vshra.s32 v16, $0x1F;
	v18 =	vand.u32 $0xFF, v16  }
0xa2: {  	vm7 =	vlt.s32 v16, $0x1;
	vm1 =	vne.s32 v18, $0x0;
	v17 =	vshrl.u32 v17, $0x18  }
0xa3: {  	v16 =	vadd.s32 v17, v16;
	vm1 =	vmand vm7, vm1  }
0xa4: {  	v16 =	vshrl.u32 v16, $0x8;
	v56 =	vsel vm1, $0xFFFFFFFF, v1  }
0xa5: {  	v16 =	vadd.s32 v56, v16  }
0xa6: {  	v16 =	vshll.u32 v16, $0x8  }
0xa7: {  	(xrf0) =	vadd.scan.msk.s32 $0xffff, v16;
	_ =	sdelay $0x5  }
0xa8: {  	v57, _, _ =	vpop (xrf0)  }
0xa9: {  	v15 =	vadd.s32 v14, v15;
	v14 =	vsub.s32 v57, v16  }
0xaa: {  	v15 =	vadd.s32 v15, v14  }
0xab: {  	vm1 =	vcmask $0x308;
	v58 =	vnsel vm0, $0x0, v15  }
0xac: {  	v59 =	vsel vm1, $0x0, v15;
	(xrf0) =	vadd.scan.msk.s32 $0xffff, v58  }
0xad: {  	v60 =	vsel vm2, $0x0, v15;
	(xrf0) =	vadd.scan.msk.s32 $0xffff, v59  }
0xae: {  	v61 =	vsel vm3, $0x0, v15;
	(xrf0) =	vadd.scan.msk.s32 $0xffff, v60  }
0xaf: {  	v15 =	vsel vm4, $0x0, v15;
	(xrf0) =	vadd.scan.msk.s32 $0xffff, v61  }
0xb0: {  	(xrf0) =	vadd.scan.msk.s32 $0xffff, v15;
	_ =	sdelay $0x1  }
0xb1: {  	v15, _, _ =	vpop (xrf0)  }
0xb2: {  	v62, _, _ =	vpop (xrf0);
	(v2sf) =	vpush v15, $0xF  }
0xb3: {  	v15, _, _ =	vpop (xrf0);
	(v2sf) =	vpush v62, $0xF  }
0xb4: {  	v63, _, _ =	vpop (xrf0);
	(v2sf) =	vpush v15, $0xF  }
0xb5: {  	(v2sf) =	vpush v63, $0xF;
	v15, _, _ =	vpop (xrf0)  }
0xb6: {  	(v2sf) =	vpush v15, $0xF;
	_ =	sdelay $0xa  }
.Ltmp4:
0xb7: {  	s11 =	spop (v2sf);
	(pc) =	sbr.rel @p0 .LBB2_7-.Ltmp4, $4  }
0xb8: {  	s8 =	spop (v2sf)  }
0xb9: {  	s7 =	spop (v2sf)  }
0xba: {  	s6 =	spop (v2sf)  }
0xbb: {  	s3 =	spop (v2sf)  }
0xbc: {  	v15 =	vsel vm4, $0x0, v14  }
0xbd: {  	(xrf0) =	vadd.scan.msk.s32 $0xffff, v15;
	v15 =	vsel vm3, $0x0, v14  }
0xbe: {  	(xrf0) =	vadd.scan.msk.s32 $0xffff, v15  }
0xbf: {  	v15 =	vsel vm2, $0x0, v14  }
0xc0: {  	(xrf0) =	vadd.scan.msk.s32 $0xffff, v15;
	_ =	sdelay $0x2  }
0xc1: {  	v15, _, _ =	vpop (xrf0)  }
0xc2: {  	vm1 =	vcmask $0x308;
	v16, _, _ =	vpop (xrf0);
	(v2sf) =	vpush v15, $0xF  }
0xc3: {  	v14 =	vsel vm1, $0x0, v14;
	(v2sf) =	vpush v16, $0xF  }
0xc4: {  	(xrf0) =	vadd.scan.msk.s32 $0xffff, v14;
	v15, _, _ =	vpop (xrf0)  }
0xc5: {  	(v2sf) =	vpush v15, $0xF;
	_ =	sdelay $0x4  }
0xc6: {  	v14, _, _ =	vpop (xrf0)  }
0xc7: {  	(v2sf) =	vpush v14, $0xF;
	_ =	sdelay $0x5  }
0xc8: {  	s0 =	spop (v2sf)  }
0xc9: {  	s1 =	spop (v2sf)  }
0xca: {  	s17 =	sand.u32 $0xFF, s0;
	s18 =	sshra.s32 s0, $0x1F;
	p2 =	slt.s32 s0, $0x1  }
0xcb: {  	s12 =	spop (v2sf);
	p4 =	sne.s32 s17, $0x0;
	s31 =	sshrl.u32 s18, $0x18  }
0xcc: {  	p1 =	slt.s32 s1, $0x1;
	s18 =	sand.u32 $0xFF, s1;
	s20 =	sshra.s32 s1, $0x1F  }
0xcd: {  	s0 =	sadd.s32 s31, s0;
	p3 =	sne.s32 s18, $0x0;
	s21 =	sand.u32 $0xFF, s12  }
0xce: {  	p5 =	slt.s32 s12, $0x1;
	s22 =	sshra.s32 s12, $0x1F;
	s17 =	sshrl.u32 s20, $0x18  }
0xcf: {  	p2 =	por !p2, !p4;
	p6 =	sne.s32 s21, $0x0;
	s18 =	sshrl.u32 s22, $0x18  }
0xd0: {  	s1 =	sadd.s32 s17, s1;
	p5 =	por !p5, !p6;
	s12 =	sadd.s32 s18, s12  }
0xd1: {  	s18 =	simm.s32 $0x1;
	p5 =	por !p5, !p5;
	s20 =	spop (v2sf)  }
0xd2: {  	s12 =	sshra.s32 s12, $0x8;
	s18 =	simm.s32 @!p5 $0x0;
	s23 =	sand.u32 $0xFF, s20  }
0xd3: {  	p5 =	slt.s32 s20, $0x1;
	s24 =	sshra.s32 s20, $0x1F;
	p6 =	sne.s32 s23, $0x0  }
0xd4: {  	s12 =	ssub.s32 s12, s18;
	s17 =	sshrl.u32 s24, $0x18;
	p6 =	por !p5, !p6  }
0xd5: {  	s18 =	simm.s32 $0x1;
	s17 =	sadd.s32 s17, s20;
	p4 =	por !p6, !p6  }
0xd6: {  	p1 =	por !p1, !p3;
	s17 =	sshra.s32 s17, $0x8;
	s18 =	simm.s32 @!p4 $0x0  }
0xd7: {  	p2 =	por !p2, !p2;
	s0 =	sshra.s32 s0, $0x8;
	s17 =	ssub.s32 s17, s18  }
0xd8: {  	p1 =	por !p1, !p1;
	s18 =	simm.s32 $0x1;
	v14 =	vmov s17;
	s17 =	simm.s32 $0x1  }
0xd9: {  	s1 =	sshra.s32 s1, $0x8;
	s18 =	simm.s32 @!p2 $0x0;
	s17 =	simm.s32 @!p1 $0x0;
	vm1 =	vlt.s32 v14, v2  }
0xda: {  	v51 =	vmov s12;
	s0 =	ssub.s32 s0, s18;
	s1 =	ssub.s32 s1, s17;
	v15 =	vsel vm1, $0x1, v1  }
0xdb: {  	vm1 =	vlt.s32 v51, v2;
	v18 =	vmov s0;
	v17 =	vmov s1  }
0xdc: {  	v19 =	vsel vm1, $0x1, v1;
	vm7 =	vlt.s32 v18, v2;
	vm1 =	vlt.s32 v17, v2  }
0xdd: {  	v21 =	vsel vm7, $0x1, v1;
	v20 =	vsel vm1, $0x1, v1;
	vm1 =	vlt.s32 v14, v3  }
0xde: {  	vm7 =	vlt.s32 v17, v3;
	v22 =	vsel vm1, $0x1, v1;
	vm1 =	vlt.s32 v51, v3  }
0xdf: {  	v15 =	vadd.s32 v19, v15;
	v23 =	vsel vm1, $0x1, v1;
	vm1 =	vlt.s32 v18, v3  }
0xe0: {  	v24 =	vsel vm7, $0x1, v1;
	v52 =	vsel vm1, $0x1, v1;
	vm1 =	vlt.s32 v14, v4  }
0xe1: {  	v15 =	vadd.s32 v20, v15;
	v53 =	vsel vm1, $0x1, v1;
	vm1 =	vlt.s32 v51, v4  }
0xe2: {  	v15 =	vadd.s32 v21, v15;
	v54 =	vsel vm1, $0x1, v1;
	vm1 =	vlt.s32 v17, v4  }
0xe3: {  	v22 =	vadd.s32 v23, v22;
	v55 =	vsel vm1, $0x1, v1;
	vm1 =	vlt.s32 v18, v4  }
0xe4: {  	v22 =	vadd.s32 v24, v22;
	v56 =	vsel vm1, $0x1, v1;
	vm1 =	vlt.s32 v14, v5  }
0xe5: {  	v19 =	vadd.s32 v52, v22;
	v57 =	vsel vm1, $0x1, v1;
	vm1 =	vlt.s32 v51, v5  }
0xe6: {  	v20 =	vadd.s32 v54, v53;
	v58 =	vsel vm1, $0x1, v1;
	vm1 =	vlt.s32 v17, v5  }
0xe7: {  	v20 =	vadd.s32 v55, v20;
	v59 =	vsel vm1, $0x1, v1;
	vm1 =	vlt.s32 v18, v5  }
0xe8: {  	v20 =	vadd.s32 v56, v20;
	v60 =	vsel vm1, $0x1, v1;
	vm1 =	vlt.s32 v14, v6  }
0xe9: {  	v14 =	vadd.s32 v58, v57;
	v61 =	vsel vm1, $0x1, v1;
	vm1 =	vlt.s32 v51, v6  }
0xea: {  	[tilespmem:$0x12800] =	vst v15;
	v14 =	vadd.s32 v59, v14;
	v15 =	vsel vm1, $0x1, v1;
	vm1 =	vlt.s32 v17, v6  }
0xeb: {  	[tilespmem:$0x12810] =	vst v19;
	v15 =	vadd.s32 v15, v61;
	v62 =	vsel vm1, $0x1, v1;
	vm1 =	vlt.s32 v18, v6  }
0xec: {  	[tilespmem:$0x12820] =	vst v20;
	v14 =	vadd.s32 v60, v14;
	v15 =	vadd.s32 v62, v15;
	v63 =	vsel vm1, $0x1, v1  }
0xed: {  	[tilespmem:$0x12830] =	vst v14;
	v14 =	vadd.s32 v63, v15  }
0xee: {  	s29 =	rddreg [dreg:$0x3];
	s30 =	simm.s32 $0x12800;
	s31 =	simm.s32 $0x9;
	[tilespmem:$0x12840] =	vst v14  }
0xef: {  	[hbm4b:s29+s2] =	stream.linear.scatter [tilespmem:s30], [sflag:$0x9], $0x80, $0x38;
	[tilespmem:$0x12880] =	vst v63  }
0xf0: {  	_ =	swait.ge [sflag:s31], $0x80  }
0xf1: {  	[sflag:s31] =	ssyncset.done $0x0  }
0xf2: {  	[sflag:s31] =	ssyncadd.s32 $0xFFFFFF80  }
.LBB2_7:
0xf3: {  	s29 =	simm.s32 $0x0  }
0xf4: {  	v14 =	vld [tilespmem:s29+$0x200];
	_ =	sdelay $0x4  }
0xf5: {  	vm7 =	veq.s32 v14, $0x4  }
0xf6: {  	vm1 =	veq.s32 v14, $0x0;
	v15 =	vsel vm7, $0x1, v1  }
0xf7: {  	vm8 =	veq.s32 v14, $0x1;
	v16 =	vsel vm1, $0x1, v1;
	(xrf0) =	vadd.scan.msk.s32 $0xffff, v15  }
0xf8: {  	v15 =	vsel vm8, $0x1, v1;
	(xrf0) =	vadd.scan.msk.s32 $0xffff, v16  }
0xf9: {  	vm10 =	veq.s32 v14, $0x2;
	(xrf0) =	vadd.scan.msk.s32 $0xffff, v15  }
0xfa: {  	vm11 =	veq.s32 v14, $0x3;
	v14 =	vsel vm10, $0x1, v1  }
0xfb: {  	v15 =	vsel vm11, $0x1, v1;
	(xrf0) =	vadd.scan.msk.s32 $0xffff, v14  }
0xfc: {  	s17 =	simm.s32 $0x10;
	(xrf0) =	vadd.scan.msk.s32 $0xffff, v15  }
0xfd: {  	v16 =	vld [tilespmem:s17+$0x200];
	v19, _, _ =	vpop (xrf0)  }
0xfe: {  	s0 =	sadd.s32 $0x0, s11;
	s22 =	sadd.s32 $0x0, s7;
	v14, _, _ =	vpop (xrf0);
	(v2sf) =	vpush v19, $0xF  }
0xff: {  	v20 =	vmov s0;
	v22 =	vmov s22;
	(v2sf) =	vpush v14, $0xF;
	v15, _, _ =	vpop (xrf0)  }
0x100: {  	v20 =	vadd.s32 $0xFFFFFFFF, v20;
	vm14 =	vmmov vm8;
	(v2sf) =	vpush v15, $0xF  }
0x101: {  	vm9 =	vmmov vm7;
	vm15 =	vmmov vm10;
	vm13 =	vmmov vm11;
	v17, _, _ =	vpop (xrf0)  }
0x102: {  	vm11 =	veq.s32 v16, $0x0;
	vm10 =	veq.s32 v16, $0x4;
	(v2sf) =	vpush v17, $0xF;
	v18, _, _ =	vpop (xrf0)  }
0x103: {  	vm12 =	veq.s32 v16, $0x1;
	v25 =	vsel vm10, $0x1, v1;
	(v2sf) =	vpush v18, $0xF  }
0x104: {  	s1 =	sadd.s32 $0x0, s8;
	vm8 =	veq.s32 v16, $0x2;
	vm7 =	veq.s32 v16, $0x3;
	v16 =	vbroadcast v20, $0x0;
	(xrf0) =	vadd.scan.msk.s32 $0xffff, v25  }
0x105: {  	s23 =	sadd.s32 $0x0, s6;
	v21 =	vmov s1;
	v22 =	vadd.s32 $0xFFFFFFFF, v22  }
0x106: {  	s24 =	sadd.s32 $0x0, s3;
	v59 =	vmov s23;
	v14 =	vadd.s32 v14, v16;
	v16 =	vbroadcast v22, $0x0  }
0x107: {  	v60 =	vmov s24;
	v21 =	vadd.s32 $0xFFFFFFFF, v21;
	v23 =	vsel vm11, $0x1, v1  }
0x108: {  	v61 =	vadd.s32 $0xFFFFFFFF, v59;
	v21 =	vbroadcast v21, $0x0;
	v24 =	vsel vm12, $0x1, v1;
	(xrf0) =	vadd.scan.msk.s32 $0xffff, v23  }
0x109: {  	v63 =	vadd.s32 $0xFFFFFFFF, v60;
	vm1 =	vmmov vm1;
	v20 =	vsel vm8, $0x1, v1;
	(xrf0) =	vadd.scan.msk.s32 $0xffff, v24  }
0x10a: {  	v58 =	vsel vm7, $0x1, v1;
	v15 =	vadd.s32 v15, v21;
	v17 =	vadd.s32 v17, v16;
	v16, _, _ =	vpop (xrf0);
	(xrf0) =	vadd.scan.msk.s32 $0xffff, v20  }
0x10b: {  	v22 =	vbroadcast v63, $0x0;
	v14 =	vnsel vm1, $0x0, v14;
	v15 =	vnsel vm14, $0x0, v15  }
0x10c: {  	s12 =	simm.s32 $0x0;
	s21 =	simm.s32 $0x0;
	v62 =	vbroadcast v61, $0x0;
	v15 =	vadd.s32 v15, v14;
	(xrf0) =	vadd.scan.msk.s32 $0xffff, v58  }
0x10d: {  	s20 =	simm.s32 $0x0;
	s0 =	simm.s32 $0x20;
	v19 =	vadd.s32 v19, v22;
	s31 =	spop (v2sf)  }
0x10e: {  	s23 =	simm.s32 $0xC0;
	s22 =	simm.s32 $0x0;
	v17 =	vnsel vm15, $0x0, v17;
	v18 =	vadd.s32 v18, v62;
	v14, _, _ =	vpop (xrf0);
	(v2sf) =	vpush v16, $0xF;
	s30 =	spop (v2sf)  }
0x10f: {  	s1 =	simm.s32 $0x0;
	v17 =	vadd.s32 v17, v15;
	v18 =	vnsel vm13, $0x0, v18;
	v15, _, _ =	vpop (xrf0);
	s18 =	sadd.s32 $0x0, s31;
	(v2sf) =	vpush v14, $0xF;
	s24 =	spop (v2sf)  }
.LBB2_8:
0x110: {  	(v2sf) =	vpush v15, $0xF;
	v21, _, _ =	vpop (xrf0);
	v17 =	vadd.s32 v18, v17  }
0x111: {  	p1 =	sne.s32 s23, $0x7C0;
	v20 =	vld [tilespmem:s0+$0x200];
	s22 =	sadd.s32 s22, s30;
	v18 =	vnsel vm9, $0x0, v19;
	s30 =	spop (v2sf);
	v19 =	vmovc v16;
	vm14 =	vmmov vm11;
	vm15 =	vmmov vm12  }
0x112: {  	s21 =	sadd.s32 s21, s24;
	vm9 =	vmmov vm10;
	(v2sf) =	vpush v21, $0xF;
	v22, _, _ =	vpop (xrf0);
	s1 =	sadd.s32 s1, s30;
	v16 =	vadd.s32 v18, v17;
	s24 =	spop (v2sf)  }
0x113: {  	vm1 =	vmmov vm8;
	vm13 =	vmmov vm7;
	s30 =	sadd.s32 s11, s22;
	s31 =	sadd.s32 s8, s21;
	(v2sf) =	vpush v22, $0xF;
	s20 =	sadd.s32 s20, s24;
	[tilespmem:s29+$0x400] =	vst v16  }
0x114: {  	v16 =	vmov s30;
	v17 =	vmov s31;
	s24 =	sadd.s32 s7, s1;
	s31 =	sadd.s32 s3, s18;
	s30 =	sadd.s32 s6, s20  }
0x115: {  	s29 =	smov.u32 s17;
	s17 =	smov.u32 s0;
	v16 =	vadd.s32 $0xFFFFFFFF, v16;
	v17 =	vadd.s32 $0xFFFFFFFF, v17;
	v18 =	vmov s24  }
0x116: {  	vm11 =	veq.s32 v20, $0x0;
	vm12 =	veq.s32 v20, $0x1;
	vm10 =	veq.s32 v20, $0x4  }
0x117: {  	v23 =	vsel vm11, $0x1, v1;
	v24 =	vsel vm12, $0x1, v1;
	v25 =	vsel vm10, $0x1, v1  }
0x118: {  	v16 =	vbroadcast v16, $0x0;
	vm8 =	veq.s32 v20, $0x2;
	vm7 =	veq.s32 v20, $0x3;
	(xrf0) =	vadd.scan.msk.s32 $0xffff, v25  }
0x119: {  	v17 =	vbroadcast v17, $0x0;
	v20 =	vsel vm8, $0x1, v1;
	v25 =	vsel vm7, $0x1, v1;
	(xrf0) =	vadd.scan.msk.s32 $0xffff, v23  }
0x11a: {  	v18 =	vadd.s32 $0xFFFFFFFF, v18;
	v23 =	vmov s30;
	(xrf0) =	vadd.scan.msk.s32 $0xffff, v24;
	v24 =	vmov s31  }
0x11b: {  	v26 =	vbroadcast v18, $0x0;
	v14 =	vadd.s32 v14, v16;
	v18 =	vadd.s32 $0xFFFFFFFF, v23;
	(xrf0) =	vadd.scan.msk.s32 $0xffff, v20  }
.Ltmp5:
0x11c: {  	v15 =	vadd.s32 v15, v17;
	v18 =	vbroadcast v18, $0x0;
	v17 =	vadd.s32 $0xFFFFFFFF, v24;
	(xrf0) =	vadd.scan.msk.s32 $0xffff, v25;
	(pc) =	sbr.rel @p1 .LBB2_8-.Ltmp5, $4  }
0x11d: {  	v15 =	vnsel vm15, $0x0, v15;
	v23 =	vnsel vm14, $0x0, v14;
	v20 =	vadd.s32 v21, v26  }
0x11e: {  	v23 =	vadd.s32 v15, v23;
	v20 =	vnsel vm1, $0x0, v20;
	v21 =	vbroadcast v17, $0x0;
	v16, _, _ =	vpop (xrf0);
	s0 =	spop (v2sf)  }
0x11f: {  	v17 =	vadd.s32 v20, v23;
	v18 =	vadd.s32 v22, v18;
	v14, _, _ =	vpop (xrf0);
	(v2sf) =	vpush v16, $0xF;
	s18 =	sadd.s32 s18, s0;
	s30 =	spop (v2sf)  }
0x120: {  	v18 =	vnsel vm13, $0x0, v18;
	v19 =	vadd.s32 v19, v21;
	s0 =	sshra.s32 s23, $0x2;
	s23 =	sadd.s32 $0x40, s23;
	(v2sf) =	vpush v14, $0xF;
	v15, _, _ =	vpop (xrf0);
	s24 =	spop (v2sf)  }
0x121: {  	v20 =	vld [tilespmem:s0+$0x200];
	_ =	sdelay $0x1  }
0x122: {  	(v2sf) =	vpush v15, $0xF;
	v17 =	vadd.s32 v18, v17  }
0x123: {  	v21, _, _ =	vpop (xrf0);
	v45 =	vnsel vm9, $0x0, v19;
	vm15 =	vmmov vm11;
	vm1 =	vmmov vm12  }
0x124: {  	s22 =	sadd.s32 s22, s30;
	vm14 =	vmmov vm10;
	vm7 =	vmmov vm7;
	(v2sf) =	vpush v21, $0xF;
	v47, _, _ =	vpop (xrf0)  }
0x125: {  	s23 =	spop (v2sf);
	s21 =	sadd.s32 s21, s24;
	v17 =	vadd.s32 v45, v17;
	s24 =	sadd.s32 s11, s22;
	(v2sf) =	vpush v47, $0xF;
	vm9 =	veq.s32 v20, $0x4  }
0x126: {  	s30 =	sadd.s32 s8, s21;
	v49 =	vmov s24;
	vm11 =	veq.s32 v20, $0x0;
	v46 =	vsel vm9, $0x1, v1  }
0x127: {  	s23 =	sadd.s32 s1, s23;
	s1 =	spop (v2sf);
	v51 =	vmov s30;
	vm12 =	veq.s32 v20, $0x1;
	v22 =	vsel vm11, $0x1, v1;
	(xrf0) =	vadd.scan.msk.s32 $0xffff, v46  }
0x128: {  	s1 =	sadd.s32 s20, s1;
	s20 =	sadd.s32 s7, s23;
	v18 =	vadd.s32 $0xFFFFFFFF, v51;
	vm13 =	veq.s32 v20, $0x2;
	v48 =	vsel vm12, $0x1, v1;
	(xrf0) =	vadd.scan.msk.s32 $0xffff, v22  }
0x129: {  	v52 =	vmov s20;
	s20 =	sadd.s32 s3, s18;
	vm10 =	veq.s32 v20, $0x3;
	v50 =	vsel vm13, $0x1, v1;
	(xrf0) =	vadd.scan.msk.s32 $0xffff, v48  }
0x12a: {  	s24 =	sadd.s32 s6, s1;
	v18 =	vbroadcast v18, $0x0;
	v24 =	vmov s20;
	v23 =	vsel vm10, $0x1, v1;
	(xrf0) =	vadd.scan.msk.s32 $0xffff, v50  }
0x12b: {  	v53 =	vmov s24;
	v20 =	vadd.s32 $0xFFFFFFFF, v52;
	v24 =	vadd.s32 $0xFFFFFFFF, v24;
	(xrf0) =	vadd.scan.msk.s32 $0xffff, v23  }
0x12c: {  	v20 =	vbroadcast v20, $0x0;
	v15 =	vadd.s32 v15, v18;
	v22 =	vadd.s32 $0xFFFFFFFF, v49  }
0x12d: {  	v24 =	vbroadcast v24, $0x0;
	vm10 =	vmmov vm10;
	v22 =	vbroadcast v22, $0x0;
	v54, _, _ =	vpop (xrf0)  }
0x12e: {  	v15 =	vnsel vm1, $0x0, v15;
	vm1 =	vmmov vm8;
	v55, _, _ =	vpop (xrf0);
	(v2sf) =	vpush v54, $0xF  }
0x12f: {  	vm8 =	vmmov vm12;
	v14 =	vadd.s32 v14, v22;
	(v2sf) =	vpush v55, $0xF;
	v25, _, _ =	vpop (xrf0)  }
0x130: {  	v20 =	vadd.s32 v21, v20;
	v14 =	vnsel vm15, $0x0, v14;
	(v2sf) =	vpush v25, $0xF;
	v56, _, _ =	vpop (xrf0)  }
0x131: {  	v23 =	vadd.s32 $0xFFFFFFFF, v53;
	v14 =	vadd.s32 v15, v14;
	s20 =	spop (v2sf);
	(v2sf) =	vpush v56, $0xF;
	v15, _, _ =	vpop (xrf0)  }
0x132: {  	v16 =	vadd.s32 v16, v24;
	v23 =	vbroadcast v23, $0x0;
	s24 =	spop (v2sf);
	(v2sf) =	vpush v15, $0xF  }
0x133: {  	v20 =	vnsel vm1, $0x0, v20;
	v16 =	vnsel vm14, $0x0, v16;
	vm1 =	vmmov vm9;
	s30 =	spop (v2sf);
	s22 =	sadd.s32 s22, s24  }
0x134: {  	vm15 =	vmmov vm13;
	v19 =	vadd.s32 v47, v23;
	v14 =	vadd.s32 v20, v14;
	s24 =	spop (v2sf);
	s21 =	sadd.s32 s21, s30;
	s22 =	sadd.s32 s11, s22  }
0x135: {  	v19 =	vnsel vm7, $0x0, v19;
	vm7 =	vmmov vm11;
	s23 =	sadd.s32 s23, s24;
	s24 =	sadd.s32 s8, s21;
	v57 =	vmov s22  }
0x136: {  	v14 =	vadd.s32 v19, v14;
	s21 =	spop (v2sf);
	v58 =	vmov s24;
	s23 =	sadd.s32 s7, s23;
	v19 =	vadd.s32 $0xFFFFFFFF, v57  }
0x137: {  	s24 =	sadd.s32 s18, s20;
	s1 =	sadd.s32 s1, s21;
	v20 =	vadd.s32 $0xFFFFFFFF, v58;
	v59 =	vmov s23;
	v19 =	vbroadcast v19, $0x0  }
0x138: {  	v14 =	vadd.s32 v16, v14;
	s1 =	sadd.s32 s6, s1;
	s18 =	sadd.s32 s3, s24;
	v20 =	vbroadcast v20, $0x0;
	v23 =	vadd.s32 $0xFFFFFFFF, v59  }
0x139: {  	v60 =	vmov s1;
	v61 =	vmov s18;
	v18 =	vadd.s32 v55, v19  }
0x13a: {  	v23 =	vbroadcast v23, $0x0;
	v24 =	vadd.s32 $0xFFFFFFFF, v60;
	v19 =	vadd.s32 $0xFFFFFFFF, v61  }
0x13b: {  	v20 =	vadd.s32 v25, v20;
	v24 =	vbroadcast v24, $0x0;
	v18 =	vnsel vm7, $0x0, v18  }
0x13c: {  	s31 =	simm.s32 $0x10400;
	v19 =	vbroadcast v19, $0x0;
	v20 =	vnsel vm8, $0x0, v20;
	v21 =	vadd.s32 v56, v23  }
0x13d: {  	[tilespmem:s29+$0x400] =	vst v17;
	s29 =	simm.s32 $0xBC00;
	s11 =	simm.s32 $0x2C00;
	v18 =	vadd.s32 v20, v18;
	v62 =	vnsel vm15, $0x0, v21;
	v15 =	vadd.s32 v15, v24;
	s20 =	spop (v2sf)  }
0x13e: {  	s30 =	simm.s32 $0xE000;
	[tilespmem:s17+$0x400] =	vst v14;
	s17 =	rddreg [dreg:$0xe];
	v19 =	vadd.s32 v54, v19;
	v18 =	vadd.s32 v62, v18;
	v15 =	vnsel vm10, $0x0, v15;
	s21 =	spop (v2sf)  }
0x13f: {  	s3 =	simm.s32 $0x620;
	s18 =	rddreg [dreg:$0xf];
	v63 =	vnsel vm1, $0x0, v19;
	v15 =	vadd.s32 v15, v18;
	s22 =	spop (v2sf)  }
0x140: {  	s6 =	simm.s32 $0x420;
	v14 =	vadd.s32 v63, v15;
	s20 =	rddreg [dreg:$0x10];
	s23 =	spop (v2sf)  }
0x141: {  	[tilespmem:s0+$0x400] =	vst v14;
	s0 =	simm.s32 $0xFFFFFFFC;
	s21 =	rddreg [dreg:$0x11];
	s24 =	spop (v2sf)  }
0x142: {  	s22 =	simm.s32 $0x5000;
	s23 =	simm.s32 $0x7400;
	s24 =	simm.s32 $0x9800  }
.LBB2_10:
0x143: {  	_ =	swait.ge [sflag:s9], $0x4000  }
0x144: {  	[sflag:s9] =	ssyncset.done $0x0  }
0x145: {  	[sflag:s9] =	ssyncadd.s32 $0xFFFFC000  }
0x146: {  	v14 =	vld [tilespmem:s3+$0xFFFFFFE0];
	_ =	sdelay $0x4  }
0x147: {  	[tilespmem:v7+s28+$0x0] =	vst.idx.msk $0xffff, v14  }
0x148: {  	v14 =	vld [tilespmem:s6+$0xFFFFFFE0];
	_ =	sdelay $0x4  }
0x149: {  	v15 =	vshrl.u32 v14, $0x3  }
0x14a: {  	v15 =	vmul.u32 $0x48, v15  }
0x14b: {  	v14 =	vand.u32 $0x7, v14  }
0x14c: {  	v14 =	vor.u32 v14, v15  }
0x14d: {  	v15 =	vperm.xlane v14, v8;
	_ =	sdelay $0x1  }
0x14e: {  	v15 =	vadd.s32 v9, v15;
	_ =	sdelay $0x4  }
0x14f: {  	[hbm4b:s5+s2] =	stream.indirect_vreg.scatter [tilespmem:s28], [sflag:$0x5], $0x80, v15, vm5, $0xb8;
	[tilespmem:$0x12880] =	vst v63  }
0x150: {  	s1 =	simm.s32 $0x1000  }
0x151: {  	[hbm4b:s13+s2] =	stream.indirect_vreg.scatter [tilespmem:s1], [sflag:$0x5], $0x80, v15, vm5, $0xb8;
	[tilespmem:$0x12880] =	vst v63  }
0x152: {  	s8 =	simm.s32 $0x1800;
	v14 =	vperm.xlane v14, v13  }
0x153: {  	[hbm4b:s14+s2] =	stream.indirect_vreg.scatter [tilespmem:s8], [sflag:$0x5], $0x80, v15, vm5, $0xb8;
	[tilespmem:$0x12880] =	vst v63  }
0x154: {  	s7 =	simm.s32 $0x2000;
	v14 =	vadd.s32 v9, v14  }
0x155: {  	[hbm4b:s15+s2] =	stream.indirect_vreg.scatter [tilespmem:s7], [sflag:$0x5], $0x80, v15, vm5, $0xb8;
	[tilespmem:$0x12880] =	vst v63  }
0x156: {  	s8 =	simm.s32 $0x2800  }
0x157: {  	[hbm4b:s16+s2] =	stream.indirect_vreg.scatter [tilespmem:s8], [sflag:$0x5], $0x80, v15, vm6, $0xb8;
	[tilespmem:$0x12880] =	vst v63  }
0x158: {  	_ = 	snop  }
0x159: {  	[hbm4b:s5+s2] =	stream.indirect_vreg.scatter [tilespmem:s11], [sflag:$0x5], $0x80, v14, vm5, $0xb8;
	[tilespmem:$0x12880] =	vst v63  }
0x15a: {  	s7 =	simm.s32 $0x3400  }
0x15b: {  	[hbm4b:s13+s2] =	stream.indirect_vreg.scatter [tilespmem:s7], [sflag:$0x5], $0x80, v14, vm5, $0xb8;
	[tilespmem:$0x12880] =	vst v63  }
0x15c: {  	s8 =	simm.s32 $0x3C00  }
0x15d: {  	[hbm4b:s14+s2] =	stream.indirect_vreg.scatter [tilespmem:s8], [sflag:$0x5], $0x80, v14, vm5, $0xb8;
	[tilespmem:$0x12880] =	vst v63  }
0x15e: {  	p1 =	sgt.u32 s0, $0x1B;
	s7 =	simm.s32 $0x4400  }
0x15f: {  	[hbm4b:s15+s2] =	stream.indirect_vreg.scatter [tilespmem:s7], [sflag:$0x5], $0x80, v14, vm5, $0xb8;
	[tilespmem:$0x12880] =	vst v63  }
0x160: {  	s1 =	simm.s32 @!p1 $0x7;
	s8 =	simm.s32 $0x4C00  }
0x161: {  	[hbm4b:s16+s2] =	stream.indirect_vreg.scatter [tilespmem:s8], [sflag:$0x5], $0x80, v14, vm6, $0xb8;
	[tilespmem:$0x12880] =	vst v63  }
0x162: {  	_ =	swait.ge @!p1 [sflag:s1], $0x4800  }
0x163: {  	s7 =	simm.s32 @!p1 $0x0;
	[sflag:s1] =	ssyncset.done @!p1 $0x0  }
0x164: {  	s8 =	simm.s32 @!p1 $0x9800;
	[sflag:s1] =	ssyncadd.s32 @!p1 $0xFFFFB800;
	s1 =	sadd.s32 @!p1 s12, s20  }
0x165: {  	[tilespmem:s8], [sflag:$0x3] =	stream.linear.gather @!p1 [hbm4b:s1+s7], $0x2000, $0x38;
	[tilespmem:$0x12880] =	vst v63  }
0x166: {  	s1 =	sadd.s32 @!p1 $0x480, s1;
	s8 =	simm.s32 @!p1 $0xBC00  }
0x167: {  	[tilespmem:s8], [sflag:$0x3] =	stream.linear.gather @!p1 [hbm4b:s1+s7], $0x2000, $0x38;
	[tilespmem:$0x12880] =	vst v63  }
0x168: {  	_ =	swait.ge [sflag:s26], $0x4000  }
0x169: {  	[sflag:s26] =	ssyncset.done $0x0  }
0x16a: {  	[sflag:s26] =	ssyncadd.s32 $0xFFFFC000  }
0x16b: {  	v14 =	vld [tilespmem:s3+$0xFFFFFFF0];
	_ =	sdelay $0x4  }
0x16c: {  	[tilespmem:v10+s28+$0x0] =	vst.idx.msk $0xffff, v14  }
0x16d: {  	v14 =	vld [tilespmem:s6+$0xFFFFFFF0];
	_ =	sdelay $0x4  }
0x16e: {  	v15 =	vshrl.u32 v14, $0x3  }
0x16f: {  	v15 =	vmul.u32 $0x48, v15  }
0x170: {  	v14 =	vand.u32 $0x7, v14  }
0x171: {  	v14 =	vor.u32 v14, v15  }
0x172: {  	v15 =	vperm.xlane v14, v8;
	_ =	sdelay $0x1  }
0x173: {  	v15 =	vadd.s32 v9, v15;
	_ =	sdelay $0x4  }
0x174: {  	[hbm4b:s5+s2] =	stream.indirect_vreg.scatter [tilespmem:s22], [sflag:$0x6], $0x80, v15, vm5, $0xb8;
	[tilespmem:$0x12880] =	vst v63  }
0x175: {  	s7 =	simm.s32 $0x5800  }
0x176: {  	[hbm4b:s13+s2] =	stream.indirect_vreg.scatter [tilespmem:s7], [sflag:$0x6], $0x80, v15, vm5, $0xb8;
	[tilespmem:$0x12880] =	vst v63  }
0x177: {  	s8 =	simm.s32 $0x6000;
	v14 =	vperm.xlane v14, v13  }
0x178: {  	[hbm4b:s14+s2] =	stream.indirect_vreg.scatter [tilespmem:s8], [sflag:$0x6], $0x80, v15, vm5, $0xb8;
	[tilespmem:$0x12880] =	vst v63  }
0x179: {  	v14 =	vadd.s32 v9, v14;
	s7 =	simm.s32 $0x6800  }
0x17a: {  	[hbm4b:s15+s2] =	stream.indirect_vreg.scatter [tilespmem:s7], [sflag:$0x6], $0x80, v15, vm5, $0xb8;
	[tilespmem:$0x12880] =	vst v63  }
0x17b: {  	s8 =	simm.s32 $0x7000  }
0x17c: {  	[hbm4b:s16+s2] =	stream.indirect_vreg.scatter [tilespmem:s8], [sflag:$0x6], $0x80, v15, vm6, $0xb8;
	[tilespmem:$0x12880] =	vst v63  }
0x17d: {  	_ = 	snop  }
0x17e: {  	[hbm4b:s5+s2] =	stream.indirect_vreg.scatter [tilespmem:s23], [sflag:$0x6], $0x80, v14, vm5, $0xb8;
	[tilespmem:$0x12880] =	vst v63  }
0x17f: {  	s7 =	simm.s32 $0x7C00  }
0x180: {  	[hbm4b:s13+s2] =	stream.indirect_vreg.scatter [tilespmem:s7], [sflag:$0x6], $0x80, v14, vm5, $0xb8;
	[tilespmem:$0x12880] =	vst v63  }
0x181: {  	s8 =	simm.s32 $0x8400  }
0x182: {  	[hbm4b:s14+s2] =	stream.indirect_vreg.scatter [tilespmem:s8], [sflag:$0x6], $0x80, v14, vm5, $0xb8;
	[tilespmem:$0x12880] =	vst v63  }
0x183: {  	p1 =	seq.s32 s12, $0x0;
	s7 =	simm.s32 $0x8C00  }
0x184: {  	[hbm4b:s15+s2] =	stream.indirect_vreg.scatter [tilespmem:s7], [sflag:$0x6], $0x80, v14, vm5, $0xb8;
	[tilespmem:$0x12880] =	vst v63  }
0x185: {  	s1 =	simm.s32 @!p1 $0x8;
	s8 =	simm.s32 $0x9400  }
0x186: {  	[hbm4b:s16+s2] =	stream.indirect_vreg.scatter [tilespmem:s8], [sflag:$0x6], $0x80, v14, vm6, $0xb8;
	[tilespmem:$0x12880] =	vst v63  }
0x187: {  	_ =	swait.ge @!p1 [sflag:s1], $0x4800  }
0x188: {  	s7 =	simm.s32 @!p1 $0x0;
	[sflag:s1] =	ssyncset.done @!p1 $0x0  }
0x189: {  	s8 =	simm.s32 @!p1 $0xE000;
	[sflag:s1] =	ssyncadd.s32 @!p1 $0xFFFFB800;
	s1 =	sadd.s32 @!p1 s12, s21  }
0x18a: {  	[tilespmem:s8], [sflag:$0x4] =	stream.linear.gather @!p1 [hbm4b:s1+s7], $0x2000, $0x38;
	[tilespmem:$0x12880] =	vst v63  }
0x18b: {  	s1 =	sadd.s32 @!p1 $0x480, s1;
	s8 =	simm.s32 @!p1 $0x10400  }
0x18c: {  	[tilespmem:s8], [sflag:$0x4] =	stream.linear.gather @!p1 [hbm4b:s1+s7], $0x2000, $0x38;
	[tilespmem:$0x12880] =	vst v63  }
0x18d: {  	_ =	swait.ge [sflag:s19], $0x4000  }
0x18e: {  	[sflag:s19] =	ssyncset.done $0x0  }
0x18f: {  	[sflag:s19] =	ssyncadd.s32 $0xFFFFC000  }
0x190: {  	v14 =	vld [tilespmem:s3+$0x0];
	_ =	sdelay $0x4  }
0x191: {  	[tilespmem:v11+s28+$0x0] =	vst.idx.msk $0xffff, v14  }
0x192: {  	v14 =	vld [tilespmem:s6+$0x0];
	_ =	sdelay $0x4  }
0x193: {  	v15 =	vshrl.u32 v14, $0x3  }
0x194: {  	v15 =	vmul.u32 $0x48, v15  }
0x195: {  	v14 =	vand.u32 $0x7, v14  }
0x196: {  	v14 =	vor.u32 v14, v15  }
0x197: {  	v15 =	vperm.xlane v14, v8;
	_ =	sdelay $0x1  }
0x198: {  	v15 =	vadd.s32 v9, v15;
	_ =	sdelay $0x4  }
0x199: {  	[hbm4b:s5+s2] =	stream.indirect_vreg.scatter [tilespmem:s24], [sflag:$0x7], $0x80, v15, vm5, $0xb8;
	[tilespmem:$0x12880] =	vst v63  }
0x19a: {  	s7 =	simm.s32 $0xA000  }
0x19b: {  	[hbm4b:s13+s2] =	stream.indirect_vreg.scatter [tilespmem:s7], [sflag:$0x7], $0x80, v15, vm5, $0xb8;
	[tilespmem:$0x12880] =	vst v63  }
0x19c: {  	s8 =	simm.s32 $0xA800;
	v14 =	vperm.xlane v14, v13  }
0x19d: {  	[hbm4b:s14+s2] =	stream.indirect_vreg.scatter [tilespmem:s8], [sflag:$0x7], $0x80, v15, vm5, $0xb8;
	[tilespmem:$0x12880] =	vst v63  }
0x19e: {  	v14 =	vadd.s32 v9, v14;
	s7 =	simm.s32 $0xB000  }
0x19f: {  	[hbm4b:s15+s2] =	stream.indirect_vreg.scatter [tilespmem:s7], [sflag:$0x7], $0x80, v15, vm5, $0xb8;
	[tilespmem:$0x12880] =	vst v63  }
0x1a0: {  	s8 =	simm.s32 $0xB800  }
0x1a1: {  	[hbm4b:s16+s2] =	stream.indirect_vreg.scatter [tilespmem:s8], [sflag:$0x7], $0x80, v15, vm6, $0xb8;
	[tilespmem:$0x12880] =	vst v63  }
0x1a2: {  	_ = 	snop  }
0x1a3: {  	[hbm4b:s5+s2] =	stream.indirect_vreg.scatter [tilespmem:s29], [sflag:$0x7], $0x80, v14, vm5, $0xb8;
	[tilespmem:$0x12880] =	vst v63  }
0x1a4: {  	s7 =	simm.s32 $0xC400  }
0x1a5: {  	[hbm4b:s13+s2] =	stream.indirect_vreg.scatter [tilespmem:s7], [sflag:$0x7], $0x80, v14, vm5, $0xb8;
	[tilespmem:$0x12880] =	vst v63  }
0x1a6: {  	s8 =	simm.s32 $0xCC00  }
0x1a7: {  	[hbm4b:s14+s2] =	stream.indirect_vreg.scatter [tilespmem:s8], [sflag:$0x7], $0x80, v14, vm5, $0xb8;
	[tilespmem:$0x12880] =	vst v63  }
0x1a8: {  	p1 =	seq.s32 s12, $0xFC00;
	s7 =	simm.s32 $0xD400  }
0x1a9: {  	[hbm4b:s15+s2] =	stream.indirect_vreg.scatter [tilespmem:s7], [sflag:$0x7], $0x80, v14, vm5, $0xb8;
	[tilespmem:$0x12880] =	vst v63  }
0x1aa: {  	s1 =	simm.s32 @!p1 $0x5;
	s8 =	simm.s32 $0xDC00  }
0x1ab: {  	[hbm4b:s16+s2] =	stream.indirect_vreg.scatter [tilespmem:s8], [sflag:$0x7], $0x80, v14, vm6, $0xb8;
	[tilespmem:$0x12880] =	vst v63  }
0x1ac: {  	_ =	swait.ge @!p1 [sflag:s1], $0x4800  }
0x1ad: {  	s7 =	simm.s32 @!p1 $0x0;
	[sflag:s1] =	ssyncset.done @!p1 $0x0  }
0x1ae: {  	s8 =	simm.s32 @!p1 $0x800;
	[sflag:s1] =	ssyncadd.s32 @!p1 $0xFFFFB800;
	s1 =	sadd.s32 @!p1 s12, s18  }
0x1af: {  	[tilespmem:s8], [sflag:$0x1] =	stream.linear.gather @!p1 [hbm4b:s1+s7], $0x2000, $0x38;
	[tilespmem:$0x12880] =	vst v63  }
0x1b0: {  	s1 =	sadd.s32 @!p1 $0x480, s1;
	s8 =	simm.s32 @!p1 $0x2C00  }
0x1b1: {  	[tilespmem:s8], [sflag:$0x1] =	stream.linear.gather @!p1 [hbm4b:s1+s7], $0x2000, $0x38;
	[tilespmem:$0x12880] =	vst v63  }
0x1b2: {  	_ =	swait.ge [sflag:s10], $0x4000  }
0x1b3: {  	[sflag:s10] =	ssyncset.done $0x0  }
0x1b4: {  	[sflag:s10] =	ssyncadd.s32 $0xFFFFC000  }
0x1b5: {  	v14 =	vld [tilespmem:s3+$0x10];
	_ =	sdelay $0x4  }
0x1b6: {  	[tilespmem:v12+s28+$0x0] =	vst.idx.msk $0xffff, v14  }
0x1b7: {  	v14 =	vld [tilespmem:s6+$0x10];
	_ =	sdelay $0x4  }
0x1b8: {  	v15 =	vshrl.u32 v14, $0x3  }
0x1b9: {  	v15 =	vmul.u32 $0x48, v15  }
0x1ba: {  	v14 =	vand.u32 $0x7, v14  }
0x1bb: {  	v14 =	vor.u32 v14, v15  }
0x1bc: {  	v15 =	vperm.xlane v14, v8;
	_ =	sdelay $0x1  }
0x1bd: {  	v15 =	vadd.s32 v9, v15;
	_ =	sdelay $0x4  }
0x1be: {  	[hbm4b:s5+s2] =	stream.indirect_vreg.scatter [tilespmem:s30], [sflag:$0x8], $0x80, v15, vm5, $0xb8;
	[tilespmem:$0x12880] =	vst v63  }
0x1bf: {  	s7 =	simm.s32 $0xE800  }
0x1c0: {  	[hbm4b:s13+s2] =	stream.indirect_vreg.scatter [tilespmem:s7], [sflag:$0x8], $0x80, v15, vm5, $0xb8;
	[tilespmem:$0x12880] =	vst v63  }
0x1c1: {  	s8 =	simm.s32 $0xF000;
	v14 =	vperm.xlane v14, v13  }
0x1c2: {  	[hbm4b:s14+s2] =	stream.indirect_vreg.scatter [tilespmem:s8], [sflag:$0x8], $0x80, v15, vm5, $0xb8;
	[tilespmem:$0x12880] =	vst v63  }
0x1c3: {  	v14 =	vadd.s32 v9, v14;
	s7 =	simm.s32 $0xF800  }
0x1c4: {  	[hbm4b:s15+s2] =	stream.indirect_vreg.scatter [tilespmem:s7], [sflag:$0x8], $0x80, v15, vm5, $0xb8;
	[tilespmem:$0x12880] =	vst v63  }
0x1c5: {  	s8 =	simm.s32 $0x10000  }
0x1c6: {  	[hbm4b:s16+s2] =	stream.indirect_vreg.scatter [tilespmem:s8], [sflag:$0x8], $0x80, v15, vm6, $0xb8;
	[tilespmem:$0x12880] =	vst v63  }
0x1c7: {  	_ = 	snop  }
0x1c8: {  	[hbm4b:s5+s2] =	stream.indirect_vreg.scatter [tilespmem:s31], [sflag:$0x8], $0x80, v14, vm5, $0xb8;
	[tilespmem:$0x12880] =	vst v63  }
0x1c9: {  	s7 =	simm.s32 $0x10C00  }
0x1ca: {  	[hbm4b:s13+s2] =	stream.indirect_vreg.scatter [tilespmem:s7], [sflag:$0x8], $0x80, v14, vm5, $0xb8;
	[tilespmem:$0x12880] =	vst v63  }
0x1cb: {  	s8 =	simm.s32 $0x11400  }
0x1cc: {  	[hbm4b:s14+s2] =	stream.indirect_vreg.scatter [tilespmem:s8], [sflag:$0x8], $0x80, v14, vm5, $0xb8;
	[tilespmem:$0x12880] =	vst v63  }
.Ltmp6:
0x1cd: {  	_ = 	snop;
	(pc) =	sbr.rel @p1 .LBB2_12-.Ltmp6, $4  }
0x1ce: {  	s7 =	simm.s32 $0x11C00  }
0x1cf: {  	[hbm4b:s15+s2] =	stream.indirect_vreg.scatter [tilespmem:s7], [sflag:$0x8], $0x80, v14, vm5, $0xb8;
	[tilespmem:$0x12880] =	vst v63  }
0x1d0: {  	s8 =	simm.s32 $0x12400  }
0x1d1: {  	[hbm4b:s16+s2] =	stream.indirect_vreg.scatter [tilespmem:s8], [sflag:$0x8], $0x80, v14, vm6, $0xb8;
	[tilespmem:$0x12880] =	vst v63  }
0x1d2: {  	_ =	swait.ge [sflag:s25], $0x4800  }
.Ltmp7:
0x1d3: {  	s1 =	sadd.s32 s12, s17;
	[sflag:s25] =	ssyncset.done $0x0;
	(pc) =	sbr.rel .LBB2_10-.Ltmp7, $4  }
0x1d4: {  	s12 =	sadd.s32 $0x2400, s12;
	s0 =	sadd.s32 $0x4, s0;
	[sflag:s25] =	ssyncadd.s32 $0xFFFFB800  }
0x1d5: {  	[tilespmem:s22], [sflag:$0x2] =	stream.linear.gather [hbm4b:s1+s2], $0x2000, $0x38;
	[tilespmem:$0x12880] =	vst v63  }
0x1d6: {  	s3 =	sadd.s32 $0x40, s3;
	s6 =	sadd.s32 $0x40, s6;
	s1 =	sadd.s32 $0x480, s1  }
0x1d7: {  	[tilespmem:s23], [sflag:$0x2] =	stream.linear.gather [hbm4b:s1+s2], $0x2000, $0x38;
	[tilespmem:$0x12880] =	vst v63  }
.LBB2_13:
0x1d8: {  	_ =	sfence.sel $0x180000  }
0x1d9: {  	[bflag:$0x0] =	sbarrier.arrive $0xFFFF  }
0x1da: {  	_ =	strace $0x9000004A  }
0x1db: {  	s0 =	stileid.u32;
	[bflag:$0x2] =	sbarrier.arrive $0xFFFF  }
0x1dc: {  	p0 =	sne.s32 s0, $0x0;
	s0 =	rddreg [dreg:$0x1]  }
0x1dd: {  	s0 =	sadd.s32 @!p0 $0x100000, s0  }
0x1de: {  	[sflag:s0] =	ssyncadd.tile.s32 @!p0 $0x1;
	_ =	shalt  }
.Lfunc_end2:
_tile_overlayer_lowered:
.L_overlay_start_2:
0x1df: {  	(tag) =	ssettag $0x2  }
0x1e0: {  	s0 =	rddreg [dreg:$0x0];
	s2 =	stileid.u32  }
0x1e1: {  	s1 =	rddreg [dreg:$0x1];
	p0 =	sne.s32 s2, $0x0  }
0x1e2: {  	s3 =	rddreg [dreg:$0x2];
	[bflag:$0x3] =	sbarrier.arrive $0xFFFF;
	s2 =	simm.s32 @!p0 $0x1C09  }
0x1e3: {  	[timem:s3], [sflag:s2] =	dma.local @!p0 [hbm:s0], s1  }
0x1e4: {  	s0 =	simm.s32 @!p0 $0x9  }
0x1e5: {  	_ =	swait.ge @!p0 [sflag:s0], s1  }
0x1e6: {  	s1 =	ssub.s32 @!p0 $0x0, s1;
	[sflag:s0] =	ssyncset.done @!p0 $0x0  }
0x1e7: {  	[sflag:s0] =	ssyncadd.s32 @!p0 s1  }
0x1e8: {  	[bflag:$0x3] =	sbarrier.arrive $0xFFFF  }
0x1e9: {  	_ =	shalt  }

</sc_bundles>
